<compile_context>
chip_gen: v7x
topology: tpu7x:2x2x1
jax: 0.10.2.dev20260603
libtpu: 0.0.44.dev20260713+nightly
codegen_flags: <defaults>
</compile_context>

<pallas_src>
import functools

import jax
import jax.numpy as jnp
from jax import lax
from jax.experimental import pallas as pl
from jax.experimental.pallas import tpu as pltpu
from jax.experimental.pallas import tpu_sc as plsc

VOCAB = 100000
EMBED_DIM = 128
BATCH = 4096
HIST = 50
NUM_WORKERS = 32
B_PER_W = BATCH // NUM_WORKERS
CHUNK = 64
NCHUNK = HIST * 2
NBUF = 10
GROUPS = NCHUNK // NBUF
TAIL = NCHUNK - GROUPS * NBUF


def _make_gather():
    mesh = plsc.VectorSubcoreMesh(core_axis_name="c", subcore_axis_name="s")

    scratch = [pltpu.VMEM((HIST, B_PER_W), jnp.int32)]
    scratch += [
        pltpu.VMEM((CHUNK, EMBED_DIM), jnp.float32) for _ in range(NBUF)
    ]
    scratch += [pltpu.SemaphoreType.DMA for _ in range(2 * NBUF + 1)]

    @functools.partial(
        pl.kernel,
        mesh=mesh,
        out_type=jax.ShapeDtypeStruct((HIST, BATCH, EMBED_DIM), jnp.float32),
        scratch_types=scratch,
    )
    def gather_kernel(idx_hbm, table_hbm, out_hbm, idx_v, *bufs_and_sems):
        bufs = bufs_and_sems[:NBUF]
        gsem = bufs_and_sems[NBUF:2 * NBUF]
        psem = bufs_and_sems[2 * NBUF:3 * NBUF]
        isem = bufs_and_sems[3 * NBUF]
        wid = lax.axis_index("s") * 2 + lax.axis_index("c")
        cbase = wid * B_PER_W
        pltpu.sync_copy(
            idx_hbm.at[pl.ds(0, 8), pl.ds(cbase, B_PER_W)],
            idx_v.at[pl.ds(0, 8)],
        )
        idx_rest = pltpu.async_copy(
            idx_hbm.at[pl.ds(8, HIST - 8), pl.ds(cbase, B_PER_W)],
            idx_v.at[pl.ds(8, HIST - 8)],
            isem,
        )

        def _slices(c):
            l = c // 2
            h = (c % 2) * CHUNK
            return l, h

        def fire_gather(c, s):
            l, h = _slices(c)
            pltpu.async_copy(
                table_hbm.at[idx_v.at[l, pl.ds(h, CHUNK)]], bufs[s], gsem[s]
            )

        def wait_gather(c, s):
            l, h = _slices(c)
            pltpu.make_async_copy(
                table_hbm.at[idx_v.at[l, pl.ds(h, CHUNK)]], bufs[s], gsem[s]
            ).wait()

        def fire_put(c, s):
            l, h = _slices(c)
            pltpu.async_copy(
                bufs[s], out_hbm.at[l, pl.ds(cbase + h, CHUNK)], psem[s]
            )

        def wait_put(c, s):
            l, h = _slices(c)
            pltpu.make_async_copy(
                bufs[s], out_hbm.at[l, pl.ds(cbase + h, CHUNK)], psem[s]
            ).wait()

        for s in range(NBUF):
            fire_gather(s, s)
        idx_rest.wait()

        def body(g, carry):
            for s in range(NBUF):
                l = g * NBUF + s
                wait_gather(l, s)
                fire_put(l, s)
            for s in range(NBUF):
                l = g * NBUF + s
                wait_put(l, s)
                fire_gather((g + 1) * NBUF + s, s)
            return carry

        lax.fori_loop(0, GROUPS - 1, body, 0)

        g = GROUPS - 1
        for s in range(NBUF):
            l = g * NBUF + s
            wait_gather(l, s)
            fire_put(l, s)
        for s in range(NBUF):
            wait_put(g * NBUF + s, s)
        for t in range(TAIL):
            fire_gather(GROUPS * NBUF + t, t)
        for t in range(TAIL):
            l = GROUPS * NBUF + t
            wait_gather(l, t)
            fire_put(l, t)
        for t in range(TAIL):
            wait_put(GROUPS * NBUF + t, t)

    return gather_kernel


_gather = _make_gather()


def kernel(vocab_id_list, table):
    idx_t = vocab_id_list.T
    out_t = _gather(idx_t, table)
    return out_t.transpose(1, 0, 2)

# --- scband reference (transcript-rebuilt; emitter-appended) ---
"""Pipeline reference for scband-embedding-layer-15814069583896 (READ-ONLY COPY).

The authoritative reference and input builder live on the scoring server;
editing this copy changes nothing except your own understanding.
"""

import jax, jax.numpy as jnp
import numpy as np

VOCAB = 100000
EMBED_DIM = 128
BATCH = 4096
HIST = 50


def setup_inputs(seed: int = 0) -> dict:
    key = jax.random.key(seed)
    k_idx, k_tab = jax.random.split(key)
    vocab_id_list = jax.random.randint(k_idx, (BATCH, HIST), 0, VOCAB, dtype=jnp.int64 if jax.config.jax_enable_x64 else jnp.int32)
    # kaiming_uniform-like init for the embedding table (fan_in = EMBED_DIM)
    bound = float(np.sqrt(6.0 / EMBED_DIM))
    table = jax.random.uniform(k_tab, (VOCAB, EMBED_DIM), dtype=jnp.float32, minval=-bound, maxval=bound)
    return {"vocab_id_list": vocab_id_list, "table": table}


def reference(vocab_id_list, table):
    # embedding lookup: (B, L) -> (B, L, D)
    embedding = jnp.take(table, vocab_id_list, axis=0)
    # dropout p=0.0 (eval / config dropout=0.0) -> identity
    return embedding

if __name__ == "__main__":
    import jax
    _d = setup_inputs()
    print(jax.jit(kernel)(*tuple(_d.values())))

</pallas_src>

<mosaic_0001>
#map = affine_map<(d0, d1) -> (0, 0)>
#map1 = affine_map<(d0, d1) -> (0, 0, 0)>
module attributes {stable_mosaic.version = 14 : i64} {
  func.func @gather_kernel(%arg0: i32, %arg1: i32, %arg2: memref<50x4096xi32, #tpu.memory_space<hbm>>, %arg3: memref<100000x128xf32, #tpu.memory_space<hbm>>, %arg4: memref<50x4096x128xf32, #tpu.memory_space<hbm>>, %arg5: memref<50x128xi32, #tpu.memory_space<vmem>>, %arg6: memref<64x128xf32, #tpu.memory_space<vmem>>, %arg7: memref<64x128xf32, #tpu.memory_space<vmem>>, %arg8: memref<64x128xf32, #tpu.memory_space<vmem>>, %arg9: memref<64x128xf32, #tpu.memory_space<vmem>>, %arg10: memref<64x128xf32, #tpu.memory_space<vmem>>, %arg11: memref<64x128xf32, #tpu.memory_space<vmem>>, %arg12: memref<64x128xf32, #tpu.memory_space<vmem>>, %arg13: memref<64x128xf32, #tpu.memory_space<vmem>>, %arg14: memref<64x128xf32, #tpu.memory_space<vmem>>, %arg15: memref<64x128xf32, #tpu.memory_space<vmem>>, %arg16: memref<!tpu.dma_semaphore, #tpu.memory_space<semaphore_mem>>, %arg17: memref<!tpu.dma_semaphore, #tpu.memory_space<semaphore_mem>>, %arg18: memref<!tpu.dma_semaphore, #tpu.memory_space<semaphore_mem>>, %arg19: memref<!tpu.dma_semaphore, #tpu.memory_space<semaphore_mem>>, %arg20: memref<!tpu.dma_semaphore, #tpu.memory_space<semaphore_mem>>, %arg21: memref<!tpu.dma_semaphore, #tpu.memory_space<semaphore_mem>>, %arg22: memref<!tpu.dma_semaphore, #tpu.memory_space<semaphore_mem>>, %arg23: memref<!tpu.dma_semaphore, #tpu.memory_space<semaphore_mem>>, %arg24: memref<!tpu.dma_semaphore, #tpu.memory_space<semaphore_mem>>, %arg25: memref<!tpu.dma_semaphore, #tpu.memory_space<semaphore_mem>>, %arg26: memref<!tpu.dma_semaphore, #tpu.memory_space<semaphore_mem>>, %arg27: memref<!tpu.dma_semaphore, #tpu.memory_space<semaphore_mem>>, %arg28: memref<!tpu.dma_semaphore, #tpu.memory_space<semaphore_mem>>, %arg29: memref<!tpu.dma_semaphore, #tpu.memory_space<semaphore_mem>>, %arg30: memref<!tpu.dma_semaphore, #tpu.memory_space<semaphore_mem>>, %arg31: memref<!tpu.dma_semaphore, #tpu.memory_space<semaphore_mem>>, %arg32: memref<!tpu.dma_semaphore, #tpu.memory_space<semaphore_mem>>, %arg33: memref<!tpu.dma_semaphore, #tpu.memory_space<semaphore_mem>>, %arg34: memref<!tpu.dma_semaphore, #tpu.memory_space<semaphore_mem>>, %arg35: memref<!tpu.dma_semaphore, #tpu.memory_space<semaphore_mem>>, %arg36: memref<!tpu.dma_semaphore, #tpu.memory_space<semaphore_mem>>) attributes {dimension_semantics = [#tpu.dimension_semantics<core_parallel>, #tpu.dimension_semantics<subcore_parallel>], iteration_bounds = array<i64: 2, 16>, scalar_prefetch = 0 : i64, scratch_operands = 32 : i64, tpu.core_type = #tpu.core_type<sc_vector_subcore>, window_params = [{transform_indices = #map}, {transform_indices = #map}, {transform_indices = #map1}]} {
    %mul3A = arith.constant 2 : i32
    %mul3A_0 = arith.muli %arg1, %mul3A : i32
    %add3A = arith.addi %mul3A_0, %arg0 : i32
    %mul3A_1 = arith.constant 128 : i32
    %mul3A_2 = arith.muli %add3A, %mul3A_1 : i32
    "tpu.region"() ({
      %run_scoped3A = tpu.sem_alloc : memref<!tpu.dma_semaphore, #tpu.memory_space<semaphore_mem>>
      %dma_start3A_346 = arith.constant 0 : i32
      %dma_start3A_347 = arith.constant 0 : i32
      %dma_start3A_348 = tpu.memref_slice %arg5[%dma_start3A_346, %dma_start3A_347] : memref<50x128xi32, #tpu.memory_space<vmem>> -> memref<8x128xi32, #tpu.memory_space<vmem>>
      %dma_start3A_349 = arith.constant 0 : i32
      %dma_start3A_350 = tpu.memref_slice %arg2[%dma_start3A_349, %mul3A_2] : memref<50x4096xi32, #tpu.memory_space<hbm>> -> memref<8x128xi32, #tpu.memory_space<hbm>>
      %dma_start3A_351 = arith.constant 0 : i32
      %dma_start3A_352 = arith.constant 0 : i32
      %dma_start3A_353 = tpu.memref_slice %arg5[%dma_start3A_351, %dma_start3A_352] : memref<50x128xi32, #tpu.memory_space<vmem>> -> memref<8x128xi32, #tpu.memory_space<vmem>>
      %dma_start3A_354 = arith.constant 0 : i32
      %dma_start3A_355 = tpu.memref_slice %arg2[%dma_start3A_354, %mul3A_2] : memref<50x4096xi32, #tpu.memory_space<hbm>> -> memref<8x128xi32, #tpu.memory_space<hbm>>
      tpu.enqueue_dma source(%dma_start3A_355 : memref<8x128xi32, #tpu.memory_space<hbm>>) target(%dma_start3A_353 : memref<8x128xi32, #tpu.memory_space<vmem>>) target_semaphore(%run_scoped3A : memref<!tpu.dma_semaphore, #tpu.memory_space<semaphore_mem>>)
      %dma_wait3A_356 = arith.constant 0 : i32
      %dma_wait3A_357 = arith.constant 0 : i32
      %dma_wait3A_358 = tpu.memref_slice %arg5[%dma_wait3A_356, %dma_wait3A_357] : memref<50x128xi32, #tpu.memory_space<vmem>> -> memref<8x128xi32, #tpu.memory_space<vmem>>
      %dma_wait3A_359 = arith.constant 0 : i32
      %dma_wait3A_360 = tpu.memref_slice %arg2[%dma_wait3A_359, %mul3A_2] : memref<50x4096xi32, #tpu.memory_space<hbm>> -> memref<8x128xi32, #tpu.memory_space<hbm>>
      %dma_wait3A_361 = arith.constant 0 : i32
      %dma_wait3A_362 = arith.constant 0 : i32
      %dma_wait3A_363 = tpu.memref_slice %arg5[%dma_wait3A_361, %dma_wait3A_362] : memref<50x128xi32, #tpu.memory_space<vmem>> -> memref<8x128xi32, #tpu.memory_space<vmem>>
      %dma_wait3A_364 = arith.constant 0 : i32
      %dma_wait3A_365 = tpu.memref_slice %arg2[%dma_wait3A_364, %mul3A_2] : memref<50x4096xi32, #tpu.memory_space<hbm>> -> memref<8x128xi32, #tpu.memory_space<hbm>>
      tpu.wait_dma2 semaphore(%run_scoped3A : memref<!tpu.dma_semaphore, #tpu.memory_space<semaphore_mem>>) src(%dma_wait3A_365 : memref<8x128xi32, #tpu.memory_space<hbm>>) dst(%dma_wait3A_363 : memref<8x128xi32, #tpu.memory_space<vmem>>)
      tpu.yield
    }) : () -> ()
    %dma_start3A = arith.constant 8 : i32
    %dma_start3A_3 = arith.constant 0 : i32
    %dma_start3A_4 = tpu.memref_slice %arg5[%dma_start3A, %dma_start3A_3] : memref<50x128xi32, #tpu.memory_space<vmem>> -> memref<42x128xi32, #tpu.memory_space<vmem>>
    %dma_start3A_5 = arith.constant 8 : i32
    %dma_start3A_6 = tpu.memref_slice %arg2[%dma_start3A_5, %mul3A_2] : memref<50x4096xi32, #tpu.memory_space<hbm>> -> memref<42x128xi32, #tpu.memory_space<hbm>>
    %dma_start3A_7 = arith.constant 8 : i32
    %dma_start3A_8 = arith.constant 0 : i32
    %dma_start3A_9 = tpu.memref_slice %arg5[%dma_start3A_7, %dma_start3A_8] : memref<50x128xi32, #tpu.memory_space<vmem>> -> memref<42x128xi32, #tpu.memory_space<vmem>>
    %dma_start3A_10 = arith.constant 8 : i32
    %dma_start3A_11 = tpu.memref_slice %arg2[%dma_start3A_10, %mul3A_2] : memref<50x4096xi32, #tpu.memory_space<hbm>> -> memref<42x128xi32, #tpu.memory_space<hbm>>
    tpu.enqueue_dma source(%dma_start3A_11 : memref<42x128xi32, #tpu.memory_space<hbm>>) target(%dma_start3A_9 : memref<42x128xi32, #tpu.memory_space<vmem>>) target_semaphore(%arg36 : memref<!tpu.dma_semaphore, #tpu.memory_space<semaphore_mem>>)
    %dma_start3A_12 = arith.constant 0 : i32
    %dma_start3A_13 = arith.constant 0 : i32
    %dma_start3A_14 = tpu.memref_slice %arg5[%dma_start3A_12, %dma_start3A_13] : memref<50x128xi32, #tpu.memory_space<vmem>> -> memref<1x64xi32, #tpu.memory_space<vmem>>
    %dma_start3A_15 = tpu.memref_squeeze %dma_start3A_14 : memref<1x64xi32, #tpu.memory_space<vmem>> -> memref<64xi32, #tpu.memory_space<vmem>>
    %dma_start3A_16 = arith.constant 0 : i32
    %dma_start3A_17 = arith.constant 0 : i32
    %dma_start3A_18 = tpu.memref_slice %arg3[%dma_start3A_16, %dma_start3A_17] : memref<100000x128xf32, #tpu.memory_space<hbm>> -> memref<100000x128xf32, #tpu.memory_space<hbm>>
    tpu.enqueue_indirect_dma source(%dma_start3A_18 : memref<100000x128xf32, #tpu.memory_space<hbm>>) target(%arg6 : memref<64x128xf32, #tpu.memory_space<vmem>>) offsets(%dma_start3A_15 : memref<64xi32, #tpu.memory_space<vmem>>) semaphore(%arg16 : memref<!tpu.dma_semaphore, #tpu.memory_space<semaphore_mem>>)
    %dma_start3A_19 = arith.constant 0 : i32
    %dma_start3A_20 = arith.constant 64 : i32
    %dma_start3A_21 = tpu.memref_slice %arg5[%dma_start3A_19, %dma_start3A_20] : memref<50x128xi32, #tpu.memory_space<vmem>> -> memref<1x64xi32, #tpu.memory_space<vmem>>
    %dma_start3A_22 = tpu.memref_squeeze %dma_start3A_21 : memref<1x64xi32, #tpu.memory_space<vmem>> -> memref<64xi32, #tpu.memory_space<vmem>>
    %dma_start3A_23 = arith.constant 0 : i32
    %dma_start3A_24 = arith.constant 0 : i32
    %dma_start3A_25 = tpu.memref_slice %arg3[%dma_start3A_23, %dma_start3A_24] : memref<100000x128xf32, #tpu.memory_space<hbm>> -> memref<100000x128xf32, #tpu.memory_space<hbm>>
    tpu.enqueue_indirect_dma source(%dma_start3A_25 : memref<100000x128xf32, #tpu.memory_space<hbm>>) target(%arg7 : memref<64x128xf32, #tpu.memory_space<vmem>>) offsets(%dma_start3A_22 : memref<64xi32, #tpu.memory_space<vmem>>) semaphore(%arg17 : memref<!tpu.dma_semaphore, #tpu.memory_space<semaphore_mem>>)
    %dma_start3A_26 = arith.constant 1 : i32
    %dma_start3A_27 = arith.constant 0 : i32
    %dma_start3A_28 = tpu.memref_slice %arg5[%dma_start3A_26, %dma_start3A_27] : memref<50x128xi32, #tpu.memory_space<vmem>> -> memref<1x64xi32, #tpu.memory_space<vmem>>
    %dma_start3A_29 = tpu.memref_squeeze %dma_start3A_28 : memref<1x64xi32, #tpu.memory_space<vmem>> -> memref<64xi32, #tpu.memory_space<vmem>>
    %dma_start3A_30 = arith.constant 0 : i32
    %dma_start3A_31 = arith.constant 0 : i32
    %dma_start3A_32 = tpu.memref_slice %arg3[%dma_start3A_30, %dma_start3A_31] : memref<100000x128xf32, #tpu.memory_space<hbm>> -> memref<100000x128xf32, #tpu.memory_space<hbm>>
    tpu.enqueue_indirect_dma source(%dma_start3A_32 : memref<100000x128xf32, #tpu.memory_space<hbm>>) target(%arg8 : memref<64x128xf32, #tpu.memory_space<vmem>>) offsets(%dma_start3A_29 : memref<64xi32, #tpu.memory_space<vmem>>) semaphore(%arg18 : memref<!tpu.dma_semaphore, #tpu.memory_space<semaphore_mem>>)
    %dma_start3A_33 = arith.constant 1 : i32
    %dma_start3A_34 = arith.constant 64 : i32
    %dma_start3A_35 = tpu.memref_slice %arg5[%dma_start3A_33, %dma_start3A_34] : memref<50x128xi32, #tpu.memory_space<vmem>> -> memref<1x64xi32, #tpu.memory_space<vmem>>
    %dma_start3A_36 = tpu.memref_squeeze %dma_start3A_35 : memref<1x64xi32, #tpu.memory_space<vmem>> -> memref<64xi32, #tpu.memory_space<vmem>>
    %dma_start3A_37 = arith.constant 0 : i32
    %dma_start3A_38 = arith.constant 0 : i32
    %dma_start3A_39 = tpu.memref_slice %arg3[%dma_start3A_37, %dma_start3A_38] : memref<100000x128xf32, #tpu.memory_space<hbm>> -> memref<100000x128xf32, #tpu.memory_space<hbm>>
    tpu.enqueue_indirect_dma source(%dma_start3A_39 : memref<100000x128xf32, #tpu.memory_space<hbm>>) target(%arg9 : memref<64x128xf32, #tpu.memory_space<vmem>>) offsets(%dma_start3A_36 : memref<64xi32, #tpu.memory_space<vmem>>) semaphore(%arg19 : memref<!tpu.dma_semaphore, #tpu.memory_space<semaphore_mem>>)
    %dma_start3A_40 = arith.constant 2 : i32
    %dma_start3A_41 = arith.constant 0 : i32
    %dma_start3A_42 = tpu.memref_slice %arg5[%dma_start3A_40, %dma_start3A_41] : memref<50x128xi32, #tpu.memory_space<vmem>> -> memref<1x64xi32, #tpu.memory_space<vmem>>
    %dma_start3A_43 = tpu.memref_squeeze %dma_start3A_42 : memref<1x64xi32, #tpu.memory_space<vmem>> -> memref<64xi32, #tpu.memory_space<vmem>>
    %dma_start3A_44 = arith.constant 0 : i32
    %dma_start3A_45 = arith.constant 0 : i32
    %dma_start3A_46 = tpu.memref_slice %arg3[%dma_start3A_44, %dma_start3A_45] : memref<100000x128xf32, #tpu.memory_space<hbm>> -> memref<100000x128xf32, #tpu.memory_space<hbm>>
    tpu.enqueue_indirect_dma source(%dma_start3A_46 : memref<100000x128xf32, #tpu.memory_space<hbm>>) target(%arg10 : memref<64x128xf32, #tpu.memory_space<vmem>>) offsets(%dma_start3A_43 : memref<64xi32, #tpu.memory_space<vmem>>) semaphore(%arg20 : memref<!tpu.dma_semaphore, #tpu.memory_space<semaphore_mem>>)
    %dma_start3A_47 = arith.constant 2 : i32
    %dma_start3A_48 = arith.constant 64 : i32
    %dma_start3A_49 = tpu.memref_slice %arg5[%dma_start3A_47, %dma_start3A_48] : memref<50x128xi32, #tpu.memory_space<vmem>> -> memref<1x64xi32, #tpu.memory_space<vmem>>
    %dma_start3A_50 = tpu.memref_squeeze %dma_start3A_49 : memref<1x64xi32, #tpu.memory_space<vmem>> -> memref<64xi32, #tpu.memory_space<vmem>>
    %dma_start3A_51 = arith.constant 0 : i32
    %dma_start3A_52 = arith.constant 0 : i32
    %dma_start3A_53 = tpu.memref_slice %arg3[%dma_start3A_51, %dma_start3A_52] : memref<100000x128xf32, #tpu.memory_space<hbm>> -> memref<100000x128xf32, #tpu.memory_space<hbm>>
    tpu.enqueue_indirect_dma source(%dma_start3A_53 : memref<100000x128xf32, #tpu.memory_space<hbm>>) target(%arg11 : memref<64x128xf32, #tpu.memory_space<vmem>>) offsets(%dma_start3A_50 : memref<64xi32, #tpu.memory_space<vmem>>) semaphore(%arg21 : memref<!tpu.dma_semaphore, #tpu.memory_space<semaphore_mem>>)
    %dma_start3A_54 = arith.constant 3 : i32
    %dma_start3A_55 = arith.constant 0 : i32
    %dma_start3A_56 = tpu.memref_slice %arg5[%dma_start3A_54, %dma_start3A_55] : memref<50x128xi32, #tpu.memory_space<vmem>> -> memref<1x64xi32, #tpu.memory_space<vmem>>
    %dma_start3A_57 = tpu.memref_squeeze %dma_start3A_56 : memref<1x64xi32, #tpu.memory_space<vmem>> -> memref<64xi32, #tpu.memory_space<vmem>>
    %dma_start3A_58 = arith.constant 0 : i32
    %dma_start3A_59 = arith.constant 0 : i32
    %dma_start3A_60 = tpu.memref_slice %arg3[%dma_start3A_58, %dma_start3A_59] : memref<100000x128xf32, #tpu.memory_space<hbm>> -> memref<100000x128xf32, #tpu.memory_space<hbm>>
    tpu.enqueue_indirect_dma source(%dma_start3A_60 : memref<100000x128xf32, #tpu.memory_space<hbm>>) target(%arg12 : memref<64x128xf32, #tpu.memory_space<vmem>>) offsets(%dma_start3A_57 : memref<64xi32, #tpu.memory_space<vmem>>) semaphore(%arg22 : memref<!tpu.dma_semaphore, #tpu.memory_space<semaphore_mem>>)
    %dma_start3A_61 = arith.constant 3 : i32
    %dma_start3A_62 = arith.constant 64 : i32
    %dma_start3A_63 = tpu.memref_slice %arg5[%dma_start3A_61, %dma_start3A_62] : memref<50x128xi32, #tpu.memory_space<vmem>> -> memref<1x64xi32, #tpu.memory_space<vmem>>
    %dma_start3A_64 = tpu.memref_squeeze %dma_start3A_63 : memref<1x64xi32, #tpu.memory_space<vmem>> -> memref<64xi32, #tpu.memory_space<vmem>>
    %dma_start3A_65 = arith.constant 0 : i32
    %dma_start3A_66 = arith.constant 0 : i32
    %dma_start3A_67 = tpu.memref_slice %arg3[%dma_start3A_65, %dma_start3A_66] : memref<100000x128xf32, #tpu.memory_space<hbm>> -> memref<100000x128xf32, #tpu.memory_space<hbm>>
    tpu.enqueue_indirect_dma source(%dma_start3A_67 : memref<100000x128xf32, #tpu.memory_space<hbm>>) target(%arg13 : memref<64x128xf32, #tpu.memory_space<vmem>>) offsets(%dma_start3A_64 : memref<64xi32, #tpu.memory_space<vmem>>) semaphore(%arg23 : memref<!tpu.dma_semaphore, #tpu.memory_space<semaphore_mem>>)
    %dma_start3A_68 = arith.constant 4 : i32
    %dma_start3A_69 = arith.constant 0 : i32
    %dma_start3A_70 = tpu.memref_slice %arg5[%dma_start3A_68, %dma_start3A_69] : memref<50x128xi32, #tpu.memory_space<vmem>> -> memref<1x64xi32, #tpu.memory_space<vmem>>
    %dma_start3A_71 = tpu.memref_squeeze %dma_start3A_70 : memref<1x64xi32, #tpu.memory_space<vmem>> -> memref<64xi32, #tpu.memory_space<vmem>>
    %dma_start3A_72 = arith.constant 0 : i32
    %dma_start3A_73 = arith.constant 0 : i32
    %dma_start3A_74 = tpu.memref_slice %arg3[%dma_start3A_72, %dma_start3A_73] : memref<100000x128xf32, #tpu.memory_space<hbm>> -> memref<100000x128xf32, #tpu.memory_space<hbm>>
    tpu.enqueue_indirect_dma source(%dma_start3A_74 : memref<100000x128xf32, #tpu.memory_space<hbm>>) target(%arg14 : memref<64x128xf32, #tpu.memory_space<vmem>>) offsets(%dma_start3A_71 : memref<64xi32, #tpu.memory_space<vmem>>) semaphore(%arg24 : memref<!tpu.dma_semaphore, #tpu.memory_space<semaphore_mem>>)
    %dma_start3A_75 = arith.constant 4 : i32
    %dma_start3A_76 = arith.constant 64 : i32
    %dma_start3A_77 = tpu.memref_slice %arg5[%dma_start3A_75, %dma_start3A_76] : memref<50x128xi32, #tpu.memory_space<vmem>> -> memref<1x64xi32, #tpu.memory_space<vmem>>
    %dma_start3A_78 = tpu.memref_squeeze %dma_start3A_77 : memref<1x64xi32, #tpu.memory_space<vmem>> -> memref<64xi32, #tpu.memory_space<vmem>>
    %dma_start3A_79 = arith.constant 0 : i32
    %dma_start3A_80 = arith.constant 0 : i32
    %dma_start3A_81 = tpu.memref_slice %arg3[%dma_start3A_79, %dma_start3A_80] : memref<100000x128xf32, #tpu.memory_space<hbm>> -> memref<100000x128xf32, #tpu.memory_space<hbm>>
    tpu.enqueue_indirect_dma source(%dma_start3A_81 : memref<100000x128xf32, #tpu.memory_space<hbm>>) target(%arg15 : memref<64x128xf32, #tpu.memory_space<vmem>>) offsets(%dma_start3A_78 : memref<64xi32, #tpu.memory_space<vmem>>) semaphore(%arg25 : memref<!tpu.dma_semaphore, #tpu.memory_space<semaphore_mem>>)
    %dma_wait3A = arith.constant 8 : i32
    %dma_wait3A_82 = arith.constant 0 : i32
    %dma_wait3A_83 = tpu.memref_slice %arg5[%dma_wait3A, %dma_wait3A_82] : memref<50x128xi32, #tpu.memory_space<vmem>> -> memref<42x128xi32, #tpu.memory_space<vmem>>
    %dma_wait3A_84 = arith.constant 8 : i32
    %dma_wait3A_85 = tpu.memref_slice %arg2[%dma_wait3A_84, %mul3A_2] : memref<50x4096xi32, #tpu.memory_space<hbm>> -> memref<42x128xi32, #tpu.memory_space<hbm>>
    %dma_wait3A_86 = arith.constant 8 : i32
    %dma_wait3A_87 = arith.constant 0 : i32
    %dma_wait3A_88 = tpu.memref_slice %arg5[%dma_wait3A_86, %dma_wait3A_87] : memref<50x128xi32, #tpu.memory_space<vmem>> -> memref<42x128xi32, #tpu.memory_space<vmem>>
    %dma_wait3A_89 = arith.constant 8 : i32
    %dma_wait3A_90 = tpu.memref_slice %arg2[%dma_wait3A_89, %mul3A_2] : memref<50x4096xi32, #tpu.memory_space<hbm>> -> memref<42x128xi32, #tpu.memory_space<hbm>>
    tpu.wait_dma2 semaphore(%arg36 : memref<!tpu.dma_semaphore, #tpu.memory_space<semaphore_mem>>) src(%dma_wait3A_90 : memref<42x128xi32, #tpu.memory_space<hbm>>) dst(%dma_wait3A_88 : memref<42x128xi32, #tpu.memory_space<vmem>>)
    %scan3A = arith.constant 0 : i32
    %scan3A_91 = arith.constant 0 : i32
    %scan3A_92 = arith.constant 9 : i32
    %scan3A_93 = arith.addi %scan3A_91, %scan3A_92 : i32
    %scan3A_94 = arith.constant 1 : i32
    scf.for %scan3A_346 = %scan3A_91 to %scan3A_93 step %scan3A_94  : i32 {
      %mul3A_347 = arith.constant 10 : i32
      %mul3A_348 = arith.muli %scan3A_346, %mul3A_347 : i32
      %add3A_349 = arith.constant 0 : i32
      %add3A_350 = arith.addi %mul3A_348, %add3A_349 : i32
      %jit3A = arith.constant 2 : i32
      %div3A = arith.divsi %add3A_350, %jit3A : i32
      %sign3A = arith.constant 0 : i32
      %sign3A_351 = arith.cmpi sgt, %add3A_350, %sign3A : i32
      %sign3A_352 = arith.extui %sign3A_351 : i1 to i32
      %sign3A_353 = arith.constant 0 : i32
      %sign3A_354 = arith.cmpi slt, %add3A_350, %sign3A_353 : i32
      %sign3A_355 = arith.extui %sign3A_354 : i1 to i32
      %sign3A_356 = arith.subi %sign3A_352, %sign3A_355 : i32
      %sign3A_357 = arith.constant 0 : i32
      %sign3A_358 = arith.cmpi sgt, %jit3A, %sign3A_357 : i32
      %sign3A_359 = arith.extui %sign3A_358 : i1 to i32
      %sign3A_360 = arith.constant 0 : i32
      %sign3A_361 = arith.cmpi slt, %jit3A, %sign3A_360 : i32
      %sign3A_362 = arith.extui %sign3A_361 : i1 to i32
      %sign3A_363 = arith.subi %sign3A_359, %sign3A_362 : i32
      %ne3A = arith.cmpi ne, %sign3A_356, %sign3A_363 : i32
      %rem3A = arith.remsi %add3A_350, %jit3A : i32
      %ne3A_364 = arith.constant 0 : i32
      %ne3A_365 = arith.cmpi ne, %rem3A, %ne3A_364 : i32
      %and3A = arith.andi %ne3A, %ne3A_365 : i1
      %sub3A = arith.constant 1 : i32
      %sub3A_366 = arith.subi %div3A, %sub3A : i32
      %select_n3A = arith.select %and3A, %sub3A_366, %div3A : i32
      %jit3A_367 = arith.constant 2 : i32
      %eq3A = arith.constant 0 : i32
      %eq3A_368 = arith.cmpi eq, %jit3A_367, %eq3A : i32
      %jit3A_369 = arith.constant 1 : i32
      %select_n3A_370 = arith.select %eq3A_368, %jit3A_369, %jit3A_367 : i32
      %rem3A_371 = arith.remsi %add3A_350, %select_n3A_370 : i32
      %ne3A_372 = arith.constant 0 : i32
      %ne3A_373 = arith.cmpi ne, %rem3A_371, %ne3A_372 : i32
      %lt3A = arith.constant 0 : i32
      %lt3A_374 = arith.cmpi slt, %rem3A_371, %lt3A : i32
      %lt3A_375 = arith.constant 0 : i32
      %lt3A_376 = arith.cmpi slt, %select_n3A_370, %lt3A_375 : i32
      %ne3A_377 = arith.xori %lt3A_374, %lt3A_376 : i1
      %and3A_378 = arith.andi %ne3A_377, %ne3A_373 : i1
      %add3A_379 = arith.addi %rem3A_371, %select_n3A_370 : i32
      %select_n3A_380 = arith.select %and3A_378, %add3A_379, %rem3A_371 : i32
      %mul3A_381 = arith.constant 64 : i32
      %mul3A_382 = arith.muli %select_n3A_380, %mul3A_381 : i32
      %dma_wait3A_383 = tpu.memref_slice %arg5[%select_n3A, %mul3A_382] : memref<50x128xi32, #tpu.memory_space<vmem>> -> memref<1x64xi32, #tpu.memory_space<vmem>>
      %dma_wait3A_384 = tpu.memref_squeeze %dma_wait3A_383 : memref<1x64xi32, #tpu.memory_space<vmem>> -> memref<64xi32, #tpu.memory_space<vmem>>
      %dma_wait3A_385 = arith.constant 0 : i32
      %dma_wait3A_386 = arith.constant 0 : i32
      %dma_wait3A_387 = tpu.memref_slice %arg3[%dma_wait3A_385, %dma_wait3A_386] : memref<100000x128xf32, #tpu.memory_space<hbm>> -> memref<100000x128xf32, #tpu.memory_space<hbm>>
      tpu.wait_indirect_dma semaphore(%arg16 : memref<!tpu.dma_semaphore, #tpu.memory_space<semaphore_mem>>) src(%dma_wait3A_387 : memref<100000x128xf32, #tpu.memory_space<hbm>>) dst(%arg6 : memref<64x128xf32, #tpu.memory_space<vmem>>)
      %jit3A_388 = arith.constant 2 : i32
      %div3A_389 = arith.divsi %add3A_350, %jit3A_388 : i32
      %sign3A_390 = arith.constant 0 : i32
      %sign3A_391 = arith.cmpi sgt, %add3A_350, %sign3A_390 : i32
      %sign3A_392 = arith.extui %sign3A_391 : i1 to i32
      %sign3A_393 = arith.constant 0 : i32
      %sign3A_394 = arith.cmpi slt, %add3A_350, %sign3A_393 : i32
      %sign3A_395 = arith.extui %sign3A_394 : i1 to i32
      %sign3A_396 = arith.subi %sign3A_392, %sign3A_395 : i32
      %sign3A_397 = arith.constant 0 : i32
      %sign3A_398 = arith.cmpi sgt, %jit3A_388, %sign3A_397 : i32
      %sign3A_399 = arith.extui %sign3A_398 : i1 to i32
      %sign3A_400 = arith.constant 0 : i32
      %sign3A_401 = arith.cmpi slt, %jit3A_388, %sign3A_400 : i32
      %sign3A_402 = arith.extui %sign3A_401 : i1 to i32
      %sign3A_403 = arith.subi %sign3A_399, %sign3A_402 : i32
      %ne3A_404 = arith.cmpi ne, %sign3A_396, %sign3A_403 : i32
      %rem3A_405 = arith.remsi %add3A_350, %jit3A_388 : i32
      %ne3A_406 = arith.constant 0 : i32
      %ne3A_407 = arith.cmpi ne, %rem3A_405, %ne3A_406 : i32
      %and3A_408 = arith.andi %ne3A_404, %ne3A_407 : i1
      %sub3A_409 = arith.constant 1 : i32
      %sub3A_410 = arith.subi %div3A_389, %sub3A_409 : i32
      %select_n3A_411 = arith.select %and3A_408, %sub3A_410, %div3A_389 : i32
      %jit3A_412 = arith.constant 2 : i32
      %eq3A_413 = arith.constant 0 : i32
      %eq3A_414 = arith.cmpi eq, %jit3A_412, %eq3A_413 : i32
      %jit3A_415 = arith.constant 1 : i32
      %select_n3A_416 = arith.select %eq3A_414, %jit3A_415, %jit3A_412 : i32
      %rem3A_417 = arith.remsi %add3A_350, %select_n3A_416 : i32
      %ne3A_418 = arith.constant 0 : i32
      %ne3A_419 = arith.cmpi ne, %rem3A_417, %ne3A_418 : i32
      %lt3A_420 = arith.constant 0 : i32
      %lt3A_421 = arith.cmpi slt, %rem3A_417, %lt3A_420 : i32
      %lt3A_422 = arith.constant 0 : i32
      %lt3A_423 = arith.cmpi slt, %select_n3A_416, %lt3A_422 : i32
      %ne3A_424 = arith.xori %lt3A_421, %lt3A_423 : i1
      %and3A_425 = arith.andi %ne3A_424, %ne3A_419 : i1
      %add3A_426 = arith.addi %rem3A_417, %select_n3A_416 : i32
      %select_n3A_427 = arith.select %and3A_425, %add3A_426, %rem3A_417 : i32
      %mul3A_428 = arith.constant 64 : i32
      %mul3A_429 = arith.muli %select_n3A_427, %mul3A_428 : i32
      %add3A_430 = arith.addi %mul3A_2, %mul3A_429 : i32
      %dma_start3A_431 = arith.constant 0 : i32
      %dma_start3A_432 = tpu.memref_slice %arg4[%select_n3A_411, %add3A_430, %dma_start3A_431] : memref<50x4096x128xf32, #tpu.memory_space<hbm>> -> memref<1x64x128xf32, #tpu.memory_space<hbm>>
      %dma_start3A_433 = tpu.memref_squeeze %dma_start3A_432 : memref<1x64x128xf32, #tpu.memory_space<hbm>> -> memref<64x128xf32, #tpu.memory_space<hbm>>
      %dma_start3A_434 = arith.constant 0 : i32
      %dma_start3A_435 = tpu.memref_slice %arg4[%select_n3A_411, %add3A_430, %dma_start3A_434] : memref<50x4096x128xf32, #tpu.memory_space<hbm>> -> memref<1x64x128xf32, #tpu.memory_space<hbm>>
      %dma_start3A_436 = tpu.memref_squeeze %dma_start3A_435 : memref<1x64x128xf32, #tpu.memory_space<hbm>> -> memref<64x128xf32, #tpu.memory_space<hbm>>
      tpu.enqueue_dma source(%arg6 : memref<64x128xf32, #tpu.memory_space<vmem>>) target(%dma_start3A_436 : memref<64x128xf32, #tpu.memory_space<hbm>>) target_semaphore(%arg26 : memref<!tpu.dma_semaphore, #tpu.memory_space<semaphore_mem>>)
      %mul3A_437 = arith.constant 10 : i32
      %mul3A_438 = arith.muli %scan3A_346, %mul3A_437 : i32
      %add3A_439 = arith.constant 1 : i32
      %add3A_440 = arith.addi %mul3A_438, %add3A_439 : i32
      %jit3A_441 = arith.constant 2 : i32
      %div3A_442 = arith.divsi %add3A_440, %jit3A_441 : i32
      %sign3A_443 = arith.constant 0 : i32
      %sign3A_444 = arith.cmpi sgt, %add3A_440, %sign3A_443 : i32
      %sign3A_445 = arith.extui %sign3A_444 : i1 to i32
      %sign3A_446 = arith.constant 0 : i32
      %sign3A_447 = arith.cmpi slt, %add3A_440, %sign3A_446 : i32
      %sign3A_448 = arith.extui %sign3A_447 : i1 to i32
      %sign3A_449 = arith.subi %sign3A_445, %sign3A_448 : i32
      %sign3A_450 = arith.constant 0 : i32
      %sign3A_451 = arith.cmpi sgt, %jit3A_441, %sign3A_450 : i32
      %sign3A_452 = arith.extui %sign3A_451 : i1 to i32
      %sign3A_453 = arith.constant 0 : i32
      %sign3A_454 = arith.cmpi slt, %jit3A_441, %sign3A_453 : i32
      %sign3A_455 = arith.extui %sign3A_454 : i1 to i32
      %sign3A_456 = arith.subi %sign3A_452, %sign3A_455 : i32
      %ne3A_457 = arith.cmpi ne, %sign3A_449, %sign3A_456 : i32
      %rem3A_458 = arith.remsi %add3A_440, %jit3A_441 : i32
      %ne3A_459 = arith.constant 0 : i32
      %ne3A_460 = arith.cmpi ne, %rem3A_458, %ne3A_459 : i32
      %and3A_461 = arith.andi %ne3A_457, %ne3A_460 : i1
      %sub3A_462 = arith.constant 1 : i32
      %sub3A_463 = arith.subi %div3A_442, %sub3A_462 : i32
      %select_n3A_464 = arith.select %and3A_461, %sub3A_463, %div3A_442 : i32
      %jit3A_465 = arith.constant 2 : i32
      %eq3A_466 = arith.constant 0 : i32
      %eq3A_467 = arith.cmpi eq, %jit3A_465, %eq3A_466 : i32
      %jit3A_468 = arith.constant 1 : i32
      %select_n3A_469 = arith.select %eq3A_467, %jit3A_468, %jit3A_465 : i32
      %rem3A_470 = arith.remsi %add3A_440, %select_n3A_469 : i32
      %ne3A_471 = arith.constant 0 : i32
      %ne3A_472 = arith.cmpi ne, %rem3A_470, %ne3A_471 : i32
      %lt3A_473 = arith.constant 0 : i32
      %lt3A_474 = arith.cmpi slt, %rem3A_470, %lt3A_473 : i32
      %lt3A_475 = arith.constant 0 : i32
      %lt3A_476 = arith.cmpi slt, %select_n3A_469, %lt3A_475 : i32
      %ne3A_477 = arith.xori %lt3A_474, %lt3A_476 : i1
      %and3A_478 = arith.andi %ne3A_477, %ne3A_472 : i1
      %add3A_479 = arith.addi %rem3A_470, %select_n3A_469 : i32
      %select_n3A_480 = arith.select %and3A_478, %add3A_479, %rem3A_470 : i32
      %mul3A_481 = arith.constant 64 : i32
      %mul3A_482 = arith.muli %select_n3A_480, %mul3A_481 : i32
      %dma_wait3A_483 = tpu.memref_slice %arg5[%select_n3A_464, %mul3A_482] : memref<50x128xi32, #tpu.memory_space<vmem>> -> memref<1x64xi32, #tpu.memory_space<vmem>>
      %dma_wait3A_484 = tpu.memref_squeeze %dma_wait3A_483 : memref<1x64xi32, #tpu.memory_space<vmem>> -> memref<64xi32, #tpu.memory_space<vmem>>
      %dma_wait3A_485 = arith.constant 0 : i32
      %dma_wait3A_486 = arith.constant 0 : i32
      %dma_wait3A_487 = tpu.memref_slice %arg3[%dma_wait3A_485, %dma_wait3A_486] : memref<100000x128xf32, #tpu.memory_space<hbm>> -> memref<100000x128xf32, #tpu.memory_space<hbm>>
      tpu.wait_indirect_dma semaphore(%arg17 : memref<!tpu.dma_semaphore, #tpu.memory_space<semaphore_mem>>) src(%dma_wait3A_487 : memref<100000x128xf32, #tpu.memory_space<hbm>>) dst(%arg7 : memref<64x128xf32, #tpu.memory_space<vmem>>)
      %jit3A_488 = arith.constant 2 : i32
      %div3A_489 = arith.divsi %add3A_440, %jit3A_488 : i32
      %sign3A_490 = arith.constant 0 : i32
      %sign3A_491 = arith.cmpi sgt, %add3A_440, %sign3A_490 : i32
      %sign3A_492 = arith.extui %sign3A_491 : i1 to i32
      %sign3A_493 = arith.constant 0 : i32
      %sign3A_494 = arith.cmpi slt, %add3A_440, %sign3A_493 : i32
      %sign3A_495 = arith.extui %sign3A_494 : i1 to i32
      %sign3A_496 = arith.subi %sign3A_492, %sign3A_495 : i32
      %sign3A_497 = arith.constant 0 : i32
      %sign3A_498 = arith.cmpi sgt, %jit3A_488, %sign3A_497 : i32
      %sign3A_499 = arith.extui %sign3A_498 : i1 to i32
      %sign3A_500 = arith.constant 0 : i32
      %sign3A_501 = arith.cmpi slt, %jit3A_488, %sign3A_500 : i32
      %sign3A_502 = arith.extui %sign3A_501 : i1 to i32
      %sign3A_503 = arith.subi %sign3A_499, %sign3A_502 : i32
      %ne3A_504 = arith.cmpi ne, %sign3A_496, %sign3A_503 : i32
      %rem3A_505 = arith.remsi %add3A_440, %jit3A_488 : i32
      %ne3A_506 = arith.constant 0 : i32
      %ne3A_507 = arith.cmpi ne, %rem3A_505, %ne3A_506 : i32
      %and3A_508 = arith.andi %ne3A_504, %ne3A_507 : i1
      %sub3A_509 = arith.constant 1 : i32
      %sub3A_510 = arith.subi %div3A_489, %sub3A_509 : i32
      %select_n3A_511 = arith.select %and3A_508, %sub3A_510, %div3A_489 : i32
      %jit3A_512 = arith.constant 2 : i32
      %eq3A_513 = arith.constant 0 : i32
      %eq3A_514 = arith.cmpi eq, %jit3A_512, %eq3A_513 : i32
      %jit3A_515 = arith.constant 1 : i32
      %select_n3A_516 = arith.select %eq3A_514, %jit3A_515, %jit3A_512 : i32
      %rem3A_517 = arith.remsi %add3A_440, %select_n3A_516 : i32
      %ne3A_518 = arith.constant 0 : i32
      %ne3A_519 = arith.cmpi ne, %rem3A_517, %ne3A_518 : i32
      %lt3A_520 = arith.constant 0 : i32
      %lt3A_521 = arith.cmpi slt, %rem3A_517, %lt3A_520 : i32
      %lt3A_522 = arith.constant 0 : i32
      %lt3A_523 = arith.cmpi slt, %select_n3A_516, %lt3A_522 : i32
      %ne3A_524 = arith.xori %lt3A_521, %lt3A_523 : i1
      %and3A_525 = arith.andi %ne3A_524, %ne3A_519 : i1
      %add3A_526 = arith.addi %rem3A_517, %select_n3A_516 : i32
      %select_n3A_527 = arith.select %and3A_525, %add3A_526, %rem3A_517 : i32
      %mul3A_528 = arith.constant 64 : i32
      %mul3A_529 = arith.muli %select_n3A_527, %mul3A_528 : i32
      %add3A_530 = arith.addi %mul3A_2, %mul3A_529 : i32
      %dma_start3A_531 = arith.constant 0 : i32
      %dma_start3A_532 = tpu.memref_slice %arg4[%select_n3A_511, %add3A_530, %dma_start3A_531] : memref<50x4096x128xf32, #tpu.memory_space<hbm>> -> memref<1x64x128xf32, #tpu.memory_space<hbm>>
      %dma_start3A_533 = tpu.memref_squeeze %dma_start3A_532 : memref<1x64x128xf32, #tpu.memory_space<hbm>> -> memref<64x128xf32, #tpu.memory_space<hbm>>
      %dma_start3A_534 = arith.constant 0 : i32
      %dma_start3A_535 = tpu.memref_slice %arg4[%select_n3A_511, %add3A_530, %dma_start3A_534] : memref<50x4096x128xf32, #tpu.memory_space<hbm>> -> memref<1x64x128xf32, #tpu.memory_space<hbm>>
      %dma_start3A_536 = tpu.memref_squeeze %dma_start3A_535 : memref<1x64x128xf32, #tpu.memory_space<hbm>> -> memref<64x128xf32, #tpu.memory_space<hbm>>
      tpu.enqueue_dma source(%arg7 : memref<64x128xf32, #tpu.memory_space<vmem>>) target(%dma_start3A_536 : memref<64x128xf32, #tpu.memory_space<hbm>>) target_semaphore(%arg27 : memref<!tpu.dma_semaphore, #tpu.memory_space<semaphore_mem>>)
      %mul3A_537 = arith.constant 10 : i32
      %mul3A_538 = arith.muli %scan3A_346, %mul3A_537 : i32
      %add3A_539 = arith.constant 2 : i32
      %add3A_540 = arith.addi %mul3A_538, %add3A_539 : i32
      %jit3A_541 = arith.constant 2 : i32
      %div3A_542 = arith.divsi %add3A_540, %jit3A_541 : i32
      %sign3A_543 = arith.constant 0 : i32
      %sign3A_544 = arith.cmpi sgt, %add3A_540, %sign3A_543 : i32
      %sign3A_545 = arith.extui %sign3A_544 : i1 to i32
      %sign3A_546 = arith.constant 0 : i32
      %sign3A_547 = arith.cmpi slt, %add3A_540, %sign3A_546 : i32
      %sign3A_548 = arith.extui %sign3A_547 : i1 to i32
      %sign3A_549 = arith.subi %sign3A_545, %sign3A_548 : i32
      %sign3A_550 = arith.constant 0 : i32
      %sign3A_551 = arith.cmpi sgt, %jit3A_541, %sign3A_550 : i32
      %sign3A_552 = arith.extui %sign3A_551 : i1 to i32
      %sign3A_553 = arith.constant 0 : i32
      %sign3A_554 = arith.cmpi slt, %jit3A_541, %sign3A_553 : i32
      %sign3A_555 = arith.extui %sign3A_554 : i1 to i32
      %sign3A_556 = arith.subi %sign3A_552, %sign3A_555 : i32
      %ne3A_557 = arith.cmpi ne, %sign3A_549, %sign3A_556 : i32
      %rem3A_558 = arith.remsi %add3A_540, %jit3A_541 : i32
      %ne3A_559 = arith.constant 0 : i32
      %ne3A_560 = arith.cmpi ne, %rem3A_558, %ne3A_559 : i32
      %and3A_561 = arith.andi %ne3A_557, %ne3A_560 : i1
      %sub3A_562 = arith.constant 1 : i32
      %sub3A_563 = arith.subi %div3A_542, %sub3A_562 : i32
      %select_n3A_564 = arith.select %and3A_561, %sub3A_563, %div3A_542 : i32
      %jit3A_565 = arith.constant 2 : i32
      %eq3A_566 = arith.constant 0 : i32
      %eq3A_567 = arith.cmpi eq, %jit3A_565, %eq3A_566 : i32
      %jit3A_568 = arith.constant 1 : i32
      %select_n3A_569 = arith.select %eq3A_567, %jit3A_568, %jit3A_565 : i32
      %rem3A_570 = arith.remsi %add3A_540, %select_n3A_569 : i32
      %ne3A_571 = arith.constant 0 : i32
      %ne3A_572 = arith.cmpi ne, %rem3A_570, %ne3A_571 : i32
      %lt3A_573 = arith.constant 0 : i32
      %lt3A_574 = arith.cmpi slt, %rem3A_570, %lt3A_573 : i32
      %lt3A_575 = arith.constant 0 : i32
      %lt3A_576 = arith.cmpi slt, %select_n3A_569, %lt3A_575 : i32
      %ne3A_577 = arith.xori %lt3A_574, %lt3A_576 : i1
      %and3A_578 = arith.andi %ne3A_577, %ne3A_572 : i1
      %add3A_579 = arith.addi %rem3A_570, %select_n3A_569 : i32
      %select_n3A_580 = arith.select %and3A_578, %add3A_579, %rem3A_570 : i32
      %mul3A_581 = arith.constant 64 : i32
      %mul3A_582 = arith.muli %select_n3A_580, %mul3A_581 : i32
      %dma_wait3A_583 = tpu.memref_slice %arg5[%select_n3A_564, %mul3A_582] : memref<50x128xi32, #tpu.memory_space<vmem>> -> memref<1x64xi32, #tpu.memory_space<vmem>>
      %dma_wait3A_584 = tpu.memref_squeeze %dma_wait3A_583 : memref<1x64xi32, #tpu.memory_space<vmem>> -> memref<64xi32, #tpu.memory_space<vmem>>
      %dma_wait3A_585 = arith.constant 0 : i32
      %dma_wait3A_586 = arith.constant 0 : i32
      %dma_wait3A_587 = tpu.memref_slice %arg3[%dma_wait3A_585, %dma_wait3A_586] : memref<100000x128xf32, #tpu.memory_space<hbm>> -> memref<100000x128xf32, #tpu.memory_space<hbm>>
      tpu.wait_indirect_dma semaphore(%arg18 : memref<!tpu.dma_semaphore, #tpu.memory_space<semaphore_mem>>) src(%dma_wait3A_587 : memref<100000x128xf32, #tpu.memory_space<hbm>>) dst(%arg8 : memref<64x128xf32, #tpu.memory_space<vmem>>)
      %jit3A_588 = arith.constant 2 : i32
      %div3A_589 = arith.divsi %add3A_540, %jit3A_588 : i32
      %sign3A_590 = arith.constant 0 : i32
      %sign3A_591 = arith.cmpi sgt, %add3A_540, %sign3A_590 : i32
      %sign3A_592 = arith.extui %sign3A_591 : i1 to i32
      %sign3A_593 = arith.constant 0 : i32
      %sign3A_594 = arith.cmpi slt, %add3A_540, %sign3A_593 : i32
      %sign3A_595 = arith.extui %sign3A_594 : i1 to i32
      %sign3A_596 = arith.subi %sign3A_592, %sign3A_595 : i32
      %sign3A_597 = arith.constant 0 : i32
      %sign3A_598 = arith.cmpi sgt, %jit3A_588, %sign3A_597 : i32
      %sign3A_599 = arith.extui %sign3A_598 : i1 to i32
      %sign3A_600 = arith.constant 0 : i32
      %sign3A_601 = arith.cmpi slt, %jit3A_588, %sign3A_600 : i32
      %sign3A_602 = arith.extui %sign3A_601 : i1 to i32
      %sign3A_603 = arith.subi %sign3A_599, %sign3A_602 : i32
      %ne3A_604 = arith.cmpi ne, %sign3A_596, %sign3A_603 : i32
      %rem3A_605 = arith.remsi %add3A_540, %jit3A_588 : i32
      %ne3A_606 = arith.constant 0 : i32
      %ne3A_607 = arith.cmpi ne, %rem3A_605, %ne3A_606 : i32
      %and3A_608 = arith.andi %ne3A_604, %ne3A_607 : i1
      %sub3A_609 = arith.constant 1 : i32
      %sub3A_610 = arith.subi %div3A_589, %sub3A_609 : i32
      %select_n3A_611 = arith.select %and3A_608, %sub3A_610, %div3A_589 : i32
      %jit3A_612 = arith.constant 2 : i32
      %eq3A_613 = arith.constant 0 : i32
      %eq3A_614 = arith.cmpi eq, %jit3A_612, %eq3A_613 : i32
      %jit3A_615 = arith.constant 1 : i32
      %select_n3A_616 = arith.select %eq3A_614, %jit3A_615, %jit3A_612 : i32
      %rem3A_617 = arith.remsi %add3A_540, %select_n3A_616 : i32
      %ne3A_618 = arith.constant 0 : i32
      %ne3A_619 = arith.cmpi ne, %rem3A_617, %ne3A_618 : i32
      %lt3A_620 = arith.constant 0 : i32
      %lt3A_621 = arith.cmpi slt, %rem3A_617, %lt3A_620 : i32
      %lt3A_622 = arith.constant 0 : i32
      %lt3A_623 = arith.cmpi slt, %select_n3A_616, %lt3A_622 : i32
      %ne3A_624 = arith.xori %lt3A_621, %lt3A_623 : i1
      %and3A_625 = arith.andi %ne3A_624, %ne3A_619 : i1
      %add3A_626 = arith.addi %rem3A_617, %select_n3A_616 : i32
      %select_n3A_627 = arith.select %and3A_625, %add3A_626, %rem3A_617 : i32
      %mul3A_628 = arith.constant 64 : i32
      %mul3A_629 = arith.muli %select_n3A_627, %mul3A_628 : i32
      %add3A_630 = arith.addi %mul3A_2, %mul3A_629 : i32
      %dma_start3A_631 = arith.constant 0 : i32
      %dma_start3A_632 = tpu.memref_slice %arg4[%select_n3A_611, %add3A_630, %dma_start3A_631] : memref<50x4096x128xf32, #tpu.memory_space<hbm>> -> memref<1x64x128xf32, #tpu.memory_space<hbm>>
      %dma_start3A_633 = tpu.memref_squeeze %dma_start3A_632 : memref<1x64x128xf32, #tpu.memory_space<hbm>> -> memref<64x128xf32, #tpu.memory_space<hbm>>
      %dma_start3A_634 = arith.constant 0 : i32
      %dma_start3A_635 = tpu.memref_slice %arg4[%select_n3A_611, %add3A_630, %dma_start3A_634] : memref<50x4096x128xf32, #tpu.memory_space<hbm>> -> memref<1x64x128xf32, #tpu.memory_space<hbm>>
      %dma_start3A_636 = tpu.memref_squeeze %dma_start3A_635 : memref<1x64x128xf32, #tpu.memory_space<hbm>> -> memref<64x128xf32, #tpu.memory_space<hbm>>
      tpu.enqueue_dma source(%arg8 : memref<64x128xf32, #tpu.memory_space<vmem>>) target(%dma_start3A_636 : memref<64x128xf32, #tpu.memory_space<hbm>>) target_semaphore(%arg28 : memref<!tpu.dma_semaphore, #tpu.memory_space<semaphore_mem>>)
      %mul3A_637 = arith.constant 10 : i32
      %mul3A_638 = arith.muli %scan3A_346, %mul3A_637 : i32
      %add3A_639 = arith.constant 3 : i32
      %add3A_640 = arith.addi %mul3A_638, %add3A_639 : i32
      %jit3A_641 = arith.constant 2 : i32
      %div3A_642 = arith.divsi %add3A_640, %jit3A_641 : i32
      %sign3A_643 = arith.constant 0 : i32
      %sign3A_644 = arith.cmpi sgt, %add3A_640, %sign3A_643 : i32
      %sign3A_645 = arith.extui %sign3A_644 : i1 to i32
      %sign3A_646 = arith.constant 0 : i32
      %sign3A_647 = arith.cmpi slt, %add3A_640, %sign3A_646 : i32
      %sign3A_648 = arith.extui %sign3A_647 : i1 to i32
      %sign3A_649 = arith.subi %sign3A_645, %sign3A_648 : i32
      %sign3A_650 = arith.constant 0 : i32
      %sign3A_651 = arith.cmpi sgt, %jit3A_641, %sign3A_650 : i32
      %sign3A_652 = arith.extui %sign3A_651 : i1 to i32
      %sign3A_653 = arith.constant 0 : i32
      %sign3A_654 = arith.cmpi slt, %jit3A_641, %sign3A_653 : i32
      %sign3A_655 = arith.extui %sign3A_654 : i1 to i32
      %sign3A_656 = arith.subi %sign3A_652, %sign3A_655 : i32
      %ne3A_657 = arith.cmpi ne, %sign3A_649, %sign3A_656 : i32
      %rem3A_658 = arith.remsi %add3A_640, %jit3A_641 : i32
      %ne3A_659 = arith.constant 0 : i32
      %ne3A_660 = arith.cmpi ne, %rem3A_658, %ne3A_659 : i32
      %and3A_661 = arith.andi %ne3A_657, %ne3A_660 : i1
      %sub3A_662 = arith.constant 1 : i32
      %sub3A_663 = arith.subi %div3A_642, %sub3A_662 : i32
      %select_n3A_664 = arith.select %and3A_661, %sub3A_663, %div3A_642 : i32
      %jit3A_665 = arith.constant 2 : i32
      %eq3A_666 = arith.constant 0 : i32
      %eq3A_667 = arith.cmpi eq, %jit3A_665, %eq3A_666 : i32
      %jit3A_668 = arith.constant 1 : i32
      %select_n3A_669 = arith.select %eq3A_667, %jit3A_668, %jit3A_665 : i32
      %rem3A_670 = arith.remsi %add3A_640, %select_n3A_669 : i32
      %ne3A_671 = arith.constant 0 : i32
      %ne3A_672 = arith.cmpi ne, %rem3A_670, %ne3A_671 : i32
      %lt3A_673 = arith.constant 0 : i32
      %lt3A_674 = arith.cmpi slt, %rem3A_670, %lt3A_673 : i32
      %lt3A_675 = arith.constant 0 : i32
      %lt3A_676 = arith.cmpi slt, %select_n3A_669, %lt3A_675 : i32
      %ne3A_677 = arith.xori %lt3A_674, %lt3A_676 : i1
      %and3A_678 = arith.andi %ne3A_677, %ne3A_672 : i1
      %add3A_679 = arith.addi %rem3A_670, %select_n3A_669 : i32
      %select_n3A_680 = arith.select %and3A_678, %add3A_679, %rem3A_670 : i32
      %mul3A_681 = arith.constant 64 : i32
      %mul3A_682 = arith.muli %select_n3A_680, %mul3A_681 : i32
      %dma_wait3A_683 = tpu.memref_slice %arg5[%select_n3A_664, %mul3A_682] : memref<50x128xi32, #tpu.memory_space<vmem>> -> memref<1x64xi32, #tpu.memory_space<vmem>>
      %dma_wait3A_684 = tpu.memref_squeeze %dma_wait3A_683 : memref<1x64xi32, #tpu.memory_space<vmem>> -> memref<64xi32, #tpu.memory_space<vmem>>
      %dma_wait3A_685 = arith.constant 0 : i32
      %dma_wait3A_686 = arith.constant 0 : i32
      %dma_wait3A_687 = tpu.memref_slice %arg3[%dma_wait3A_685, %dma_wait3A_686] : memref<100000x128xf32, #tpu.memory_space<hbm>> -> memref<100000x128xf32, #tpu.memory_space<hbm>>
      tpu.wait_indirect_dma semaphore(%arg19 : memref<!tpu.dma_semaphore, #tpu.memory_space<semaphore_mem>>) src(%dma_wait3A_687 : memref<100000x128xf32, #tpu.memory_space<hbm>>) dst(%arg9 : memref<64x128xf32, #tpu.memory_space<vmem>>)
      %jit3A_688 = arith.constant 2 : i32
      %div3A_689 = arith.divsi %add3A_640, %jit3A_688 : i32
      %sign3A_690 = arith.constant 0 : i32
      %sign3A_691 = arith.cmpi sgt, %add3A_640, %sign3A_690 : i32
      %sign3A_692 = arith.extui %sign3A_691 : i1 to i32
      %sign3A_693 = arith.constant 0 : i32
      %sign3A_694 = arith.cmpi slt, %add3A_640, %sign3A_693 : i32
      %sign3A_695 = arith.extui %sign3A_694 : i1 to i32
      %sign3A_696 = arith.subi %sign3A_692, %sign3A_695 : i32
      %sign3A_697 = arith.constant 0 : i32
      %sign3A_698 = arith.cmpi sgt, %jit3A_688, %sign3A_697 : i32
      %sign3A_699 = arith.extui %sign3A_698 : i1 to i32
      %sign3A_700 = arith.constant 0 : i32
      %sign3A_701 = arith.cmpi slt, %jit3A_688, %sign3A_700 : i32
      %sign3A_702 = arith.extui %sign3A_701 : i1 to i32
      %sign3A_703 = arith.subi %sign3A_699, %sign3A_702 : i32
      %ne3A_704 = arith.cmpi ne, %sign3A_696, %sign3A_703 : i32
      %rem3A_705 = arith.remsi %add3A_640, %jit3A_688 : i32
      %ne3A_706 = arith.constant 0 : i32
      %ne3A_707 = arith.cmpi ne, %rem3A_705, %ne3A_706 : i32
      %and3A_708 = arith.andi %ne3A_704, %ne3A_707 : i1
      %sub3A_709 = arith.constant 1 : i32
      %sub3A_710 = arith.subi %div3A_689, %sub3A_709 : i32
      %select_n3A_711 = arith.select %and3A_708, %sub3A_710, %div3A_689 : i32
      %jit3A_712 = arith.constant 2 : i32
      %eq3A_713 = arith.constant 0 : i32
      %eq3A_714 = arith.cmpi eq, %jit3A_712, %eq3A_713 : i32
      %jit3A_715 = arith.constant 1 : i32
      %select_n3A_716 = arith.select %eq3A_714, %jit3A_715, %jit3A_712 : i32
      %rem3A_717 = arith.remsi %add3A_640, %select_n3A_716 : i32
      %ne3A_718 = arith.constant 0 : i32
      %ne3A_719 = arith.cmpi ne, %rem3A_717, %ne3A_718 : i32
      %lt3A_720 = arith.constant 0 : i32
      %lt3A_721 = arith.cmpi slt, %rem3A_717, %lt3A_720 : i32
      %lt3A_722 = arith.constant 0 : i32
      %lt3A_723 = arith.cmpi slt, %select_n3A_716, %lt3A_722 : i32
      %ne3A_724 = arith.xori %lt3A_721, %lt3A_723 : i1
      %and3A_725 = arith.andi %ne3A_724, %ne3A_719 : i1
      %add3A_726 = arith.addi %rem3A_717, %select_n3A_716 : i32
      %select_n3A_727 = arith.select %and3A_725, %add3A_726, %rem3A_717 : i32
      %mul3A_728 = arith.constant 64 : i32
      %mul3A_729 = arith.muli %select_n3A_727, %mul3A_728 : i32
      %add3A_730 = arith.addi %mul3A_2, %mul3A_729 : i32
      %dma_start3A_731 = arith.constant 0 : i32
      %dma_start3A_732 = tpu.memref_slice %arg4[%select_n3A_711, %add3A_730, %dma_start3A_731] : memref<50x4096x128xf32, #tpu.memory_space<hbm>> -> memref<1x64x128xf32, #tpu.memory_space<hbm>>
      %dma_start3A_733 = tpu.memref_squeeze %dma_start3A_732 : memref<1x64x128xf32, #tpu.memory_space<hbm>> -> memref<64x128xf32, #tpu.memory_space<hbm>>
      %dma_start3A_734 = arith.constant 0 : i32
      %dma_start3A_735 = tpu.memref_slice %arg4[%select_n3A_711, %add3A_730, %dma_start3A_734] : memref<50x4096x128xf32, #tpu.memory_space<hbm>> -> memref<1x64x128xf32, #tpu.memory_space<hbm>>
      %dma_start3A_736 = tpu.memref_squeeze %dma_start3A_735 : memref<1x64x128xf32, #tpu.memory_space<hbm>> -> memref<64x128xf32, #tpu.memory_space<hbm>>
      tpu.enqueue_dma source(%arg9 : memref<64x128xf32, #tpu.memory_space<vmem>>) target(%dma_start3A_736 : memref<64x128xf32, #tpu.memory_space<hbm>>) target_semaphore(%arg29 : memref<!tpu.dma_semaphore, #tpu.memory_space<semaphore_mem>>)
      %mul3A_737 = arith.constant 10 : i32
      %mul3A_738 = arith.muli %scan3A_346, %mul3A_737 : i32
      %add3A_739 = arith.constant 4 : i32
      %add3A_740 = arith.addi %mul3A_738, %add3A_739 : i32
      %jit3A_741 = arith.constant 2 : i32
      %div3A_742 = arith.divsi %add3A_740, %jit3A_741 : i32
      %sign3A_743 = arith.constant 0 : i32
      %sign3A_744 = arith.cmpi sgt, %add3A_740, %sign3A_743 : i32
      %sign3A_745 = arith.extui %sign3A_744 : i1 to i32
      %sign3A_746 = arith.constant 0 : i32
      %sign3A_747 = arith.cmpi slt, %add3A_740, %sign3A_746 : i32
      %sign3A_748 = arith.extui %sign3A_747 : i1 to i32
      %sign3A_749 = arith.subi %sign3A_745, %sign3A_748 : i32
      %sign3A_750 = arith.constant 0 : i32
      %sign3A_751 = arith.cmpi sgt, %jit3A_741, %sign3A_750 : i32
      %sign3A_752 = arith.extui %sign3A_751 : i1 to i32
      %sign3A_753 = arith.constant 0 : i32
      %sign3A_754 = arith.cmpi slt, %jit3A_741, %sign3A_753 : i32
      %sign3A_755 = arith.extui %sign3A_754 : i1 to i32
      %sign3A_756 = arith.subi %sign3A_752, %sign3A_755 : i32
      %ne3A_757 = arith.cmpi ne, %sign3A_749, %sign3A_756 : i32
      %rem3A_758 = arith.remsi %add3A_740, %jit3A_741 : i32
      %ne3A_759 = arith.constant 0 : i32
      %ne3A_760 = arith.cmpi ne, %rem3A_758, %ne3A_759 : i32
      %and3A_761 = arith.andi %ne3A_757, %ne3A_760 : i1
      %sub3A_762 = arith.constant 1 : i32
      %sub3A_763 = arith.subi %div3A_742, %sub3A_762 : i32
      %select_n3A_764 = arith.select %and3A_761, %sub3A_763, %div3A_742 : i32
      %jit3A_765 = arith.constant 2 : i32
      %eq3A_766 = arith.constant 0 : i32
      %eq3A_767 = arith.cmpi eq, %jit3A_765, %eq3A_766 : i32
      %jit3A_768 = arith.constant 1 : i32
      %select_n3A_769 = arith.select %eq3A_767, %jit3A_768, %jit3A_765 : i32
      %rem3A_770 = arith.remsi %add3A_740, %select_n3A_769 : i32
      %ne3A_771 = arith.constant 0 : i32
      %ne3A_772 = arith.cmpi ne, %rem3A_770, %ne3A_771 : i32
      %lt3A_773 = arith.constant 0 : i32
      %lt3A_774 = arith.cmpi slt, %rem3A_770, %lt3A_773 : i32
      %lt3A_775 = arith.constant 0 : i32
      %lt3A_776 = arith.cmpi slt, %select_n3A_769, %lt3A_775 : i32
      %ne3A_777 = arith.xori %lt3A_774, %lt3A_776 : i1
      %and3A_778 = arith.andi %ne3A_777, %ne3A_772 : i1
      %add3A_779 = arith.addi %rem3A_770, %select_n3A_769 : i32
      %select_n3A_780 = arith.select %and3A_778, %add3A_779, %rem3A_770 : i32
      %mul3A_781 = arith.constant 64 : i32
      %mul3A_782 = arith.muli %select_n3A_780, %mul3A_781 : i32
      %dma_wait3A_783 = tpu.memref_slice %arg5[%select_n3A_764, %mul3A_782] : memref<50x128xi32, #tpu.memory_space<vmem>> -> memref<1x64xi32, #tpu.memory_space<vmem>>
      %dma_wait3A_784 = tpu.memref_squeeze %dma_wait3A_783 : memref<1x64xi32, #tpu.memory_space<vmem>> -> memref<64xi32, #tpu.memory_space<vmem>>
      %dma_wait3A_785 = arith.constant 0 : i32
      %dma_wait3A_786 = arith.constant 0 : i32
      %dma_wait3A_787 = tpu.memref_slice %arg3[%dma_wait3A_785, %dma_wait3A_786] : memref<100000x128xf32, #tpu.memory_space<hbm>> -> memref<100000x128xf32, #tpu.memory_space<hbm>>
      tpu.wait_indirect_dma semaphore(%arg20 : memref<!tpu.dma_semaphore, #tpu.memory_space<semaphore_mem>>) src(%dma_wait3A_787 : memref<100000x128xf32, #tpu.memory_space<hbm>>) dst(%arg10 : memref<64x128xf32, #tpu.memory_space<vmem>>)
      %jit3A_788 = arith.constant 2 : i32
      %div3A_789 = arith.divsi %add3A_740, %jit3A_788 : i32
      %sign3A_790 = arith.constant 0 : i32
      %sign3A_791 = arith.cmpi sgt, %add3A_740, %sign3A_790 : i32
      %sign3A_792 = arith.extui %sign3A_791 : i1 to i32
      %sign3A_793 = arith.constant 0 : i32
      %sign3A_794 = arith.cmpi slt, %add3A_740, %sign3A_793 : i32
      %sign3A_795 = arith.extui %sign3A_794 : i1 to i32
      %sign3A_796 = arith.subi %sign3A_792, %sign3A_795 : i32
      %sign3A_797 = arith.constant 0 : i32
      %sign3A_798 = arith.cmpi sgt, %jit3A_788, %sign3A_797 : i32
      %sign3A_799 = arith.extui %sign3A_798 : i1 to i32
      %sign3A_800 = arith.constant 0 : i32
      %sign3A_801 = arith.cmpi slt, %jit3A_788, %sign3A_800 : i32
      %sign3A_802 = arith.extui %sign3A_801 : i1 to i32
      %sign3A_803 = arith.subi %sign3A_799, %sign3A_802 : i32
      %ne3A_804 = arith.cmpi ne, %sign3A_796, %sign3A_803 : i32
      %rem3A_805 = arith.remsi %add3A_740, %jit3A_788 : i32
      %ne3A_806 = arith.constant 0 : i32
      %ne3A_807 = arith.cmpi ne, %rem3A_805, %ne3A_806 : i32
      %and3A_808 = arith.andi %ne3A_804, %ne3A_807 : i1
      %sub3A_809 = arith.constant 1 : i32
      %sub3A_810 = arith.subi %div3A_789, %sub3A_809 : i32
      %select_n3A_811 = arith.select %and3A_808, %sub3A_810, %div3A_789 : i32
      %jit3A_812 = arith.constant 2 : i32
      %eq3A_813 = arith.constant 0 : i32
      %eq3A_814 = arith.cmpi eq, %jit3A_812, %eq3A_813 : i32
      %jit3A_815 = arith.constant 1 : i32
      %select_n3A_816 = arith.select %eq3A_814, %jit3A_815, %jit3A_812 : i32
      %rem3A_817 = arith.remsi %add3A_740, %select_n3A_816 : i32
      %ne3A_818 = arith.constant 0 : i32
      %ne3A_819 = arith.cmpi ne, %rem3A_817, %ne3A_818 : i32
      %lt3A_820 = arith.constant 0 : i32
      %lt3A_821 = arith.cmpi slt, %rem3A_817, %lt3A_820 : i32
      %lt3A_822 = arith.constant 0 : i32
      %lt3A_823 = arith.cmpi slt, %select_n3A_816, %lt3A_822 : i32
      %ne3A_824 = arith.xori %lt3A_821, %lt3A_823 : i1
      %and3A_825 = arith.andi %ne3A_824, %ne3A_819 : i1
      %add3A_826 = arith.addi %rem3A_817, %select_n3A_816 : i32
      %select_n3A_827 = arith.select %and3A_825, %add3A_826, %rem3A_817 : i32
      %mul3A_828 = arith.constant 64 : i32
      %mul3A_829 = arith.muli %select_n3A_827, %mul3A_828 : i32
      %add3A_830 = arith.addi %mul3A_2, %mul3A_829 : i32
      %dma_start3A_831 = arith.constant 0 : i32
      %dma_start3A_832 = tpu.memref_slice %arg4[%select_n3A_811, %add3A_830, %dma_start3A_831] : memref<50x4096x128xf32, #tpu.memory_space<hbm>> -> memref<1x64x128xf32, #tpu.memory_space<hbm>>
      %dma_start3A_833 = tpu.memref_squeeze %dma_start3A_832 : memref<1x64x128xf32, #tpu.memory_space<hbm>> -> memref<64x128xf32, #tpu.memory_space<hbm>>
      %dma_start3A_834 = arith.constant 0 : i32
      %dma_start3A_835 = tpu.memref_slice %arg4[%select_n3A_811, %add3A_830, %dma_start3A_834] : memref<50x4096x128xf32, #tpu.memory_space<hbm>> -> memref<1x64x128xf32, #tpu.memory_space<hbm>>
      %dma_start3A_836 = tpu.memref_squeeze %dma_start3A_835 : memref<1x64x128xf32, #tpu.memory_space<hbm>> -> memref<64x128xf32, #tpu.memory_space<hbm>>
      tpu.enqueue_dma source(%arg10 : memref<64x128xf32, #tpu.memory_space<vmem>>) target(%dma_start3A_836 : memref<64x128xf32, #tpu.memory_space<hbm>>) target_semaphore(%arg30 : memref<!tpu.dma_semaphore, #tpu.memory_space<semaphore_mem>>)
      %mul3A_837 = arith.constant 10 : i32
      %mul3A_838 = arith.muli %scan3A_346, %mul3A_837 : i32
      %add3A_839 = arith.constant 5 : i32
      %add3A_840 = arith.addi %mul3A_838, %add3A_839 : i32
      %jit3A_841 = arith.constant 2 : i32
      %div3A_842 = arith.divsi %add3A_840, %jit3A_841 : i32
      %sign3A_843 = arith.constant 0 : i32
      %sign3A_844 = arith.cmpi sgt, %add3A_840, %sign3A_843 : i32
      %sign3A_845 = arith.extui %sign3A_844 : i1 to i32
      %sign3A_846 = arith.constant 0 : i32
      %sign3A_847 = arith.cmpi slt, %add3A_840, %sign3A_846 : i32
      %sign3A_848 = arith.extui %sign3A_847 : i1 to i32
      %sign3A_849 = arith.subi %sign3A_845, %sign3A_848 : i32
      %sign3A_850 = arith.constant 0 : i32
      %sign3A_851 = arith.cmpi sgt, %jit3A_841, %sign3A_850 : i32
      %sign3A_852 = arith.extui %sign3A_851 : i1 to i32
      %sign3A_853 = arith.constant 0 : i32
      %sign3A_854 = arith.cmpi slt, %jit3A_841, %sign3A_853 : i32
      %sign3A_855 = arith.extui %sign3A_854 : i1 to i32
      %sign3A_856 = arith.subi %sign3A_852, %sign3A_855 : i32
      %ne3A_857 = arith.cmpi ne, %sign3A_849, %sign3A_856 : i32
      %rem3A_858 = arith.remsi %add3A_840, %jit3A_841 : i32
      %ne3A_859 = arith.constant 0 : i32
      %ne3A_860 = arith.cmpi ne, %rem3A_858, %ne3A_859 : i32
      %and3A_861 = arith.andi %ne3A_857, %ne3A_860 : i1
      %sub3A_862 = arith.constant 1 : i32
      %sub3A_863 = arith.subi %div3A_842, %sub3A_862 : i32
      %select_n3A_864 = arith.select %and3A_861, %sub3A_863, %div3A_842 : i32
      %jit3A_865 = arith.constant 2 : i32
      %eq3A_866 = arith.constant 0 : i32
      %eq3A_867 = arith.cmpi eq, %jit3A_865, %eq3A_866 : i32
      %jit3A_868 = arith.constant 1 : i32
      %select_n3A_869 = arith.select %eq3A_867, %jit3A_868, %jit3A_865 : i32
      %rem3A_870 = arith.remsi %add3A_840, %select_n3A_869 : i32
      %ne3A_871 = arith.constant 0 : i32
      %ne3A_872 = arith.cmpi ne, %rem3A_870, %ne3A_871 : i32
      %lt3A_873 = arith.constant 0 : i32
      %lt3A_874 = arith.cmpi slt, %rem3A_870, %lt3A_873 : i32
      %lt3A_875 = arith.constant 0 : i32
      %lt3A_876 = arith.cmpi slt, %select_n3A_869, %lt3A_875 : i32
      %ne3A_877 = arith.xori %lt3A_874, %lt3A_876 : i1
      %and3A_878 = arith.andi %ne3A_877, %ne3A_872 : i1
      %add3A_879 = arith.addi %rem3A_870, %select_n3A_869 : i32
      %select_n3A_880 = arith.select %and3A_878, %add3A_879, %rem3A_870 : i32
      %mul3A_881 = arith.constant 64 : i32
      %mul3A_882 = arith.muli %select_n3A_880, %mul3A_881 : i32
      %dma_wait3A_883 = tpu.memref_slice %arg5[%select_n3A_864, %mul3A_882] : memref<50x128xi32, #tpu.memory_space<vmem>> -> memref<1x64xi32, #tpu.memory_space<vmem>>
      %dma_wait3A_884 = tpu.memref_squeeze %dma_wait3A_883 : memref<1x64xi32, #tpu.memory_space<vmem>> -> memref<64xi32, #tpu.memory_space<vmem>>
      %dma_wait3A_885 = arith.constant 0 : i32
      %dma_wait3A_886 = arith.constant 0 : i32
      %dma_wait3A_887 = tpu.memref_slice %arg3[%dma_wait3A_885, %dma_wait3A_886] : memref<100000x128xf32, #tpu.memory_space<hbm>> -> memref<100000x128xf32, #tpu.memory_space<hbm>>
      tpu.wait_indirect_dma semaphore(%arg21 : memref<!tpu.dma_semaphore, #tpu.memory_space<semaphore_mem>>) src(%dma_wait3A_887 : memref<100000x128xf32, #tpu.memory_space<hbm>>) dst(%arg11 : memref<64x128xf32, #tpu.memory_space<vmem>>)
      %jit3A_888 = arith.constant 2 : i32
      %div3A_889 = arith.divsi %add3A_840, %jit3A_888 : i32
      %sign3A_890 = arith.constant 0 : i32
      %sign3A_891 = arith.cmpi sgt, %add3A_840, %sign3A_890 : i32
      %sign3A_892 = arith.extui %sign3A_891 : i1 to i32
      %sign3A_893 = arith.constant 0 : i32
      %sign3A_894 = arith.cmpi slt, %add3A_840, %sign3A_893 : i32
      %sign3A_895 = arith.extui %sign3A_894 : i1 to i32
      %sign3A_896 = arith.subi %sign3A_892, %sign3A_895 : i32
      %sign3A_897 = arith.constant 0 : i32
      %sign3A_898 = arith.cmpi sgt, %jit3A_888, %sign3A_897 : i32
      %sign3A_899 = arith.extui %sign3A_898 : i1 to i32
      %sign3A_900 = arith.constant 0 : i32
      %sign3A_901 = arith.cmpi slt, %jit3A_888, %sign3A_900 : i32
      %sign3A_902 = arith.extui %sign3A_901 : i1 to i32
      %sign3A_903 = arith.subi %sign3A_899, %sign3A_902 : i32
      %ne3A_904 = arith.cmpi ne, %sign3A_896, %sign3A_903 : i32
      %rem3A_905 = arith.remsi %add3A_840, %jit3A_888 : i32
      %ne3A_906 = arith.constant 0 : i32
      %ne3A_907 = arith.cmpi ne, %rem3A_905, %ne3A_906 : i32
      %and3A_908 = arith.andi %ne3A_904, %ne3A_907 : i1
      %sub3A_909 = arith.constant 1 : i32
      %sub3A_910 = arith.subi %div3A_889, %sub3A_909 : i32
      %select_n3A_911 = arith.select %and3A_908, %sub3A_910, %div3A_889 : i32
      %jit3A_912 = arith.constant 2 : i32
      %eq3A_913 = arith.constant 0 : i32
      %eq3A_914 = arith.cmpi eq, %jit3A_912, %eq3A_913 : i32
      %jit3A_915 = arith.constant 1 : i32
      %select_n3A_916 = arith.select %eq3A_914, %jit3A_915, %jit3A_912 : i32
      %rem3A_917 = arith.remsi %add3A_840, %select_n3A_916 : i32
      %ne3A_918 = arith.constant 0 : i32
      %ne3A_919 = arith.cmpi ne, %rem3A_917, %ne3A_918 : i32
      %lt3A_920 = arith.constant 0 : i32
      %lt3A_921 = arith.cmpi slt, %rem3A_917, %lt3A_920 : i32
      %lt3A_922 = arith.constant 0 : i32
      %lt3A_923 = arith.cmpi slt, %select_n3A_916, %lt3A_922 : i32
      %ne3A_924 = arith.xori %lt3A_921, %lt3A_923 : i1
      %and3A_925 = arith.andi %ne3A_924, %ne3A_919 : i1
      %add3A_926 = arith.addi %rem3A_917, %select_n3A_916 : i32
      %select_n3A_927 = arith.select %and3A_925, %add3A_926, %rem3A_917 : i32
      %mul3A_928 = arith.constant 64 : i32
      %mul3A_929 = arith.muli %select_n3A_927, %mul3A_928 : i32
      %add3A_930 = arith.addi %mul3A_2, %mul3A_929 : i32
      %dma_start3A_931 = arith.constant 0 : i32
      %dma_start3A_932 = tpu.memref_slice %arg4[%select_n3A_911, %add3A_930, %dma_start3A_931] : memref<50x4096x128xf32, #tpu.memory_space<hbm>> -> memref<1x64x128xf32, #tpu.memory_space<hbm>>
      %dma_start3A_933 = tpu.memref_squeeze %dma_start3A_932 : memref<1x64x128xf32, #tpu.memory_space<hbm>> -> memref<64x128xf32, #tpu.memory_space<hbm>>
      %dma_start3A_934 = arith.constant 0 : i32
      %dma_start3A_935 = tpu.memref_slice %arg4[%select_n3A_911, %add3A_930, %dma_start3A_934] : memref<50x4096x128xf32, #tpu.memory_space<hbm>> -> memref<1x64x128xf32, #tpu.memory_space<hbm>>
      %dma_start3A_936 = tpu.memref_squeeze %dma_start3A_935 : memref<1x64x128xf32, #tpu.memory_space<hbm>> -> memref<64x128xf32, #tpu.memory_space<hbm>>
      tpu.enqueue_dma source(%arg11 : memref<64x128xf32, #tpu.memory_space<vmem>>) target(%dma_start3A_936 : memref<64x128xf32, #tpu.memory_space<hbm>>) target_semaphore(%arg31 : memref<!tpu.dma_semaphore, #tpu.memory_space<semaphore_mem>>)
      %mul3A_937 = arith.constant 10 : i32
      %mul3A_938 = arith.muli %scan3A_346, %mul3A_937 : i32
      %add3A_939 = arith.constant 6 : i32
      %add3A_940 = arith.addi %mul3A_938, %add3A_939 : i32
      %jit3A_941 = arith.constant 2 : i32
      %div3A_942 = arith.divsi %add3A_940, %jit3A_941 : i32
      %sign3A_943 = arith.constant 0 : i32
      %sign3A_944 = arith.cmpi sgt, %add3A_940, %sign3A_943 : i32
      %sign3A_945 = arith.extui %sign3A_944 : i1 to i32
      %sign3A_946 = arith.constant 0 : i32
      %sign3A_947 = arith.cmpi slt, %add3A_940, %sign3A_946 : i32
      %sign3A_948 = arith.extui %sign3A_947 : i1 to i32
      %sign3A_949 = arith.subi %sign3A_945, %sign3A_948 : i32
      %sign3A_950 = arith.constant 0 : i32
      %sign3A_951 = arith.cmpi sgt, %jit3A_941, %sign3A_950 : i32
      %sign3A_952 = arith.extui %sign3A_951 : i1 to i32
      %sign3A_953 = arith.constant 0 : i32
      %sign3A_954 = arith.cmpi slt, %jit3A_941, %sign3A_953 : i32
      %sign3A_955 = arith.extui %sign3A_954 : i1 to i32
      %sign3A_956 = arith.subi %sign3A_952, %sign3A_955 : i32
      %ne3A_957 = arith.cmpi ne, %sign3A_949, %sign3A_956 : i32
      %rem3A_958 = arith.remsi %add3A_940, %jit3A_941 : i32
      %ne3A_959 = arith.constant 0 : i32
      %ne3A_960 = arith.cmpi ne, %rem3A_958, %ne3A_959 : i32
      %and3A_961 = arith.andi %ne3A_957, %ne3A_960 : i1
      %sub3A_962 = arith.constant 1 : i32
      %sub3A_963 = arith.subi %div3A_942, %sub3A_962 : i32
      %select_n3A_964 = arith.select %and3A_961, %sub3A_963, %div3A_942 : i32
      %jit3A_965 = arith.constant 2 : i32
      %eq3A_966 = arith.constant 0 : i32
      %eq3A_967 = arith.cmpi eq, %jit3A_965, %eq3A_966 : i32
      %jit3A_968 = arith.constant 1 : i32
      %select_n3A_969 = arith.select %eq3A_967, %jit3A_968, %jit3A_965 : i32
      %rem3A_970 = arith.remsi %add3A_940, %select_n3A_969 : i32
      %ne3A_971 = arith.constant 0 : i32
      %ne3A_972 = arith.cmpi ne, %rem3A_970, %ne3A_971 : i32
      %lt3A_973 = arith.constant 0 : i32
      %lt3A_974 = arith.cmpi slt, %rem3A_970, %lt3A_973 : i32
      %lt3A_975 = arith.constant 0 : i32
      %lt3A_976 = arith.cmpi slt, %select_n3A_969, %lt3A_975 : i32
      %ne3A_977 = arith.xori %lt3A_974, %lt3A_976 : i1
      %and3A_978 = arith.andi %ne3A_977, %ne3A_972 : i1
      %add3A_979 = arith.addi %rem3A_970, %select_n3A_969 : i32
      %select_n3A_980 = arith.select %and3A_978, %add3A_979, %rem3A_970 : i32
      %mul3A_981 = arith.constant 64 : i32
      %mul3A_982 = arith.muli %select_n3A_980, %mul3A_981 : i32
      %dma_wait3A_983 = tpu.memref_slice %arg5[%select_n3A_964, %mul3A_982] : memref<50x128xi32, #tpu.memory_space<vmem>> -> memref<1x64xi32, #tpu.memory_space<vmem>>
      %dma_wait3A_984 = tpu.memref_squeeze %dma_wait3A_983 : memref<1x64xi32, #tpu.memory_space<vmem>> -> memref<64xi32, #tpu.memory_space<vmem>>
      %dma_wait3A_985 = arith.constant 0 : i32
      %dma_wait3A_986 = arith.constant 0 : i32
      %dma_wait3A_987 = tpu.memref_slice %arg3[%dma_wait3A_985, %dma_wait3A_986] : memref<100000x128xf32, #tpu.memory_space<hbm>> -> memref<100000x128xf32, #tpu.memory_space<hbm>>
      tpu.wait_indirect_dma semaphore(%arg22 : memref<!tpu.dma_semaphore, #tpu.memory_space<semaphore_mem>>) src(%dma_wait3A_987 : memref<100000x128xf32, #tpu.memory_space<hbm>>) dst(%arg12 : memref<64x128xf32, #tpu.memory_space<vmem>>)
      %jit3A_988 = arith.constant 2 : i32
      %div3A_989 = arith.divsi %add3A_940, %jit3A_988 : i32
      %sign3A_990 = arith.constant 0 : i32
      %sign3A_991 = arith.cmpi sgt, %add3A_940, %sign3A_990 : i32
      %sign3A_992 = arith.extui %sign3A_991 : i1 to i32
      %sign3A_993 = arith.constant 0 : i32
      %sign3A_994 = arith.cmpi slt, %add3A_940, %sign3A_993 : i32
      %sign3A_995 = arith.extui %sign3A_994 : i1 to i32
      %sign3A_996 = arith.subi %sign3A_992, %sign3A_995 : i32
      %sign3A_997 = arith.constant 0 : i32
      %sign3A_998 = arith.cmpi sgt, %jit3A_988, %sign3A_997 : i32
      %sign3A_999 = arith.extui %sign3A_998 : i1 to i32
      %sign3A_1000 = arith.constant 0 : i32
      %sign3A_1001 = arith.cmpi slt, %jit3A_988, %sign3A_1000 : i32
      %sign3A_1002 = arith.extui %sign3A_1001 : i1 to i32
      %sign3A_1003 = arith.subi %sign3A_999, %sign3A_1002 : i32
      %ne3A_1004 = arith.cmpi ne, %sign3A_996, %sign3A_1003 : i32
      %rem3A_1005 = arith.remsi %add3A_940, %jit3A_988 : i32
      %ne3A_1006 = arith.constant 0 : i32
      %ne3A_1007 = arith.cmpi ne, %rem3A_1005, %ne3A_1006 : i32
      %and3A_1008 = arith.andi %ne3A_1004, %ne3A_1007 : i1
      %sub3A_1009 = arith.constant 1 : i32
      %sub3A_1010 = arith.subi %div3A_989, %sub3A_1009 : i32
      %select_n3A_1011 = arith.select %and3A_1008, %sub3A_1010, %div3A_989 : i32
      %jit3A_1012 = arith.constant 2 : i32
      %eq3A_1013 = arith.constant 0 : i32
      %eq3A_1014 = arith.cmpi eq, %jit3A_1012, %eq3A_1013 : i32
      %jit3A_1015 = arith.constant 1 : i32
      %select_n3A_1016 = arith.select %eq3A_1014, %jit3A_1015, %jit3A_1012 : i32
      %rem3A_1017 = arith.remsi %add3A_940, %select_n3A_1016 : i32
      %ne3A_1018 = arith.constant 0 : i32
      %ne3A_1019 = arith.cmpi ne, %rem3A_1017, %ne3A_1018 : i32
      %lt3A_1020 = arith.constant 0 : i32
      %lt3A_1021 = arith.cmpi slt, %rem3A_1017, %lt3A_1020 : i32
      %lt3A_1022 = arith.constant 0 : i32
      %lt3A_1023 = arith.cmpi slt, %select_n3A_1016, %lt3A_1022 : i32
      %ne3A_1024 = arith.xori %lt3A_1021, %lt3A_1023 : i1
      %and3A_1025 = arith.andi %ne3A_1024, %ne3A_1019 : i1
      %add3A_1026 = arith.addi %rem3A_1017, %select_n3A_1016 : i32
      %select_n3A_1027 = arith.select %and3A_1025, %add3A_1026, %rem3A_1017 : i32
      %mul3A_1028 = arith.constant 64 : i32
      %mul3A_1029 = arith.muli %select_n3A_1027, %mul3A_1028 : i32
      %add3A_1030 = arith.addi %mul3A_2, %mul3A_1029 : i32
      %dma_start3A_1031 = arith.constant 0 : i32
      %dma_start3A_1032 = tpu.memref_slice %arg4[%select_n3A_1011, %add3A_1030, %dma_start3A_1031] : memref<50x4096x128xf32, #tpu.memory_space<hbm>> -> memref<1x64x128xf32, #tpu.memory_space<hbm>>
      %dma_start3A_1033 = tpu.memref_squeeze %dma_start3A_1032 : memref<1x64x128xf32, #tpu.memory_space<hbm>> -> memref<64x128xf32, #tpu.memory_space<hbm>>
      %dma_start3A_1034 = arith.constant 0 : i32
      %dma_start3A_1035 = tpu.memref_slice %arg4[%select_n3A_1011, %add3A_1030, %dma_start3A_1034] : memref<50x4096x128xf32, #tpu.memory_space<hbm>> -> memref<1x64x128xf32, #tpu.memory_space<hbm>>
      %dma_start3A_1036 = tpu.memref_squeeze %dma_start3A_1035 : memref<1x64x128xf32, #tpu.memory_space<hbm>> -> memref<64x128xf32, #tpu.memory_space<hbm>>
      tpu.enqueue_dma source(%arg12 : memref<64x128xf32, #tpu.memory_space<vmem>>) target(%dma_start3A_1036 : memref<64x128xf32, #tpu.memory_space<hbm>>) target_semaphore(%arg32 : memref<!tpu.dma_semaphore, #tpu.memory_space<semaphore_mem>>)
      %mul3A_1037 = arith.constant 10 : i32
      %mul3A_1038 = arith.muli %scan3A_346, %mul3A_1037 : i32
      %add3A_1039 = arith.constant 7 : i32
      %add3A_1040 = arith.addi %mul3A_1038, %add3A_1039 : i32
      %jit3A_1041 = arith.constant 2 : i32
      %div3A_1042 = arith.divsi %add3A_1040, %jit3A_1041 : i32
      %sign3A_1043 = arith.constant 0 : i32
      %sign3A_1044 = arith.cmpi sgt, %add3A_1040, %sign3A_1043 : i32
      %sign3A_1045 = arith.extui %sign3A_1044 : i1 to i32
      %sign3A_1046 = arith.constant 0 : i32
      %sign3A_1047 = arith.cmpi slt, %add3A_1040, %sign3A_1046 : i32
      %sign3A_1048 = arith.extui %sign3A_1047 : i1 to i32
      %sign3A_1049 = arith.subi %sign3A_1045, %sign3A_1048 : i32
      %sign3A_1050 = arith.constant 0 : i32
      %sign3A_1051 = arith.cmpi sgt, %jit3A_1041, %sign3A_1050 : i32
      %sign3A_1052 = arith.extui %sign3A_1051 : i1 to i32
      %sign3A_1053 = arith.constant 0 : i32
      %sign3A_1054 = arith.cmpi slt, %jit3A_1041, %sign3A_1053 : i32
      %sign3A_1055 = arith.extui %sign3A_1054 : i1 to i32
      %sign3A_1056 = arith.subi %sign3A_1052, %sign3A_1055 : i32
      %ne3A_1057 = arith.cmpi ne, %sign3A_1049, %sign3A_1056 : i32
      %rem3A_1058 = arith.remsi %add3A_1040, %jit3A_1041 : i32
      %ne3A_1059 = arith.constant 0 : i32
      %ne3A_1060 = arith.cmpi ne, %rem3A_1058, %ne3A_1059 : i32
      %and3A_1061 = arith.andi %ne3A_1057, %ne3A_1060 : i1
      %sub3A_1062 = arith.constant 1 : i32
      %sub3A_1063 = arith.subi %div3A_1042, %sub3A_1062 : i32
      %select_n3A_1064 = arith.select %and3A_1061, %sub3A_1063, %div3A_1042 : i32
      %jit3A_1065 = arith.constant 2 : i32
      %eq3A_1066 = arith.constant 0 : i32
      %eq3A_1067 = arith.cmpi eq, %jit3A_1065, %eq3A_1066 : i32
      %jit3A_1068 = arith.constant 1 : i32
      %select_n3A_1069 = arith.select %eq3A_1067, %jit3A_1068, %jit3A_1065 : i32
      %rem3A_1070 = arith.remsi %add3A_1040, %select_n3A_1069 : i32
      %ne3A_1071 = arith.constant 0 : i32
      %ne3A_1072 = arith.cmpi ne, %rem3A_1070, %ne3A_1071 : i32
      %lt3A_1073 = arith.constant 0 : i32
      %lt3A_1074 = arith.cmpi slt, %rem3A_1070, %lt3A_1073 : i32
      %lt3A_1075 = arith.constant 0 : i32
      %lt3A_1076 = arith.cmpi slt, %select_n3A_1069, %lt3A_1075 : i32
      %ne3A_1077 = arith.xori %lt3A_1074, %lt3A_1076 : i1
      %and3A_1078 = arith.andi %ne3A_1077, %ne3A_1072 : i1
      %add3A_1079 = arith.addi %rem3A_1070, %select_n3A_1069 : i32
      %select_n3A_1080 = arith.select %and3A_1078, %add3A_1079, %rem3A_1070 : i32
      %mul3A_1081 = arith.constant 64 : i32
      %mul3A_1082 = arith.muli %select_n3A_1080, %mul3A_1081 : i32
      %dma_wait3A_1083 = tpu.memref_slice %arg5[%select_n3A_1064, %mul3A_1082] : memref<50x128xi32, #tpu.memory_space<vmem>> -> memref<1x64xi32, #tpu.memory_space<vmem>>
      %dma_wait3A_1084 = tpu.memref_squeeze %dma_wait3A_1083 : memref<1x64xi32, #tpu.memory_space<vmem>> -> memref<64xi32, #tpu.memory_space<vmem>>
      %dma_wait3A_1085 = arith.constant 0 : i32
      %dma_wait3A_1086 = arith.constant 0 : i32
      %dma_wait3A_1087 = tpu.memref_slice %arg3[%dma_wait3A_1085, %dma_wait3A_1086] : memref<100000x128xf32, #tpu.memory_space<hbm>> -> memref<100000x128xf32, #tpu.memory_space<hbm>>
      tpu.wait_indirect_dma semaphore(%arg23 : memref<!tpu.dma_semaphore, #tpu.memory_space<semaphore_mem>>) src(%dma_wait3A_1087 : memref<100000x128xf32, #tpu.memory_space<hbm>>) dst(%arg13 : memref<64x128xf32, #tpu.memory_space<vmem>>)
      %jit3A_1088 = arith.constant 2 : i32
      %div3A_1089 = arith.divsi %add3A_1040, %jit3A_1088 : i32
      %sign3A_1090 = arith.constant 0 : i32
      %sign3A_1091 = arith.cmpi sgt, %add3A_1040, %sign3A_1090 : i32
      %sign3A_1092 = arith.extui %sign3A_1091 : i1 to i32
      %sign3A_1093 = arith.constant 0 : i32
      %sign3A_1094 = arith.cmpi slt, %add3A_1040, %sign3A_1093 : i32
      %sign3A_1095 = arith.extui %sign3A_1094 : i1 to i32
      %sign3A_1096 = arith.subi %sign3A_1092, %sign3A_1095 : i32
      %sign3A_1097 = arith.constant 0 : i32
      %sign3A_1098 = arith.cmpi sgt, %jit3A_1088, %sign3A_1097 : i32
      %sign3A_1099 = arith.extui %sign3A_1098 : i1 to i32
      %sign3A_1100 = arith.constant 0 : i32
      %sign3A_1101 = arith.cmpi slt, %jit3A_1088, %sign3A_1100 : i32
      %sign3A_1102 = arith.extui %sign3A_1101 : i1 to i32
      %sign3A_1103 = arith.subi %sign3A_1099, %sign3A_1102 : i32
      %ne3A_1104 = arith.cmpi ne, %sign3A_1096, %sign3A_1103 : i32
      %rem3A_1105 = arith.remsi %add3A_1040, %jit3A_1088 : i32
      %ne3A_1106 = arith.constant 0 : i32
      %ne3A_1107 = arith.cmpi ne, %rem3A_1105, %ne3A_1106 : i32
      %and3A_1108 = arith.andi %ne3A_1104, %ne3A_1107 : i1
      %sub3A_1109 = arith.constant 1 : i32
      %sub3A_1110 = arith.subi %div3A_1089, %sub3A_1109 : i32
      %select_n3A_1111 = arith.select %and3A_1108, %sub3A_1110, %div3A_1089 : i32
      %jit3A_1112 = arith.constant 2 : i32
      %eq3A_1113 = arith.constant 0 : i32
      %eq3A_1114 = arith.cmpi eq, %jit3A_1112, %eq3A_1113 : i32
      %jit3A_1115 = arith.constant 1 : i32
      %select_n3A_1116 = arith.select %eq3A_1114, %jit3A_1115, %jit3A_1112 : i32
      %rem3A_1117 = arith.remsi %add3A_1040, %select_n3A_1116 : i32
      %ne3A_1118 = arith.constant 0 : i32
      %ne3A_1119 = arith.cmpi ne, %rem3A_1117, %ne3A_1118 : i32
      %lt3A_1120 = arith.constant 0 : i32
      %lt3A_1121 = arith.cmpi slt, %rem3A_1117, %lt3A_1120 : i32
      %lt3A_1122 = arith.constant 0 : i32
      %lt3A_1123 = arith.cmpi slt, %select_n3A_1116, %lt3A_1122 : i32
      %ne3A_1124 = arith.xori %lt3A_1121, %lt3A_1123 : i1
      %and3A_1125 = arith.andi %ne3A_1124, %ne3A_1119 : i1
      %add3A_1126 = arith.addi %rem3A_1117, %select_n3A_1116 : i32
      %select_n3A_1127 = arith.select %and3A_1125, %add3A_1126, %rem3A_1117 : i32
      %mul3A_1128 = arith.constant 64 : i32
      %mul3A_1129 = arith.muli %select_n3A_1127, %mul3A_1128 : i32
      %add3A_1130 = arith.addi %mul3A_2, %mul3A_1129 : i32
      %dma_start3A_1131 = arith.constant 0 : i32
      %dma_start3A_1132 = tpu.memref_slice %arg4[%select_n3A_1111, %add3A_1130, %dma_start3A_1131] : memref<50x4096x128xf32, #tpu.memory_space<hbm>> -> memref<1x64x128xf32, #tpu.memory_space<hbm>>
      %dma_start3A_1133 = tpu.memref_squeeze %dma_start3A_1132 : memref<1x64x128xf32, #tpu.memory_space<hbm>> -> memref<64x128xf32, #tpu.memory_space<hbm>>
      %dma_start3A_1134 = arith.constant 0 : i32
      %dma_start3A_1135 = tpu.memref_slice %arg4[%select_n3A_1111, %add3A_1130, %dma_start3A_1134] : memref<50x4096x128xf32, #tpu.memory_space<hbm>> -> memref<1x64x128xf32, #tpu.memory_space<hbm>>
      %dma_start3A_1136 = tpu.memref_squeeze %dma_start3A_1135 : memref<1x64x128xf32, #tpu.memory_space<hbm>> -> memref<64x128xf32, #tpu.memory_space<hbm>>
      tpu.enqueue_dma source(%arg13 : memref<64x128xf32, #tpu.memory_space<vmem>>) target(%dma_start3A_1136 : memref<64x128xf32, #tpu.memory_space<hbm>>) target_semaphore(%arg33 : memref<!tpu.dma_semaphore, #tpu.memory_space<semaphore_mem>>)
      %mul3A_1137 = arith.constant 10 : i32
      %mul3A_1138 = arith.muli %scan3A_346, %mul3A_1137 : i32
      %add3A_1139 = arith.constant 8 : i32
      %add3A_1140 = arith.addi %mul3A_1138, %add3A_1139 : i32
      %jit3A_1141 = arith.constant 2 : i32
      %div3A_1142 = arith.divsi %add3A_1140, %jit3A_1141 : i32
      %sign3A_1143 = arith.constant 0 : i32
      %sign3A_1144 = arith.cmpi sgt, %add3A_1140, %sign3A_1143 : i32
      %sign3A_1145 = arith.extui %sign3A_1144 : i1 to i32
      %sign3A_1146 = arith.constant 0 : i32
      %sign3A_1147 = arith.cmpi slt, %add3A_1140, %sign3A_1146 : i32
      %sign3A_1148 = arith.extui %sign3A_1147 : i1 to i32
      %sign3A_1149 = arith.subi %sign3A_1145, %sign3A_1148 : i32
      %sign3A_1150 = arith.constant 0 : i32
      %sign3A_1151 = arith.cmpi sgt, %jit3A_1141, %sign3A_1150 : i32
      %sign3A_1152 = arith.extui %sign3A_1151 : i1 to i32
      %sign3A_1153 = arith.constant 0 : i32
      %sign3A_1154 = arith.cmpi slt, %jit3A_1141, %sign3A_1153 : i32
      %sign3A_1155 = arith.extui %sign3A_1154 : i1 to i32
      %sign3A_1156 = arith.subi %sign3A_1152, %sign3A_1155 : i32
      %ne3A_1157 = arith.cmpi ne, %sign3A_1149, %sign3A_1156 : i32
      %rem3A_1158 = arith.remsi %add3A_1140, %jit3A_1141 : i32
      %ne3A_1159 = arith.constant 0 : i32
      %ne3A_1160 = arith.cmpi ne, %rem3A_1158, %ne3A_1159 : i32
      %and3A_1161 = arith.andi %ne3A_1157, %ne3A_1160 : i1
      %sub3A_1162 = arith.constant 1 : i32
      %sub3A_1163 = arith.subi %div3A_1142, %sub3A_1162 : i32
      %select_n3A_1164 = arith.select %and3A_1161, %sub3A_1163, %div3A_1142 : i32
      %jit3A_1165 = arith.constant 2 : i32
      %eq3A_1166 = arith.constant 0 : i32
      %eq3A_1167 = arith.cmpi eq, %jit3A_1165, %eq3A_1166 : i32
      %jit3A_1168 = arith.constant 1 : i32
      %select_n3A_1169 = arith.select %eq3A_1167, %jit3A_1168, %jit3A_1165 : i32
      %rem3A_1170 = arith.remsi %add3A_1140, %select_n3A_1169 : i32
      %ne3A_1171 = arith.constant 0 : i32
      %ne3A_1172 = arith.cmpi ne, %rem3A_1170, %ne3A_1171 : i32
      %lt3A_1173 = arith.constant 0 : i32
      %lt3A_1174 = arith.cmpi slt, %rem3A_1170, %lt3A_1173 : i32
      %lt3A_1175 = arith.constant 0 : i32
      %lt3A_1176 = arith.cmpi slt, %select_n3A_1169, %lt3A_1175 : i32
      %ne3A_1177 = arith.xori %lt3A_1174, %lt3A_1176 : i1
      %and3A_1178 = arith.andi %ne3A_1177, %ne3A_1172 : i1
      %add3A_1179 = arith.addi %rem3A_1170, %select_n3A_1169 : i32
      %select_n3A_1180 = arith.select %and3A_1178, %add3A_1179, %rem3A_1170 : i32
      %mul3A_1181 = arith.constant 64 : i32
      %mul3A_1182 = arith.muli %select_n3A_1180, %mul3A_1181 : i32
      %dma_wait3A_1183 = tpu.memref_slice %arg5[%select_n3A_1164, %mul3A_1182] : memref<50x128xi32, #tpu.memory_space<vmem>> -> memref<1x64xi32, #tpu.memory_space<vmem>>
      %dma_wait3A_1184 = tpu.memref_squeeze %dma_wait3A_1183 : memref<1x64xi32, #tpu.memory_space<vmem>> -> memref<64xi32, #tpu.memory_space<vmem>>
      %dma_wait3A_1185 = arith.constant 0 : i32
      %dma_wait3A_1186 = arith.constant 0 : i32
      %dma_wait3A_1187 = tpu.memref_slice %arg3[%dma_wait3A_1185, %dma_wait3A_1186] : memref<100000x128xf32, #tpu.memory_space<hbm>> -> memref<100000x128xf32, #tpu.memory_space<hbm>>
      tpu.wait_indirect_dma semaphore(%arg24 : memref<!tpu.dma_semaphore, #tpu.memory_space<semaphore_mem>>) src(%dma_wait3A_1187 : memref<100000x128xf32, #tpu.memory_space<hbm>>) dst(%arg14 : memref<64x128xf32, #tpu.memory_space<vmem>>)
      %jit3A_1188 = arith.constant 2 : i32
      %div3A_1189 = arith.divsi %add3A_1140, %jit3A_1188 : i32
      %sign3A_1190 = arith.constant 0 : i32
      %sign3A_1191 = arith.cmpi sgt, %add3A_1140, %sign3A_1190 : i32
      %sign3A_1192 = arith.extui %sign3A_1191 : i1 to i32
      %sign3A_1193 = arith.constant 0 : i32
      %sign3A_1194 = arith.cmpi slt, %add3A_1140, %sign3A_1193 : i32
      %sign3A_1195 = arith.extui %sign3A_1194 : i1 to i32
      %sign3A_1196 = arith.subi %sign3A_1192, %sign3A_1195 : i32
      %sign3A_1197 = arith.constant 0 : i32
      %sign3A_1198 = arith.cmpi sgt, %jit3A_1188, %sign3A_1197 : i32
      %sign3A_1199 = arith.extui %sign3A_1198 : i1 to i32
      %sign3A_1200 = arith.constant 0 : i32
      %sign3A_1201 = arith.cmpi slt, %jit3A_1188, %sign3A_1200 : i32
      %sign3A_1202 = arith.extui %sign3A_1201 : i1 to i32
      %sign3A_1203 = arith.subi %sign3A_1199, %sign3A_1202 : i32
      %ne3A_1204 = arith.cmpi ne, %sign3A_1196, %sign3A_1203 : i32
      %rem3A_1205 = arith.remsi %add3A_1140, %jit3A_1188 : i32
      %ne3A_1206 = arith.constant 0 : i32
      %ne3A_1207 = arith.cmpi ne, %rem3A_1205, %ne3A_1206 : i32
      %and3A_1208 = arith.andi %ne3A_1204, %ne3A_1207 : i1
      %sub3A_1209 = arith.constant 1 : i32
      %sub3A_1210 = arith.subi %div3A_1189, %sub3A_1209 : i32
      %select_n3A_1211 = arith.select %and3A_1208, %sub3A_1210, %div3A_1189 : i32
      %jit3A_1212 = arith.constant 2 : i32
      %eq3A_1213 = arith.constant 0 : i32
      %eq3A_1214 = arith.cmpi eq, %jit3A_1212, %eq3A_1213 : i32
      %jit3A_1215 = arith.constant 1 : i32
      %select_n3A_1216 = arith.select %eq3A_1214, %jit3A_1215, %jit3A_1212 : i32
      %rem3A_1217 = arith.remsi %add3A_1140, %select_n3A_1216 : i32
      %ne3A_1218 = arith.constant 0 : i32
      %ne3A_1219 = arith.cmpi ne, %rem3A_1217, %ne3A_1218 : i32
      %lt3A_1220 = arith.constant 0 : i32
      %lt3A_1221 = arith.cmpi slt, %rem3A_1217, %lt3A_1220 : i32
      %lt3A_1222 = arith.constant 0 : i32
      %lt3A_1223 = arith.cmpi slt, %select_n3A_1216, %lt3A_1222 : i32
      %ne3A_1224 = arith.xori %lt3A_1221, %lt3A_1223 : i1
      %and3A_1225 = arith.andi %ne3A_1224, %ne3A_1219 : i1
      %add3A_1226 = arith.addi %rem3A_1217, %select_n3A_1216 : i32
      %select_n3A_1227 = arith.select %and3A_1225, %add3A_1226, %rem3A_1217 : i32
      %mul3A_1228 = arith.constant 64 : i32
      %mul3A_1229 = arith.muli %select_n3A_1227, %mul3A_1228 : i32
      %add3A_1230 = arith.addi %mul3A_2, %mul3A_1229 : i32
      %dma_start3A_1231 = arith.constant 0 : i32
      %dma_start3A_1232 = tpu.memref_slice %arg4[%select_n3A_1211, %add3A_1230, %dma_start3A_1231] : memref<50x4096x128xf32, #tpu.memory_space<hbm>> -> memref<1x64x128xf32, #tpu.memory_space<hbm>>
      %dma_start3A_1233 = tpu.memref_squeeze %dma_start3A_1232 : memref<1x64x128xf32, #tpu.memory_space<hbm>> -> memref<64x128xf32, #tpu.memory_space<hbm>>
      %dma_start3A_1234 = arith.constant 0 : i32
      %dma_start3A_1235 = tpu.memref_slice %arg4[%select_n3A_1211, %add3A_1230, %dma_start3A_1234] : memref<50x4096x128xf32, #tpu.memory_space<hbm>> -> memref<1x64x128xf32, #tpu.memory_space<hbm>>
      %dma_start3A_1236 = tpu.memref_squeeze %dma_start3A_1235 : memref<1x64x128xf32, #tpu.memory_space<hbm>> -> memref<64x128xf32, #tpu.memory_space<hbm>>
      tpu.enqueue_dma source(%arg14 : memref<64x128xf32, #tpu.memory_space<vmem>>) target(%dma_start3A_1236 : memref<64x128xf32, #tpu.memory_space<hbm>>) target_semaphore(%arg34 : memref<!tpu.dma_semaphore, #tpu.memory_space<semaphore_mem>>)
      %mul3A_1237 = arith.constant 10 : i32
      %mul3A_1238 = arith.muli %scan3A_346, %mul3A_1237 : i32
      %add3A_1239 = arith.constant 9 : i32
      %add3A_1240 = arith.addi %mul3A_1238, %add3A_1239 : i32
      %jit3A_1241 = arith.constant 2 : i32
      %div3A_1242 = arith.divsi %add3A_1240, %jit3A_1241 : i32
      %sign3A_1243 = arith.constant 0 : i32
      %sign3A_1244 = arith.cmpi sgt, %add3A_1240, %sign3A_1243 : i32
      %sign3A_1245 = arith.extui %sign3A_1244 : i1 to i32
      %sign3A_1246 = arith.constant 0 : i32
      %sign3A_1247 = arith.cmpi slt, %add3A_1240, %sign3A_1246 : i32
      %sign3A_1248 = arith.extui %sign3A_1247 : i1 to i32
      %sign3A_1249 = arith.subi %sign3A_1245, %sign3A_1248 : i32
      %sign3A_1250 = arith.constant 0 : i32
      %sign3A_1251 = arith.cmpi sgt, %jit3A_1241, %sign3A_1250 : i32
      %sign3A_1252 = arith.extui %sign3A_1251 : i1 to i32
      %sign3A_1253 = arith.constant 0 : i32
      %sign3A_1254 = arith.cmpi slt, %jit3A_1241, %sign3A_1253 : i32
      %sign3A_1255 = arith.extui %sign3A_1254 : i1 to i32
      %sign3A_1256 = arith.subi %sign3A_1252, %sign3A_1255 : i32
      %ne3A_1257 = arith.cmpi ne, %sign3A_1249, %sign3A_1256 : i32
      %rem3A_1258 = arith.remsi %add3A_1240, %jit3A_1241 : i32
      %ne3A_1259 = arith.constant 0 : i32
      %ne3A_1260 = arith.cmpi ne, %rem3A_1258, %ne3A_1259 : i32
      %and3A_1261 = arith.andi %ne3A_1257, %ne3A_1260 : i1
      %sub3A_1262 = arith.constant 1 : i32
      %sub3A_1263 = arith.subi %div3A_1242, %sub3A_1262 : i32
      %select_n3A_1264 = arith.select %and3A_1261, %sub3A_1263, %div3A_1242 : i32
      %jit3A_1265 = arith.constant 2 : i32
      %eq3A_1266 = arith.constant 0 : i32
      %eq3A_1267 = arith.cmpi eq, %jit3A_1265, %eq3A_1266 : i32
      %jit3A_1268 = arith.constant 1 : i32
      %select_n3A_1269 = arith.select %eq3A_1267, %jit3A_1268, %jit3A_1265 : i32
      %rem3A_1270 = arith.remsi %add3A_1240, %select_n3A_1269 : i32
      %ne3A_1271 = arith.constant 0 : i32
      %ne3A_1272 = arith.cmpi ne, %rem3A_1270, %ne3A_1271 : i32
      %lt3A_1273 = arith.constant 0 : i32
      %lt3A_1274 = arith.cmpi slt, %rem3A_1270, %lt3A_1273 : i32
      %lt3A_1275 = arith.constant 0 : i32
      %lt3A_1276 = arith.cmpi slt, %select_n3A_1269, %lt3A_1275 : i32
      %ne3A_1277 = arith.xori %lt3A_1274, %lt3A_1276 : i1
      %and3A_1278 = arith.andi %ne3A_1277, %ne3A_1272 : i1
      %add3A_1279 = arith.addi %rem3A_1270, %select_n3A_1269 : i32
      %select_n3A_1280 = arith.select %and3A_1278, %add3A_1279, %rem3A_1270 : i32
      %mul3A_1281 = arith.constant 64 : i32
      %mul3A_1282 = arith.muli %select_n3A_1280, %mul3A_1281 : i32
      %dma_wait3A_1283 = tpu.memref_slice %arg5[%select_n3A_1264, %mul3A_1282] : memref<50x128xi32, #tpu.memory_space<vmem>> -> memref<1x64xi32, #tpu.memory_space<vmem>>
      %dma_wait3A_1284 = tpu.memref_squeeze %dma_wait3A_1283 : memref<1x64xi32, #tpu.memory_space<vmem>> -> memref<64xi32, #tpu.memory_space<vmem>>
      %dma_wait3A_1285 = arith.constant 0 : i32
      %dma_wait3A_1286 = arith.constant 0 : i32
      %dma_wait3A_1287 = tpu.memref_slice %arg3[%dma_wait3A_1285, %dma_wait3A_1286] : memref<100000x128xf32, #tpu.memory_space<hbm>> -> memref<100000x128xf32, #tpu.memory_space<hbm>>
      tpu.wait_indirect_dma semaphore(%arg25 : memref<!tpu.dma_semaphore, #tpu.memory_space<semaphore_mem>>) src(%dma_wait3A_1287 : memref<100000x128xf32, #tpu.memory_space<hbm>>) dst(%arg15 : memref<64x128xf32, #tpu.memory_space<vmem>>)
      %jit3A_1288 = arith.constant 2 : i32
      %div3A_1289 = arith.divsi %add3A_1240, %jit3A_1288 : i32
      %sign3A_1290 = arith.constant 0 : i32
      %sign3A_1291 = arith.cmpi sgt, %add3A_1240, %sign3A_1290 : i32
      %sign3A_1292 = arith.extui %sign3A_1291 : i1 to i32
      %sign3A_1293 = arith.constant 0 : i32
      %sign3A_1294 = arith.cmpi slt, %add3A_1240, %sign3A_1293 : i32
      %sign3A_1295 = arith.extui %sign3A_1294 : i1 to i32
      %sign3A_1296 = arith.subi %sign3A_1292, %sign3A_1295 : i32
      %sign3A_1297 = arith.constant 0 : i32
      %sign3A_1298 = arith.cmpi sgt, %jit3A_1288, %sign3A_1297 : i32
      %sign3A_1299 = arith.extui %sign3A_1298 : i1 to i32
      %sign3A_1300 = arith.constant 0 : i32
      %sign3A_1301 = arith.cmpi slt, %jit3A_1288, %sign3A_1300 : i32
      %sign3A_1302 = arith.extui %sign3A_1301 : i1 to i32
      %sign3A_1303 = arith.subi %sign3A_1299, %sign3A_1302 : i32
      %ne3A_1304 = arith.cmpi ne, %sign3A_1296, %sign3A_1303 : i32
      %rem3A_1305 = arith.remsi %add3A_1240, %jit3A_1288 : i32
      %ne3A_1306 = arith.constant 0 : i32
      %ne3A_1307 = arith.cmpi ne, %rem3A_1305, %ne3A_1306 : i32
      %and3A_1308 = arith.andi %ne3A_1304, %ne3A_1307 : i1
      %sub3A_1309 = arith.constant 1 : i32
      %sub3A_1310 = arith.subi %div3A_1289, %sub3A_1309 : i32
      %select_n3A_1311 = arith.select %and3A_1308, %sub3A_1310, %div3A_1289 : i32
      %jit3A_1312 = arith.constant 2 : i32
      %eq3A_1313 = arith.constant 0 : i32
      %eq3A_1314 = arith.cmpi eq, %jit3A_1312, %eq3A_1313 : i32
      %jit3A_1315 = arith.constant 1 : i32
      %select_n3A_1316 = arith.select %eq3A_1314, %jit3A_1315, %jit3A_1312 : i32
      %rem3A_1317 = arith.remsi %add3A_1240, %select_n3A_1316 : i32
      %ne3A_1318 = arith.constant 0 : i32
      %ne3A_1319 = arith.cmpi ne, %rem3A_1317, %ne3A_1318 : i32
      %lt3A_1320 = arith.constant 0 : i32
      %lt3A_1321 = arith.cmpi slt, %rem3A_1317, %lt3A_1320 : i32
      %lt3A_1322 = arith.constant 0 : i32
      %lt3A_1323 = arith.cmpi slt, %select_n3A_1316, %lt3A_1322 : i32
      %ne3A_1324 = arith.xori %lt3A_1321, %lt3A_1323 : i1
      %and3A_1325 = arith.andi %ne3A_1324, %ne3A_1319 : i1
      %add3A_1326 = arith.addi %rem3A_1317, %select_n3A_1316 : i32
      %select_n3A_1327 = arith.select %and3A_1325, %add3A_1326, %rem3A_1317 : i32
      %mul3A_1328 = arith.constant 64 : i32
      %mul3A_1329 = arith.muli %select_n3A_1327, %mul3A_1328 : i32
      %add3A_1330 = arith.addi %mul3A_2, %mul3A_1329 : i32
      %dma_start3A_1331 = arith.constant 0 : i32
      %dma_start3A_1332 = tpu.memref_slice %arg4[%select_n3A_1311, %add3A_1330, %dma_start3A_1331] : memref<50x4096x128xf32, #tpu.memory_space<hbm>> -> memref<1x64x128xf32, #tpu.memory_space<hbm>>
      %dma_start3A_1333 = tpu.memref_squeeze %dma_start3A_1332 : memref<1x64x128xf32, #tpu.memory_space<hbm>> -> memref<64x128xf32, #tpu.memory_space<hbm>>
      %dma_start3A_1334 = arith.constant 0 : i32
      %dma_start3A_1335 = tpu.memref_slice %arg4[%select_n3A_1311, %add3A_1330, %dma_start3A_1334] : memref<50x4096x128xf32, #tpu.memory_space<hbm>> -> memref<1x64x128xf32, #tpu.memory_space<hbm>>
      %dma_start3A_1336 = tpu.memref_squeeze %dma_start3A_1335 : memref<1x64x128xf32, #tpu.memory_space<hbm>> -> memref<64x128xf32, #tpu.memory_space<hbm>>
      tpu.enqueue_dma source(%arg15 : memref<64x128xf32, #tpu.memory_space<vmem>>) target(%dma_start3A_1336 : memref<64x128xf32, #tpu.memory_space<hbm>>) target_semaphore(%arg35 : memref<!tpu.dma_semaphore, #tpu.memory_space<semaphore_mem>>)
      %mul3A_1337 = arith.constant 10 : i32
      %mul3A_1338 = arith.muli %scan3A_346, %mul3A_1337 : i32
      %add3A_1339 = arith.constant 0 : i32
      %add3A_1340 = arith.addi %mul3A_1338, %add3A_1339 : i32
      %jit3A_1341 = arith.constant 2 : i32
      %div3A_1342 = arith.divsi %add3A_1340, %jit3A_1341 : i32
      %sign3A_1343 = arith.constant 0 : i32
      %sign3A_1344 = arith.cmpi sgt, %add3A_1340, %sign3A_1343 : i32
      %sign3A_1345 = arith.extui %sign3A_1344 : i1 to i32
      %sign3A_1346 = arith.constant 0 : i32
      %sign3A_1347 = arith.cmpi slt, %add3A_1340, %sign3A_1346 : i32
      %sign3A_1348 = arith.extui %sign3A_1347 : i1 to i32
      %sign3A_1349 = arith.subi %sign3A_1345, %sign3A_1348 : i32
      %sign3A_1350 = arith.constant 0 : i32
      %sign3A_1351 = arith.cmpi sgt, %jit3A_1341, %sign3A_1350 : i32
      %sign3A_1352 = arith.extui %sign3A_1351 : i1 to i32
      %sign3A_1353 = arith.constant 0 : i32
      %sign3A_1354 = arith.cmpi slt, %jit3A_1341, %sign3A_1353 : i32
      %sign3A_1355 = arith.extui %sign3A_1354 : i1 to i32
      %sign3A_1356 = arith.subi %sign3A_1352, %sign3A_1355 : i32
      %ne3A_1357 = arith.cmpi ne, %sign3A_1349, %sign3A_1356 : i32
      %rem3A_1358 = arith.remsi %add3A_1340, %jit3A_1341 : i32
      %ne3A_1359 = arith.constant 0 : i32
      %ne3A_1360 = arith.cmpi ne, %rem3A_1358, %ne3A_1359 : i32
      %and3A_1361 = arith.andi %ne3A_1357, %ne3A_1360 : i1
      %sub3A_1362 = arith.constant 1 : i32
      %sub3A_1363 = arith.subi %div3A_1342, %sub3A_1362 : i32
      %select_n3A_1364 = arith.select %and3A_1361, %sub3A_1363, %div3A_1342 : i32
      %jit3A_1365 = arith.constant 2 : i32
      %eq3A_1366 = arith.constant 0 : i32
      %eq3A_1367 = arith.cmpi eq, %jit3A_1365, %eq3A_1366 : i32
      %jit3A_1368 = arith.constant 1 : i32
      %select_n3A_1369 = arith.select %eq3A_1367, %jit3A_1368, %jit3A_1365 : i32
      %rem3A_1370 = arith.remsi %add3A_1340, %select_n3A_1369 : i32
      %ne3A_1371 = arith.constant 0 : i32
      %ne3A_1372 = arith.cmpi ne, %rem3A_1370, %ne3A_1371 : i32
      %lt3A_1373 = arith.constant 0 : i32
      %lt3A_1374 = arith.cmpi slt, %rem3A_1370, %lt3A_1373 : i32
      %lt3A_1375 = arith.constant 0 : i32
      %lt3A_1376 = arith.cmpi slt, %select_n3A_1369, %lt3A_1375 : i32
      %ne3A_1377 = arith.xori %lt3A_1374, %lt3A_1376 : i1
      %and3A_1378 = arith.andi %ne3A_1377, %ne3A_1372 : i1
      %add3A_1379 = arith.addi %rem3A_1370, %select_n3A_1369 : i32
      %select_n3A_1380 = arith.select %and3A_1378, %add3A_1379, %rem3A_1370 : i32
      %mul3A_1381 = arith.constant 64 : i32
      %mul3A_1382 = arith.muli %select_n3A_1380, %mul3A_1381 : i32
      %add3A_1383 = arith.addi %mul3A_2, %mul3A_1382 : i32
      %dma_wait3A_1384 = arith.constant 0 : i32
      %dma_wait3A_1385 = tpu.memref_slice %arg4[%select_n3A_1364, %add3A_1383, %dma_wait3A_1384] : memref<50x4096x128xf32, #tpu.memory_space<hbm>> -> memref<1x64x128xf32, #tpu.memory_space<hbm>>
      %dma_wait3A_1386 = tpu.memref_squeeze %dma_wait3A_1385 : memref<1x64x128xf32, #tpu.memory_space<hbm>> -> memref<64x128xf32, #tpu.memory_space<hbm>>
      %dma_wait3A_1387 = arith.constant 0 : i32
      %dma_wait3A_1388 = tpu.memref_slice %arg4[%select_n3A_1364, %add3A_1383, %dma_wait3A_1387] : memref<50x4096x128xf32, #tpu.memory_space<hbm>> -> memref<1x64x128xf32, #tpu.memory_space<hbm>>
      %dma_wait3A_1389 = tpu.memref_squeeze %dma_wait3A_1388 : memref<1x64x128xf32, #tpu.memory_space<hbm>> -> memref<64x128xf32, #tpu.memory_space<hbm>>
      tpu.wait_dma2 semaphore(%arg26 : memref<!tpu.dma_semaphore, #tpu.memory_space<semaphore_mem>>) src(%arg6 : memref<64x128xf32, #tpu.memory_space<vmem>>) dst(%dma_wait3A_1389 : memref<64x128xf32, #tpu.memory_space<hbm>>)
      %add3A_1390 = arith.constant 1 : i32
      %add3A_1391 = arith.addi %scan3A_346, %add3A_1390 : i32
      %mul3A_1392 = arith.constant 10 : i32
      %mul3A_1393 = arith.muli %add3A_1391, %mul3A_1392 : i32
      %add3A_1394 = arith.constant 0 : i32
      %add3A_1395 = arith.addi %mul3A_1393, %add3A_1394 : i32
      %jit3A_1396 = arith.constant 2 : i32
      %div3A_1397 = arith.divsi %add3A_1395, %jit3A_1396 : i32
      %sign3A_1398 = arith.constant 0 : i32
      %sign3A_1399 = arith.cmpi sgt, %add3A_1395, %sign3A_1398 : i32
      %sign3A_1400 = arith.extui %sign3A_1399 : i1 to i32
      %sign3A_1401 = arith.constant 0 : i32
      %sign3A_1402 = arith.cmpi slt, %add3A_1395, %sign3A_1401 : i32
      %sign3A_1403 = arith.extui %sign3A_1402 : i1 to i32
      %sign3A_1404 = arith.subi %sign3A_1400, %sign3A_1403 : i32
      %sign3A_1405 = arith.constant 0 : i32
      %sign3A_1406 = arith.cmpi sgt, %jit3A_1396, %sign3A_1405 : i32
      %sign3A_1407 = arith.extui %sign3A_1406 : i1 to i32
      %sign3A_1408 = arith.constant 0 : i32
      %sign3A_1409 = arith.cmpi slt, %jit3A_1396, %sign3A_1408 : i32
      %sign3A_1410 = arith.extui %sign3A_1409 : i1 to i32
      %sign3A_1411 = arith.subi %sign3A_1407, %sign3A_1410 : i32
      %ne3A_1412 = arith.cmpi ne, %sign3A_1404, %sign3A_1411 : i32
      %rem3A_1413 = arith.remsi %add3A_1395, %jit3A_1396 : i32
      %ne3A_1414 = arith.constant 0 : i32
      %ne3A_1415 = arith.cmpi ne, %rem3A_1413, %ne3A_1414 : i32
      %and3A_1416 = arith.andi %ne3A_1412, %ne3A_1415 : i1
      %sub3A_1417 = arith.constant 1 : i32
      %sub3A_1418 = arith.subi %div3A_1397, %sub3A_1417 : i32
      %select_n3A_1419 = arith.select %and3A_1416, %sub3A_1418, %div3A_1397 : i32
      %jit3A_1420 = arith.constant 2 : i32
      %eq3A_1421 = arith.constant 0 : i32
      %eq3A_1422 = arith.cmpi eq, %jit3A_1420, %eq3A_1421 : i32
      %jit3A_1423 = arith.constant 1 : i32
      %select_n3A_1424 = arith.select %eq3A_1422, %jit3A_1423, %jit3A_1420 : i32
      %rem3A_1425 = arith.remsi %add3A_1395, %select_n3A_1424 : i32
      %ne3A_1426 = arith.constant 0 : i32
      %ne3A_1427 = arith.cmpi ne, %rem3A_1425, %ne3A_1426 : i32
      %lt3A_1428 = arith.constant 0 : i32
      %lt3A_1429 = arith.cmpi slt, %rem3A_1425, %lt3A_1428 : i32
      %lt3A_1430 = arith.constant 0 : i32
      %lt3A_1431 = arith.cmpi slt, %select_n3A_1424, %lt3A_1430 : i32
      %ne3A_1432 = arith.xori %lt3A_1429, %lt3A_1431 : i1
      %and3A_1433 = arith.andi %ne3A_1432, %ne3A_1427 : i1
      %add3A_1434 = arith.addi %rem3A_1425, %select_n3A_1424 : i32
      %select_n3A_1435 = arith.select %and3A_1433, %add3A_1434, %rem3A_1425 : i32
      %mul3A_1436 = arith.constant 64 : i32
      %mul3A_1437 = arith.muli %select_n3A_1435, %mul3A_1436 : i32
      %dma_start3A_1438 = tpu.memref_slice %arg5[%select_n3A_1419, %mul3A_1437] : memref<50x128xi32, #tpu.memory_space<vmem>> -> memref<1x64xi32, #tpu.memory_space<vmem>>
      %dma_start3A_1439 = tpu.memref_squeeze %dma_start3A_1438 : memref<1x64xi32, #tpu.memory_space<vmem>> -> memref<64xi32, #tpu.memory_space<vmem>>
      %dma_start3A_1440 = arith.constant 0 : i32
      %dma_start3A_1441 = arith.constant 0 : i32
      %dma_start3A_1442 = tpu.memref_slice %arg3[%dma_start3A_1440, %dma_start3A_1441] : memref<100000x128xf32, #tpu.memory_space<hbm>> -> memref<100000x128xf32, #tpu.memory_space<hbm>>
      tpu.enqueue_indirect_dma source(%dma_start3A_1442 : memref<100000x128xf32, #tpu.memory_space<hbm>>) target(%arg6 : memref<64x128xf32, #tpu.memory_space<vmem>>) offsets(%dma_start3A_1439 : memref<64xi32, #tpu.memory_space<vmem>>) semaphore(%arg16 : memref<!tpu.dma_semaphore, #tpu.memory_space<semaphore_mem>>)
      %mul3A_1443 = arith.constant 10 : i32
      %mul3A_1444 = arith.muli %scan3A_346, %mul3A_1443 : i32
      %add3A_1445 = arith.constant 1 : i32
      %add3A_1446 = arith.addi %mul3A_1444, %add3A_1445 : i32
      %jit3A_1447 = arith.constant 2 : i32
      %div3A_1448 = arith.divsi %add3A_1446, %jit3A_1447 : i32
      %sign3A_1449 = arith.constant 0 : i32
      %sign3A_1450 = arith.cmpi sgt, %add3A_1446, %sign3A_1449 : i32
      %sign3A_1451 = arith.extui %sign3A_1450 : i1 to i32
      %sign3A_1452 = arith.constant 0 : i32
      %sign3A_1453 = arith.cmpi slt, %add3A_1446, %sign3A_1452 : i32
      %sign3A_1454 = arith.extui %sign3A_1453 : i1 to i32
      %sign3A_1455 = arith.subi %sign3A_1451, %sign3A_1454 : i32
      %sign3A_1456 = arith.constant 0 : i32
      %sign3A_1457 = arith.cmpi sgt, %jit3A_1447, %sign3A_1456 : i32
      %sign3A_1458 = arith.extui %sign3A_1457 : i1 to i32
      %sign3A_1459 = arith.constant 0 : i32
      %sign3A_1460 = arith.cmpi slt, %jit3A_1447, %sign3A_1459 : i32
      %sign3A_1461 = arith.extui %sign3A_1460 : i1 to i32
      %sign3A_1462 = arith.subi %sign3A_1458, %sign3A_1461 : i32
      %ne3A_1463 = arith.cmpi ne, %sign3A_1455, %sign3A_1462 : i32
      %rem3A_1464 = arith.remsi %add3A_1446, %jit3A_1447 : i32
      %ne3A_1465 = arith.constant 0 : i32
      %ne3A_1466 = arith.cmpi ne, %rem3A_1464, %ne3A_1465 : i32
      %and3A_1467 = arith.andi %ne3A_1463, %ne3A_1466 : i1
      %sub3A_1468 = arith.constant 1 : i32
      %sub3A_1469 = arith.subi %div3A_1448, %sub3A_1468 : i32
      %select_n3A_1470 = arith.select %and3A_1467, %sub3A_1469, %div3A_1448 : i32
      %jit3A_1471 = arith.constant 2 : i32
      %eq3A_1472 = arith.constant 0 : i32
      %eq3A_1473 = arith.cmpi eq, %jit3A_1471, %eq3A_1472 : i32
      %jit3A_1474 = arith.constant 1 : i32
      %select_n3A_1475 = arith.select %eq3A_1473, %jit3A_1474, %jit3A_1471 : i32
      %rem3A_1476 = arith.remsi %add3A_1446, %select_n3A_1475 : i32
      %ne3A_1477 = arith.constant 0 : i32
      %ne3A_1478 = arith.cmpi ne, %rem3A_1476, %ne3A_1477 : i32
      %lt3A_1479 = arith.constant 0 : i32
      %lt3A_1480 = arith.cmpi slt, %rem3A_1476, %lt3A_1479 : i32
      %lt3A_1481 = arith.constant 0 : i32
      %lt3A_1482 = arith.cmpi slt, %select_n3A_1475, %lt3A_1481 : i32
      %ne3A_1483 = arith.xori %lt3A_1480, %lt3A_1482 : i1
      %and3A_1484 = arith.andi %ne3A_1483, %ne3A_1478 : i1
      %add3A_1485 = arith.addi %rem3A_1476, %select_n3A_1475 : i32
      %select_n3A_1486 = arith.select %and3A_1484, %add3A_1485, %rem3A_1476 : i32
      %mul3A_1487 = arith.constant 64 : i32
      %mul3A_1488 = arith.muli %select_n3A_1486, %mul3A_1487 : i32
      %add3A_1489 = arith.addi %mul3A_2, %mul3A_1488 : i32
      %dma_wait3A_1490 = arith.constant 0 : i32
      %dma_wait3A_1491 = tpu.memref_slice %arg4[%select_n3A_1470, %add3A_1489, %dma_wait3A_1490] : memref<50x4096x128xf32, #tpu.memory_space<hbm>> -> memref<1x64x128xf32, #tpu.memory_space<hbm>>
      %dma_wait3A_1492 = tpu.memref_squeeze %dma_wait3A_1491 : memref<1x64x128xf32, #tpu.memory_space<hbm>> -> memref<64x128xf32, #tpu.memory_space<hbm>>
      %dma_wait3A_1493 = arith.constant 0 : i32
      %dma_wait3A_1494 = tpu.memref_slice %arg4[%select_n3A_1470, %add3A_1489, %dma_wait3A_1493] : memref<50x4096x128xf32, #tpu.memory_space<hbm>> -> memref<1x64x128xf32, #tpu.memory_space<hbm>>
      %dma_wait3A_1495 = tpu.memref_squeeze %dma_wait3A_1494 : memref<1x64x128xf32, #tpu.memory_space<hbm>> -> memref<64x128xf32, #tpu.memory_space<hbm>>
      tpu.wait_dma2 semaphore(%arg27 : memref<!tpu.dma_semaphore, #tpu.memory_space<semaphore_mem>>) src(%arg7 : memref<64x128xf32, #tpu.memory_space<vmem>>) dst(%dma_wait3A_1495 : memref<64x128xf32, #tpu.memory_space<hbm>>)
      %add3A_1496 = arith.constant 1 : i32
      %add3A_1497 = arith.addi %scan3A_346, %add3A_1496 : i32
      %mul3A_1498 = arith.constant 10 : i32
      %mul3A_1499 = arith.muli %add3A_1497, %mul3A_1498 : i32
      %add3A_1500 = arith.constant 1 : i32
      %add3A_1501 = arith.addi %mul3A_1499, %add3A_1500 : i32
      %jit3A_1502 = arith.constant 2 : i32
      %div3A_1503 = arith.divsi %add3A_1501, %jit3A_1502 : i32
      %sign3A_1504 = arith.constant 0 : i32
      %sign3A_1505 = arith.cmpi sgt, %add3A_1501, %sign3A_1504 : i32
      %sign3A_1506 = arith.extui %sign3A_1505 : i1 to i32
      %sign3A_1507 = arith.constant 0 : i32
      %sign3A_1508 = arith.cmpi slt, %add3A_1501, %sign3A_1507 : i32
      %sign3A_1509 = arith.extui %sign3A_1508 : i1 to i32
      %sign3A_1510 = arith.subi %sign3A_1506, %sign3A_1509 : i32
      %sign3A_1511 = arith.constant 0 : i32
      %sign3A_1512 = arith.cmpi sgt, %jit3A_1502, %sign3A_1511 : i32
      %sign3A_1513 = arith.extui %sign3A_1512 : i1 to i32
      %sign3A_1514 = arith.constant 0 : i32
      %sign3A_1515 = arith.cmpi slt, %jit3A_1502, %sign3A_1514 : i32
      %sign3A_1516 = arith.extui %sign3A_1515 : i1 to i32
      %sign3A_1517 = arith.subi %sign3A_1513, %sign3A_1516 : i32
      %ne3A_1518 = arith.cmpi ne, %sign3A_1510, %sign3A_1517 : i32
      %rem3A_1519 = arith.remsi %add3A_1501, %jit3A_1502 : i32
      %ne3A_1520 = arith.constant 0 : i32
      %ne3A_1521 = arith.cmpi ne, %rem3A_1519, %ne3A_1520 : i32
      %and3A_1522 = arith.andi %ne3A_1518, %ne3A_1521 : i1
      %sub3A_1523 = arith.constant 1 : i32
      %sub3A_1524 = arith.subi %div3A_1503, %sub3A_1523 : i32
      %select_n3A_1525 = arith.select %and3A_1522, %sub3A_1524, %div3A_1503 : i32
      %jit3A_1526 = arith.constant 2 : i32
      %eq3A_1527 = arith.constant 0 : i32
      %eq3A_1528 = arith.cmpi eq, %jit3A_1526, %eq3A_1527 : i32
      %jit3A_1529 = arith.constant 1 : i32
      %select_n3A_1530 = arith.select %eq3A_1528, %jit3A_1529, %jit3A_1526 : i32
      %rem3A_1531 = arith.remsi %add3A_1501, %select_n3A_1530 : i32
      %ne3A_1532 = arith.constant 0 : i32
      %ne3A_1533 = arith.cmpi ne, %rem3A_1531, %ne3A_1532 : i32
      %lt3A_1534 = arith.constant 0 : i32
      %lt3A_1535 = arith.cmpi slt, %rem3A_1531, %lt3A_1534 : i32
      %lt3A_1536 = arith.constant 0 : i32
      %lt3A_1537 = arith.cmpi slt, %select_n3A_1530, %lt3A_1536 : i32
      %ne3A_1538 = arith.xori %lt3A_1535, %lt3A_1537 : i1
      %and3A_1539 = arith.andi %ne3A_1538, %ne3A_1533 : i1
      %add3A_1540 = arith.addi %rem3A_1531, %select_n3A_1530 : i32
      %select_n3A_1541 = arith.select %and3A_1539, %add3A_1540, %rem3A_1531 : i32
      %mul3A_1542 = arith.constant 64 : i32
      %mul3A_1543 = arith.muli %select_n3A_1541, %mul3A_1542 : i32
      %dma_start3A_1544 = tpu.memref_slice %arg5[%select_n3A_1525, %mul3A_1543] : memref<50x128xi32, #tpu.memory_space<vmem>> -> memref<1x64xi32, #tpu.memory_space<vmem>>
      %dma_start3A_1545 = tpu.memref_squeeze %dma_start3A_1544 : memref<1x64xi32, #tpu.memory_space<vmem>> -> memref<64xi32, #tpu.memory_space<vmem>>
      %dma_start3A_1546 = arith.constant 0 : i32
      %dma_start3A_1547 = arith.constant 0 : i32
      %dma_start3A_1548 = tpu.memref_slice %arg3[%dma_start3A_1546, %dma_start3A_1547] : memref<100000x128xf32, #tpu.memory_space<hbm>> -> memref<100000x128xf32, #tpu.memory_space<hbm>>
      tpu.enqueue_indirect_dma source(%dma_start3A_1548 : memref<100000x128xf32, #tpu.memory_space<hbm>>) target(%arg7 : memref<64x128xf32, #tpu.memory_space<vmem>>) offsets(%dma_start3A_1545 : memref<64xi32, #tpu.memory_space<vmem>>) semaphore(%arg17 : memref<!tpu.dma_semaphore, #tpu.memory_space<semaphore_mem>>)
      %mul3A_1549 = arith.constant 10 : i32
      %mul3A_1550 = arith.muli %scan3A_346, %mul3A_1549 : i32
      %add3A_1551 = arith.constant 2 : i32
      %add3A_1552 = arith.addi %mul3A_1550, %add3A_1551 : i32
      %jit3A_1553 = arith.constant 2 : i32
      %div3A_1554 = arith.divsi %add3A_1552, %jit3A_1553 : i32
      %sign3A_1555 = arith.constant 0 : i32
      %sign3A_1556 = arith.cmpi sgt, %add3A_1552, %sign3A_1555 : i32
      %sign3A_1557 = arith.extui %sign3A_1556 : i1 to i32
      %sign3A_1558 = arith.constant 0 : i32
      %sign3A_1559 = arith.cmpi slt, %add3A_1552, %sign3A_1558 : i32
      %sign3A_1560 = arith.extui %sign3A_1559 : i1 to i32
      %sign3A_1561 = arith.subi %sign3A_1557, %sign3A_1560 : i32
      %sign3A_1562 = arith.constant 0 : i32
      %sign3A_1563 = arith.cmpi sgt, %jit3A_1553, %sign3A_1562 : i32
      %sign3A_1564 = arith.extui %sign3A_1563 : i1 to i32
      %sign3A_1565 = arith.constant 0 : i32
      %sign3A_1566 = arith.cmpi slt, %jit3A_1553, %sign3A_1565 : i32
      %sign3A_1567 = arith.extui %sign3A_1566 : i1 to i32
      %sign3A_1568 = arith.subi %sign3A_1564, %sign3A_1567 : i32
      %ne3A_1569 = arith.cmpi ne, %sign3A_1561, %sign3A_1568 : i32
      %rem3A_1570 = arith.remsi %add3A_1552, %jit3A_1553 : i32
      %ne3A_1571 = arith.constant 0 : i32
      %ne3A_1572 = arith.cmpi ne, %rem3A_1570, %ne3A_1571 : i32
      %and3A_1573 = arith.andi %ne3A_1569, %ne3A_1572 : i1
      %sub3A_1574 = arith.constant 1 : i32
      %sub3A_1575 = arith.subi %div3A_1554, %sub3A_1574 : i32
      %select_n3A_1576 = arith.select %and3A_1573, %sub3A_1575, %div3A_1554 : i32
      %jit3A_1577 = arith.constant 2 : i32
      %eq3A_1578 = arith.constant 0 : i32
      %eq3A_1579 = arith.cmpi eq, %jit3A_1577, %eq3A_1578 : i32
      %jit3A_1580 = arith.constant 1 : i32
      %select_n3A_1581 = arith.select %eq3A_1579, %jit3A_1580, %jit3A_1577 : i32
      %rem3A_1582 = arith.remsi %add3A_1552, %select_n3A_1581 : i32
      %ne3A_1583 = arith.constant 0 : i32
      %ne3A_1584 = arith.cmpi ne, %rem3A_1582, %ne3A_1583 : i32
      %lt3A_1585 = arith.constant 0 : i32
      %lt3A_1586 = arith.cmpi slt, %rem3A_1582, %lt3A_1585 : i32
      %lt3A_1587 = arith.constant 0 : i32
      %lt3A_1588 = arith.cmpi slt, %select_n3A_1581, %lt3A_1587 : i32
      %ne3A_1589 = arith.xori %lt3A_1586, %lt3A_1588 : i1
      %and3A_1590 = arith.andi %ne3A_1589, %ne3A_1584 : i1
      %add3A_1591 = arith.addi %rem3A_1582, %select_n3A_1581 : i32
      %select_n3A_1592 = arith.select %and3A_1590, %add3A_1591, %rem3A_1582 : i32
      %mul3A_1593 = arith.constant 64 : i32
      %mul3A_1594 = arith.muli %select_n3A_1592, %mul3A_1593 : i32
      %add3A_1595 = arith.addi %mul3A_2, %mul3A_1594 : i32
      %dma_wait3A_1596 = arith.constant 0 : i32
      %dma_wait3A_1597 = tpu.memref_slice %arg4[%select_n3A_1576, %add3A_1595, %dma_wait3A_1596] : memref<50x4096x128xf32, #tpu.memory_space<hbm>> -> memref<1x64x128xf32, #tpu.memory_space<hbm>>
      %dma_wait3A_1598 = tpu.memref_squeeze %dma_wait3A_1597 : memref<1x64x128xf32, #tpu.memory_space<hbm>> -> memref<64x128xf32, #tpu.memory_space<hbm>>
      %dma_wait3A_1599 = arith.constant 0 : i32
      %dma_wait3A_1600 = tpu.memref_slice %arg4[%select_n3A_1576, %add3A_1595, %dma_wait3A_1599] : memref<50x4096x128xf32, #tpu.memory_space<hbm>> -> memref<1x64x128xf32, #tpu.memory_space<hbm>>
      %dma_wait3A_1601 = tpu.memref_squeeze %dma_wait3A_1600 : memref<1x64x128xf32, #tpu.memory_space<hbm>> -> memref<64x128xf32, #tpu.memory_space<hbm>>
      tpu.wait_dma2 semaphore(%arg28 : memref<!tpu.dma_semaphore, #tpu.memory_space<semaphore_mem>>) src(%arg8 : memref<64x128xf32, #tpu.memory_space<vmem>>) dst(%dma_wait3A_1601 : memref<64x128xf32, #tpu.memory_space<hbm>>)
      %add3A_1602 = arith.constant 1 : i32
      %add3A_1603 = arith.addi %scan3A_346, %add3A_1602 : i32
      %mul3A_1604 = arith.constant 10 : i32
      %mul3A_1605 = arith.muli %add3A_1603, %mul3A_1604 : i32
      %add3A_1606 = arith.constant 2 : i32
      %add3A_1607 = arith.addi %mul3A_1605, %add3A_1606 : i32
      %jit3A_1608 = arith.constant 2 : i32
      %div3A_1609 = arith.divsi %add3A_1607, %jit3A_1608 : i32
      %sign3A_1610 = arith.constant 0 : i32
      %sign3A_1611 = arith.cmpi sgt, %add3A_1607, %sign3A_1610 : i32
      %sign3A_1612 = arith.extui %sign3A_1611 : i1 to i32
      %sign3A_1613 = arith.constant 0 : i32
      %sign3A_1614 = arith.cmpi slt, %add3A_1607, %sign3A_1613 : i32
      %sign3A_1615 = arith.extui %sign3A_1614 : i1 to i32
      %sign3A_1616 = arith.subi %sign3A_1612, %sign3A_1615 : i32
      %sign3A_1617 = arith.constant 0 : i32
      %sign3A_1618 = arith.cmpi sgt, %jit3A_1608, %sign3A_1617 : i32
      %sign3A_1619 = arith.extui %sign3A_1618 : i1 to i32
      %sign3A_1620 = arith.constant 0 : i32
      %sign3A_1621 = arith.cmpi slt, %jit3A_1608, %sign3A_1620 : i32
      %sign3A_1622 = arith.extui %sign3A_1621 : i1 to i32
      %sign3A_1623 = arith.subi %sign3A_1619, %sign3A_1622 : i32
      %ne3A_1624 = arith.cmpi ne, %sign3A_1616, %sign3A_1623 : i32
      %rem3A_1625 = arith.remsi %add3A_1607, %jit3A_1608 : i32
      %ne3A_1626 = arith.constant 0 : i32
      %ne3A_1627 = arith.cmpi ne, %rem3A_1625, %ne3A_1626 : i32
      %and3A_1628 = arith.andi %ne3A_1624, %ne3A_1627 : i1
      %sub3A_1629 = arith.constant 1 : i32
      %sub3A_1630 = arith.subi %div3A_1609, %sub3A_1629 : i32
      %select_n3A_1631 = arith.select %and3A_1628, %sub3A_1630, %div3A_1609 : i32
      %jit3A_1632 = arith.constant 2 : i32
      %eq3A_1633 = arith.constant 0 : i32
      %eq3A_1634 = arith.cmpi eq, %jit3A_1632, %eq3A_1633 : i32
      %jit3A_1635 = arith.constant 1 : i32
      %select_n3A_1636 = arith.select %eq3A_1634, %jit3A_1635, %jit3A_1632 : i32
      %rem3A_1637 = arith.remsi %add3A_1607, %select_n3A_1636 : i32
      %ne3A_1638 = arith.constant 0 : i32
      %ne3A_1639 = arith.cmpi ne, %rem3A_1637, %ne3A_1638 : i32
      %lt3A_1640 = arith.constant 0 : i32
      %lt3A_1641 = arith.cmpi slt, %rem3A_1637, %lt3A_1640 : i32
      %lt3A_1642 = arith.constant 0 : i32
      %lt3A_1643 = arith.cmpi slt, %select_n3A_1636, %lt3A_1642 : i32
      %ne3A_1644 = arith.xori %lt3A_1641, %lt3A_1643 : i1
      %and3A_1645 = arith.andi %ne3A_1644, %ne3A_1639 : i1
      %add3A_1646 = arith.addi %rem3A_1637, %select_n3A_1636 : i32
      %select_n3A_1647 = arith.select %and3A_1645, %add3A_1646, %rem3A_1637 : i32
      %mul3A_1648 = arith.constant 64 : i32
      %mul3A_1649 = arith.muli %select_n3A_1647, %mul3A_1648 : i32
      %dma_start3A_1650 = tpu.memref_slice %arg5[%select_n3A_1631, %mul3A_1649] : memref<50x128xi32, #tpu.memory_space<vmem>> -> memref<1x64xi32, #tpu.memory_space<vmem>>
      %dma_start3A_1651 = tpu.memref_squeeze %dma_start3A_1650 : memref<1x64xi32, #tpu.memory_space<vmem>> -> memref<64xi32, #tpu.memory_space<vmem>>
      %dma_start3A_1652 = arith.constant 0 : i32
      %dma_start3A_1653 = arith.constant 0 : i32
      %dma_start3A_1654 = tpu.memref_slice %arg3[%dma_start3A_1652, %dma_start3A_1653] : memref<100000x128xf32, #tpu.memory_space<hbm>> -> memref<100000x128xf32, #tpu.memory_space<hbm>>
      tpu.enqueue_indirect_dma source(%dma_start3A_1654 : memref<100000x128xf32, #tpu.memory_space<hbm>>) target(%arg8 : memref<64x128xf32, #tpu.memory_space<vmem>>) offsets(%dma_start3A_1651 : memref<64xi32, #tpu.memory_space<vmem>>) semaphore(%arg18 : memref<!tpu.dma_semaphore, #tpu.memory_space<semaphore_mem>>)
      %mul3A_1655 = arith.constant 10 : i32
      %mul3A_1656 = arith.muli %scan3A_346, %mul3A_1655 : i32
      %add3A_1657 = arith.constant 3 : i32
      %add3A_1658 = arith.addi %mul3A_1656, %add3A_1657 : i32
      %jit3A_1659 = arith.constant 2 : i32
      %div3A_1660 = arith.divsi %add3A_1658, %jit3A_1659 : i32
      %sign3A_1661 = arith.constant 0 : i32
      %sign3A_1662 = arith.cmpi sgt, %add3A_1658, %sign3A_1661 : i32
      %sign3A_1663 = arith.extui %sign3A_1662 : i1 to i32
      %sign3A_1664 = arith.constant 0 : i32
      %sign3A_1665 = arith.cmpi slt, %add3A_1658, %sign3A_1664 : i32
      %sign3A_1666 = arith.extui %sign3A_1665 : i1 to i32
      %sign3A_1667 = arith.subi %sign3A_1663, %sign3A_1666 : i32
      %sign3A_1668 = arith.constant 0 : i32
      %sign3A_1669 = arith.cmpi sgt, %jit3A_1659, %sign3A_1668 : i32
      %sign3A_1670 = arith.extui %sign3A_1669 : i1 to i32
      %sign3A_1671 = arith.constant 0 : i32
      %sign3A_1672 = arith.cmpi slt, %jit3A_1659, %sign3A_1671 : i32
      %sign3A_1673 = arith.extui %sign3A_1672 : i1 to i32
      %sign3A_1674 = arith.subi %sign3A_1670, %sign3A_1673 : i32
      %ne3A_1675 = arith.cmpi ne, %sign3A_1667, %sign3A_1674 : i32
      %rem3A_1676 = arith.remsi %add3A_1658, %jit3A_1659 : i32
      %ne3A_1677 = arith.constant 0 : i32
      %ne3A_1678 = arith.cmpi ne, %rem3A_1676, %ne3A_1677 : i32
      %and3A_1679 = arith.andi %ne3A_1675, %ne3A_1678 : i1
      %sub3A_1680 = arith.constant 1 : i32
      %sub3A_1681 = arith.subi %div3A_1660, %sub3A_1680 : i32
      %select_n3A_1682 = arith.select %and3A_1679, %sub3A_1681, %div3A_1660 : i32
      %jit3A_1683 = arith.constant 2 : i32
      %eq3A_1684 = arith.constant 0 : i32
      %eq3A_1685 = arith.cmpi eq, %jit3A_1683, %eq3A_1684 : i32
      %jit3A_1686 = arith.constant 1 : i32
      %select_n3A_1687 = arith.select %eq3A_1685, %jit3A_1686, %jit3A_1683 : i32
      %rem3A_1688 = arith.remsi %add3A_1658, %select_n3A_1687 : i32
      %ne3A_1689 = arith.constant 0 : i32
      %ne3A_1690 = arith.cmpi ne, %rem3A_1688, %ne3A_1689 : i32
      %lt3A_1691 = arith.constant 0 : i32
      %lt3A_1692 = arith.cmpi slt, %rem3A_1688, %lt3A_1691 : i32
      %lt3A_1693 = arith.constant 0 : i32
      %lt3A_1694 = arith.cmpi slt, %select_n3A_1687, %lt3A_1693 : i32
      %ne3A_1695 = arith.xori %lt3A_1692, %lt3A_1694 : i1
      %and3A_1696 = arith.andi %ne3A_1695, %ne3A_1690 : i1
      %add3A_1697 = arith.addi %rem3A_1688, %select_n3A_1687 : i32
      %select_n3A_1698 = arith.select %and3A_1696, %add3A_1697, %rem3A_1688 : i32
      %mul3A_1699 = arith.constant 64 : i32
      %mul3A_1700 = arith.muli %select_n3A_1698, %mul3A_1699 : i32
      %add3A_1701 = arith.addi %mul3A_2, %mul3A_1700 : i32
      %dma_wait3A_1702 = arith.constant 0 : i32
      %dma_wait3A_1703 = tpu.memref_slice %arg4[%select_n3A_1682, %add3A_1701, %dma_wait3A_1702] : memref<50x4096x128xf32, #tpu.memory_space<hbm>> -> memref<1x64x128xf32, #tpu.memory_space<hbm>>
      %dma_wait3A_1704 = tpu.memref_squeeze %dma_wait3A_1703 : memref<1x64x128xf32, #tpu.memory_space<hbm>> -> memref<64x128xf32, #tpu.memory_space<hbm>>
      %dma_wait3A_1705 = arith.constant 0 : i32
      %dma_wait3A_1706 = tpu.memref_slice %arg4[%select_n3A_1682, %add3A_1701, %dma_wait3A_1705] : memref<50x4096x128xf32, #tpu.memory_space<hbm>> -> memref<1x64x128xf32, #tpu.memory_space<hbm>>
      %dma_wait3A_1707 = tpu.memref_squeeze %dma_wait3A_1706 : memref<1x64x128xf32, #tpu.memory_space<hbm>> -> memref<64x128xf32, #tpu.memory_space<hbm>>
      tpu.wait_dma2 semaphore(%arg29 : memref<!tpu.dma_semaphore, #tpu.memory_space<semaphore_mem>>) src(%arg9 : memref<64x128xf32, #tpu.memory_space<vmem>>) dst(%dma_wait3A_1707 : memref<64x128xf32, #tpu.memory_space<hbm>>)
      %add3A_1708 = arith.constant 1 : i32
      %add3A_1709 = arith.addi %scan3A_346, %add3A_1708 : i32
      %mul3A_1710 = arith.constant 10 : i32
      %mul3A_1711 = arith.muli %add3A_1709, %mul3A_1710 : i32
      %add3A_1712 = arith.constant 3 : i32
      %add3A_1713 = arith.addi %mul3A_1711, %add3A_1712 : i32
      %jit3A_1714 = arith.constant 2 : i32
      %div3A_1715 = arith.divsi %add3A_1713, %jit3A_1714 : i32
      %sign3A_1716 = arith.constant 0 : i32
      %sign3A_1717 = arith.cmpi sgt, %add3A_1713, %sign3A_1716 : i32
      %sign3A_1718 = arith.extui %sign3A_1717 : i1 to i32
      %sign3A_1719 = arith.constant 0 : i32
      %sign3A_1720 = arith.cmpi slt, %add3A_1713, %sign3A_1719 : i32
      %sign3A_1721 = arith.extui %sign3A_1720 : i1 to i32
      %sign3A_1722 = arith.subi %sign3A_1718, %sign3A_1721 : i32
      %sign3A_1723 = arith.constant 0 : i32
      %sign3A_1724 = arith.cmpi sgt, %jit3A_1714, %sign3A_1723 : i32
      %sign3A_1725 = arith.extui %sign3A_1724 : i1 to i32
      %sign3A_1726 = arith.constant 0 : i32
      %sign3A_1727 = arith.cmpi slt, %jit3A_1714, %sign3A_1726 : i32
      %sign3A_1728 = arith.extui %sign3A_1727 : i1 to i32
      %sign3A_1729 = arith.subi %sign3A_1725, %sign3A_1728 : i32
      %ne3A_1730 = arith.cmpi ne, %sign3A_1722, %sign3A_1729 : i32
      %rem3A_1731 = arith.remsi %add3A_1713, %jit3A_1714 : i32
      %ne3A_1732 = arith.constant 0 : i32
      %ne3A_1733 = arith.cmpi ne, %rem3A_1731, %ne3A_1732 : i32
      %and3A_1734 = arith.andi %ne3A_1730, %ne3A_1733 : i1
      %sub3A_1735 = arith.constant 1 : i32
      %sub3A_1736 = arith.subi %div3A_1715, %sub3A_1735 : i32
      %select_n3A_1737 = arith.select %and3A_1734, %sub3A_1736, %div3A_1715 : i32
      %jit3A_1738 = arith.constant 2 : i32
      %eq3A_1739 = arith.constant 0 : i32
      %eq3A_1740 = arith.cmpi eq, %jit3A_1738, %eq3A_1739 : i32
      %jit3A_1741 = arith.constant 1 : i32
      %select_n3A_1742 = arith.select %eq3A_1740, %jit3A_1741, %jit3A_1738 : i32
      %rem3A_1743 = arith.remsi %add3A_1713, %select_n3A_1742 : i32
      %ne3A_1744 = arith.constant 0 : i32
      %ne3A_1745 = arith.cmpi ne, %rem3A_1743, %ne3A_1744 : i32
      %lt3A_1746 = arith.constant 0 : i32
      %lt3A_1747 = arith.cmpi slt, %rem3A_1743, %lt3A_1746 : i32
      %lt3A_1748 = arith.constant 0 : i32
      %lt3A_1749 = arith.cmpi slt, %select_n3A_1742, %lt3A_1748 : i32
      %ne3A_1750 = arith.xori %lt3A_1747, %lt3A_1749 : i1
      %and3A_1751 = arith.andi %ne3A_1750, %ne3A_1745 : i1
      %add3A_1752 = arith.addi %rem3A_1743, %select_n3A_1742 : i32
      %select_n3A_1753 = arith.select %and3A_1751, %add3A_1752, %rem3A_1743 : i32
      %mul3A_1754 = arith.constant 64 : i32
      %mul3A_1755 = arith.muli %select_n3A_1753, %mul3A_1754 : i32
      %dma_start3A_1756 = tpu.memref_slice %arg5[%select_n3A_1737, %mul3A_1755] : memref<50x128xi32, #tpu.memory_space<vmem>> -> memref<1x64xi32, #tpu.memory_space<vmem>>
      %dma_start3A_1757 = tpu.memref_squeeze %dma_start3A_1756 : memref<1x64xi32, #tpu.memory_space<vmem>> -> memref<64xi32, #tpu.memory_space<vmem>>
      %dma_start3A_1758 = arith.constant 0 : i32
      %dma_start3A_1759 = arith.constant 0 : i32
      %dma_start3A_1760 = tpu.memref_slice %arg3[%dma_start3A_1758, %dma_start3A_1759] : memref<100000x128xf32, #tpu.memory_space<hbm>> -> memref<100000x128xf32, #tpu.memory_space<hbm>>
      tpu.enqueue_indirect_dma source(%dma_start3A_1760 : memref<100000x128xf32, #tpu.memory_space<hbm>>) target(%arg9 : memref<64x128xf32, #tpu.memory_space<vmem>>) offsets(%dma_start3A_1757 : memref<64xi32, #tpu.memory_space<vmem>>) semaphore(%arg19 : memref<!tpu.dma_semaphore, #tpu.memory_space<semaphore_mem>>)
      %mul3A_1761 = arith.constant 10 : i32
      %mul3A_1762 = arith.muli %scan3A_346, %mul3A_1761 : i32
      %add3A_1763 = arith.constant 4 : i32
      %add3A_1764 = arith.addi %mul3A_1762, %add3A_1763 : i32
      %jit3A_1765 = arith.constant 2 : i32
      %div3A_1766 = arith.divsi %add3A_1764, %jit3A_1765 : i32
      %sign3A_1767 = arith.constant 0 : i32
      %sign3A_1768 = arith.cmpi sgt, %add3A_1764, %sign3A_1767 : i32
      %sign3A_1769 = arith.extui %sign3A_1768 : i1 to i32
      %sign3A_1770 = arith.constant 0 : i32
      %sign3A_1771 = arith.cmpi slt, %add3A_1764, %sign3A_1770 : i32
      %sign3A_1772 = arith.extui %sign3A_1771 : i1 to i32
      %sign3A_1773 = arith.subi %sign3A_1769, %sign3A_1772 : i32
      %sign3A_1774 = arith.constant 0 : i32
      %sign3A_1775 = arith.cmpi sgt, %jit3A_1765, %sign3A_1774 : i32
      %sign3A_1776 = arith.extui %sign3A_1775 : i1 to i32
      %sign3A_1777 = arith.constant 0 : i32
      %sign3A_1778 = arith.cmpi slt, %jit3A_1765, %sign3A_1777 : i32
      %sign3A_1779 = arith.extui %sign3A_1778 : i1 to i32
      %sign3A_1780 = arith.subi %sign3A_1776, %sign3A_1779 : i32
      %ne3A_1781 = arith.cmpi ne, %sign3A_1773, %sign3A_1780 : i32
      %rem3A_1782 = arith.remsi %add3A_1764, %jit3A_1765 : i32
      %ne3A_1783 = arith.constant 0 : i32
      %ne3A_1784 = arith.cmpi ne, %rem3A_1782, %ne3A_1783 : i32
      %and3A_1785 = arith.andi %ne3A_1781, %ne3A_1784 : i1
      %sub3A_1786 = arith.constant 1 : i32
      %sub3A_1787 = arith.subi %div3A_1766, %sub3A_1786 : i32
      %select_n3A_1788 = arith.select %and3A_1785, %sub3A_1787, %div3A_1766 : i32
      %jit3A_1789 = arith.constant 2 : i32
      %eq3A_1790 = arith.constant 0 : i32
      %eq3A_1791 = arith.cmpi eq, %jit3A_1789, %eq3A_1790 : i32
      %jit3A_1792 = arith.constant 1 : i32
      %select_n3A_1793 = arith.select %eq3A_1791, %jit3A_1792, %jit3A_1789 : i32
      %rem3A_1794 = arith.remsi %add3A_1764, %select_n3A_1793 : i32
      %ne3A_1795 = arith.constant 0 : i32
      %ne3A_1796 = arith.cmpi ne, %rem3A_1794, %ne3A_1795 : i32
      %lt3A_1797 = arith.constant 0 : i32
      %lt3A_1798 = arith.cmpi slt, %rem3A_1794, %lt3A_1797 : i32
      %lt3A_1799 = arith.constant 0 : i32
      %lt3A_1800 = arith.cmpi slt, %select_n3A_1793, %lt3A_1799 : i32
      %ne3A_1801 = arith.xori %lt3A_1798, %lt3A_1800 : i1
      %and3A_1802 = arith.andi %ne3A_1801, %ne3A_1796 : i1
      %add3A_1803 = arith.addi %rem3A_1794, %select_n3A_1793 : i32
      %select_n3A_1804 = arith.select %and3A_1802, %add3A_1803, %rem3A_1794 : i32
      %mul3A_1805 = arith.constant 64 : i32
      %mul3A_1806 = arith.muli %select_n3A_1804, %mul3A_1805 : i32
      %add3A_1807 = arith.addi %mul3A_2, %mul3A_1806 : i32
      %dma_wait3A_1808 = arith.constant 0 : i32
      %dma_wait3A_1809 = tpu.memref_slice %arg4[%select_n3A_1788, %add3A_1807, %dma_wait3A_1808] : memref<50x4096x128xf32, #tpu.memory_space<hbm>> -> memref<1x64x128xf32, #tpu.memory_space<hbm>>
      %dma_wait3A_1810 = tpu.memref_squeeze %dma_wait3A_1809 : memref<1x64x128xf32, #tpu.memory_space<hbm>> -> memref<64x128xf32, #tpu.memory_space<hbm>>
      %dma_wait3A_1811 = arith.constant 0 : i32
      %dma_wait3A_1812 = tpu.memref_slice %arg4[%select_n3A_1788, %add3A_1807, %dma_wait3A_1811] : memref<50x4096x128xf32, #tpu.memory_space<hbm>> -> memref<1x64x128xf32, #tpu.memory_space<hbm>>
      %dma_wait3A_1813 = tpu.memref_squeeze %dma_wait3A_1812 : memref<1x64x128xf32, #tpu.memory_space<hbm>> -> memref<64x128xf32, #tpu.memory_space<hbm>>
      tpu.wait_dma2 semaphore(%arg30 : memref<!tpu.dma_semaphore, #tpu.memory_space<semaphore_mem>>) src(%arg10 : memref<64x128xf32, #tpu.memory_space<vmem>>) dst(%dma_wait3A_1813 : memref<64x128xf32, #tpu.memory_space<hbm>>)
      %add3A_1814 = arith.constant 1 : i32
      %add3A_1815 = arith.addi %scan3A_346, %add3A_1814 : i32
      %mul3A_1816 = arith.constant 10 : i32
      %mul3A_1817 = arith.muli %add3A_1815, %mul3A_1816 : i32
      %add3A_1818 = arith.constant 4 : i32
      %add3A_1819 = arith.addi %mul3A_1817, %add3A_1818 : i32
      %jit3A_1820 = arith.constant 2 : i32
      %div3A_1821 = arith.divsi %add3A_1819, %jit3A_1820 : i32
      %sign3A_1822 = arith.constant 0 : i32
      %sign3A_1823 = arith.cmpi sgt, %add3A_1819, %sign3A_1822 : i32
      %sign3A_1824 = arith.extui %sign3A_1823 : i1 to i32
      %sign3A_1825 = arith.constant 0 : i32
      %sign3A_1826 = arith.cmpi slt, %add3A_1819, %sign3A_1825 : i32
      %sign3A_1827 = arith.extui %sign3A_1826 : i1 to i32
      %sign3A_1828 = arith.subi %sign3A_1824, %sign3A_1827 : i32
      %sign3A_1829 = arith.constant 0 : i32
      %sign3A_1830 = arith.cmpi sgt, %jit3A_1820, %sign3A_1829 : i32
      %sign3A_1831 = arith.extui %sign3A_1830 : i1 to i32
      %sign3A_1832 = arith.constant 0 : i32
      %sign3A_1833 = arith.cmpi slt, %jit3A_1820, %sign3A_1832 : i32
      %sign3A_1834 = arith.extui %sign3A_1833 : i1 to i32
      %sign3A_1835 = arith.subi %sign3A_1831, %sign3A_1834 : i32
      %ne3A_1836 = arith.cmpi ne, %sign3A_1828, %sign3A_1835 : i32
      %rem3A_1837 = arith.remsi %add3A_1819, %jit3A_1820 : i32
      %ne3A_1838 = arith.constant 0 : i32
      %ne3A_1839 = arith.cmpi ne, %rem3A_1837, %ne3A_1838 : i32
      %and3A_1840 = arith.andi %ne3A_1836, %ne3A_1839 : i1
      %sub3A_1841 = arith.constant 1 : i32
      %sub3A_1842 = arith.subi %div3A_1821, %sub3A_1841 : i32
      %select_n3A_1843 = arith.select %and3A_1840, %sub3A_1842, %div3A_1821 : i32
      %jit3A_1844 = arith.constant 2 : i32
      %eq3A_1845 = arith.constant 0 : i32
      %eq3A_1846 = arith.cmpi eq, %jit3A_1844, %eq3A_1845 : i32
      %jit3A_1847 = arith.constant 1 : i32
      %select_n3A_1848 = arith.select %eq3A_1846, %jit3A_1847, %jit3A_1844 : i32
      %rem3A_1849 = arith.remsi %add3A_1819, %select_n3A_1848 : i32
      %ne3A_1850 = arith.constant 0 : i32
      %ne3A_1851 = arith.cmpi ne, %rem3A_1849, %ne3A_1850 : i32
      %lt3A_1852 = arith.constant 0 : i32
      %lt3A_1853 = arith.cmpi slt, %rem3A_1849, %lt3A_1852 : i32
      %lt3A_1854 = arith.constant 0 : i32
      %lt3A_1855 = arith.cmpi slt, %select_n3A_1848, %lt3A_1854 : i32
      %ne3A_1856 = arith.xori %lt3A_1853, %lt3A_1855 : i1
      %and3A_1857 = arith.andi %ne3A_1856, %ne3A_1851 : i1
      %add3A_1858 = arith.addi %rem3A_1849, %select_n3A_1848 : i32
      %select_n3A_1859 = arith.select %and3A_1857, %add3A_1858, %rem3A_1849 : i32
      %mul3A_1860 = arith.constant 64 : i32
      %mul3A_1861 = arith.muli %select_n3A_1859, %mul3A_1860 : i32
      %dma_start3A_1862 = tpu.memref_slice %arg5[%select_n3A_1843, %mul3A_1861] : memref<50x128xi32, #tpu.memory_space<vmem>> -> memref<1x64xi32, #tpu.memory_space<vmem>>
      %dma_start3A_1863 = tpu.memref_squeeze %dma_start3A_1862 : memref<1x64xi32, #tpu.memory_space<vmem>> -> memref<64xi32, #tpu.memory_space<vmem>>
      %dma_start3A_1864 = arith.constant 0 : i32
      %dma_start3A_1865 = arith.constant 0 : i32
      %dma_start3A_1866 = tpu.memref_slice %arg3[%dma_start3A_1864, %dma_start3A_1865] : memref<100000x128xf32, #tpu.memory_space<hbm>> -> memref<100000x128xf32, #tpu.memory_space<hbm>>
      tpu.enqueue_indirect_dma source(%dma_start3A_1866 : memref<100000x128xf32, #tpu.memory_space<hbm>>) target(%arg10 : memref<64x128xf32, #tpu.memory_space<vmem>>) offsets(%dma_start3A_1863 : memref<64xi32, #tpu.memory_space<vmem>>) semaphore(%arg20 : memref<!tpu.dma_semaphore, #tpu.memory_space<semaphore_mem>>)
      %mul3A_1867 = arith.constant 10 : i32
      %mul3A_1868 = arith.muli %scan3A_346, %mul3A_1867 : i32
      %add3A_1869 = arith.constant 5 : i32
      %add3A_1870 = arith.addi %mul3A_1868, %add3A_1869 : i32
      %jit3A_1871 = arith.constant 2 : i32
      %div3A_1872 = arith.divsi %add3A_1870, %jit3A_1871 : i32
      %sign3A_1873 = arith.constant 0 : i32
      %sign3A_1874 = arith.cmpi sgt, %add3A_1870, %sign3A_1873 : i32
      %sign3A_1875 = arith.extui %sign3A_1874 : i1 to i32
      %sign3A_1876 = arith.constant 0 : i32
      %sign3A_1877 = arith.cmpi slt, %add3A_1870, %sign3A_1876 : i32
      %sign3A_1878 = arith.extui %sign3A_1877 : i1 to i32
      %sign3A_1879 = arith.subi %sign3A_1875, %sign3A_1878 : i32
      %sign3A_1880 = arith.constant 0 : i32
      %sign3A_1881 = arith.cmpi sgt, %jit3A_1871, %sign3A_1880 : i32
      %sign3A_1882 = arith.extui %sign3A_1881 : i1 to i32
      %sign3A_1883 = arith.constant 0 : i32
      %sign3A_1884 = arith.cmpi slt, %jit3A_1871, %sign3A_1883 : i32
      %sign3A_1885 = arith.extui %sign3A_1884 : i1 to i32
      %sign3A_1886 = arith.subi %sign3A_1882, %sign3A_1885 : i32
      %ne3A_1887 = arith.cmpi ne, %sign3A_1879, %sign3A_1886 : i32
      %rem3A_1888 = arith.remsi %add3A_1870, %jit3A_1871 : i32
      %ne3A_1889 = arith.constant 0 : i32
      %ne3A_1890 = arith.cmpi ne, %rem3A_1888, %ne3A_1889 : i32
      %and3A_1891 = arith.andi %ne3A_1887, %ne3A_1890 : i1
      %sub3A_1892 = arith.constant 1 : i32
      %sub3A_1893 = arith.subi %div3A_1872, %sub3A_1892 : i32
      %select_n3A_1894 = arith.select %and3A_1891, %sub3A_1893, %div3A_1872 : i32
      %jit3A_1895 = arith.constant 2 : i32
      %eq3A_1896 = arith.constant 0 : i32
      %eq3A_1897 = arith.cmpi eq, %jit3A_1895, %eq3A_1896 : i32
      %jit3A_1898 = arith.constant 1 : i32
      %select_n3A_1899 = arith.select %eq3A_1897, %jit3A_1898, %jit3A_1895 : i32
      %rem3A_1900 = arith.remsi %add3A_1870, %select_n3A_1899 : i32
      %ne3A_1901 = arith.constant 0 : i32
      %ne3A_1902 = arith.cmpi ne, %rem3A_1900, %ne3A_1901 : i32
      %lt3A_1903 = arith.constant 0 : i32
      %lt3A_1904 = arith.cmpi slt, %rem3A_1900, %lt3A_1903 : i32
      %lt3A_1905 = arith.constant 0 : i32
      %lt3A_1906 = arith.cmpi slt, %select_n3A_1899, %lt3A_1905 : i32
      %ne3A_1907 = arith.xori %lt3A_1904, %lt3A_1906 : i1
      %and3A_1908 = arith.andi %ne3A_1907, %ne3A_1902 : i1
      %add3A_1909 = arith.addi %rem3A_1900, %select_n3A_1899 : i32
      %select_n3A_1910 = arith.select %and3A_1908, %add3A_1909, %rem3A_1900 : i32
      %mul3A_1911 = arith.constant 64 : i32
      %mul3A_1912 = arith.muli %select_n3A_1910, %mul3A_1911 : i32
      %add3A_1913 = arith.addi %mul3A_2, %mul3A_1912 : i32
      %dma_wait3A_1914 = arith.constant 0 : i32
      %dma_wait3A_1915 = tpu.memref_slice %arg4[%select_n3A_1894, %add3A_1913, %dma_wait3A_1914] : memref<50x4096x128xf32, #tpu.memory_space<hbm>> -> memref<1x64x128xf32, #tpu.memory_space<hbm>>
      %dma_wait3A_1916 = tpu.memref_squeeze %dma_wait3A_1915 : memref<1x64x128xf32, #tpu.memory_space<hbm>> -> memref<64x128xf32, #tpu.memory_space<hbm>>
      %dma_wait3A_1917 = arith.constant 0 : i32
      %dma_wait3A_1918 = tpu.memref_slice %arg4[%select_n3A_1894, %add3A_1913, %dma_wait3A_1917] : memref<50x4096x128xf32, #tpu.memory_space<hbm>> -> memref<1x64x128xf32, #tpu.memory_space<hbm>>
      %dma_wait3A_1919 = tpu.memref_squeeze %dma_wait3A_1918 : memref<1x64x128xf32, #tpu.memory_space<hbm>> -> memref<64x128xf32, #tpu.memory_space<hbm>>
      tpu.wait_dma2 semaphore(%arg31 : memref<!tpu.dma_semaphore, #tpu.memory_space<semaphore_mem>>) src(%arg11 : memref<64x128xf32, #tpu.memory_space<vmem>>) dst(%dma_wait3A_1919 : memref<64x128xf32, #tpu.memory_space<hbm>>)
      %add3A_1920 = arith.constant 1 : i32
      %add3A_1921 = arith.addi %scan3A_346, %add3A_1920 : i32
      %mul3A_1922 = arith.constant 10 : i32
      %mul3A_1923 = arith.muli %add3A_1921, %mul3A_1922 : i32
      %add3A_1924 = arith.constant 5 : i32
      %add3A_1925 = arith.addi %mul3A_1923, %add3A_1924 : i32
      %jit3A_1926 = arith.constant 2 : i32
      %div3A_1927 = arith.divsi %add3A_1925, %jit3A_1926 : i32
      %sign3A_1928 = arith.constant 0 : i32
      %sign3A_1929 = arith.cmpi sgt, %add3A_1925, %sign3A_1928 : i32
      %sign3A_1930 = arith.extui %sign3A_1929 : i1 to i32
      %sign3A_1931 = arith.constant 0 : i32
      %sign3A_1932 = arith.cmpi slt, %add3A_1925, %sign3A_1931 : i32
      %sign3A_1933 = arith.extui %sign3A_1932 : i1 to i32
      %sign3A_1934 = arith.subi %sign3A_1930, %sign3A_1933 : i32
      %sign3A_1935 = arith.constant 0 : i32
      %sign3A_1936 = arith.cmpi sgt, %jit3A_1926, %sign3A_1935 : i32
      %sign3A_1937 = arith.extui %sign3A_1936 : i1 to i32
      %sign3A_1938 = arith.constant 0 : i32
      %sign3A_1939 = arith.cmpi slt, %jit3A_1926, %sign3A_1938 : i32
      %sign3A_1940 = arith.extui %sign3A_1939 : i1 to i32
      %sign3A_1941 = arith.subi %sign3A_1937, %sign3A_1940 : i32
      %ne3A_1942 = arith.cmpi ne, %sign3A_1934, %sign3A_1941 : i32
      %rem3A_1943 = arith.remsi %add3A_1925, %jit3A_1926 : i32
      %ne3A_1944 = arith.constant 0 : i32
      %ne3A_1945 = arith.cmpi ne, %rem3A_1943, %ne3A_1944 : i32
      %and3A_1946 = arith.andi %ne3A_1942, %ne3A_1945 : i1
      %sub3A_1947 = arith.constant 1 : i32
      %sub3A_1948 = arith.subi %div3A_1927, %sub3A_1947 : i32
      %select_n3A_1949 = arith.select %and3A_1946, %sub3A_1948, %div3A_1927 : i32
      %jit3A_1950 = arith.constant 2 : i32
      %eq3A_1951 = arith.constant 0 : i32
      %eq3A_1952 = arith.cmpi eq, %jit3A_1950, %eq3A_1951 : i32
      %jit3A_1953 = arith.constant 1 : i32
      %select_n3A_1954 = arith.select %eq3A_1952, %jit3A_1953, %jit3A_1950 : i32
      %rem3A_1955 = arith.remsi %add3A_1925, %select_n3A_1954 : i32
      %ne3A_1956 = arith.constant 0 : i32
      %ne3A_1957 = arith.cmpi ne, %rem3A_1955, %ne3A_1956 : i32
      %lt3A_1958 = arith.constant 0 : i32
      %lt3A_1959 = arith.cmpi slt, %rem3A_1955, %lt3A_1958 : i32
      %lt3A_1960 = arith.constant 0 : i32
      %lt3A_1961 = arith.cmpi slt, %select_n3A_1954, %lt3A_1960 : i32
      %ne3A_1962 = arith.xori %lt3A_1959, %lt3A_1961 : i1
      %and3A_1963 = arith.andi %ne3A_1962, %ne3A_1957 : i1
      %add3A_1964 = arith.addi %rem3A_1955, %select_n3A_1954 : i32
      %select_n3A_1965 = arith.select %and3A_1963, %add3A_1964, %rem3A_1955 : i32
      %mul3A_1966 = arith.constant 64 : i32
      %mul3A_1967 = arith.muli %select_n3A_1965, %mul3A_1966 : i32
      %dma_start3A_1968 = tpu.memref_slice %arg5[%select_n3A_1949, %mul3A_1967] : memref<50x128xi32, #tpu.memory_space<vmem>> -> memref<1x64xi32, #tpu.memory_space<vmem>>
      %dma_start3A_1969 = tpu.memref_squeeze %dma_start3A_1968 : memref<1x64xi32, #tpu.memory_space<vmem>> -> memref<64xi32, #tpu.memory_space<vmem>>
      %dma_start3A_1970 = arith.constant 0 : i32
      %dma_start3A_1971 = arith.constant 0 : i32
      %dma_start3A_1972 = tpu.memref_slice %arg3[%dma_start3A_1970, %dma_start3A_1971] : memref<100000x128xf32, #tpu.memory_space<hbm>> -> memref<100000x128xf32, #tpu.memory_space<hbm>>
      tpu.enqueue_indirect_dma source(%dma_start3A_1972 : memref<100000x128xf32, #tpu.memory_space<hbm>>) target(%arg11 : memref<64x128xf32, #tpu.memory_space<vmem>>) offsets(%dma_start3A_1969 : memref<64xi32, #tpu.memory_space<vmem>>) semaphore(%arg21 : memref<!tpu.dma_semaphore, #tpu.memory_space<semaphore_mem>>)
      %mul3A_1973 = arith.constant 10 : i32
      %mul3A_1974 = arith.muli %scan3A_346, %mul3A_1973 : i32
      %add3A_1975 = arith.constant 6 : i32
      %add3A_1976 = arith.addi %mul3A_1974, %add3A_1975 : i32
      %jit3A_1977 = arith.constant 2 : i32
      %div3A_1978 = arith.divsi %add3A_1976, %jit3A_1977 : i32
      %sign3A_1979 = arith.constant 0 : i32
      %sign3A_1980 = arith.cmpi sgt, %add3A_1976, %sign3A_1979 : i32
      %sign3A_1981 = arith.extui %sign3A_1980 : i1 to i32
      %sign3A_1982 = arith.constant 0 : i32
      %sign3A_1983 = arith.cmpi slt, %add3A_1976, %sign3A_1982 : i32
      %sign3A_1984 = arith.extui %sign3A_1983 : i1 to i32
      %sign3A_1985 = arith.subi %sign3A_1981, %sign3A_1984 : i32
      %sign3A_1986 = arith.constant 0 : i32
      %sign3A_1987 = arith.cmpi sgt, %jit3A_1977, %sign3A_1986 : i32
      %sign3A_1988 = arith.extui %sign3A_1987 : i1 to i32
      %sign3A_1989 = arith.constant 0 : i32
      %sign3A_1990 = arith.cmpi slt, %jit3A_1977, %sign3A_1989 : i32
      %sign3A_1991 = arith.extui %sign3A_1990 : i1 to i32
      %sign3A_1992 = arith.subi %sign3A_1988, %sign3A_1991 : i32
      %ne3A_1993 = arith.cmpi ne, %sign3A_1985, %sign3A_1992 : i32
      %rem3A_1994 = arith.remsi %add3A_1976, %jit3A_1977 : i32
      %ne3A_1995 = arith.constant 0 : i32
      %ne3A_1996 = arith.cmpi ne, %rem3A_1994, %ne3A_1995 : i32
      %and3A_1997 = arith.andi %ne3A_1993, %ne3A_1996 : i1
      %sub3A_1998 = arith.constant 1 : i32
      %sub3A_1999 = arith.subi %div3A_1978, %sub3A_1998 : i32
      %select_n3A_2000 = arith.select %and3A_1997, %sub3A_1999, %div3A_1978 : i32
      %jit3A_2001 = arith.constant 2 : i32
      %eq3A_2002 = arith.constant 0 : i32
      %eq3A_2003 = arith.cmpi eq, %jit3A_2001, %eq3A_2002 : i32
      %jit3A_2004 = arith.constant 1 : i32
      %select_n3A_2005 = arith.select %eq3A_2003, %jit3A_2004, %jit3A_2001 : i32
      %rem3A_2006 = arith.remsi %add3A_1976, %select_n3A_2005 : i32
      %ne3A_2007 = arith.constant 0 : i32
      %ne3A_2008 = arith.cmpi ne, %rem3A_2006, %ne3A_2007 : i32
      %lt3A_2009 = arith.constant 0 : i32
      %lt3A_2010 = arith.cmpi slt, %rem3A_2006, %lt3A_2009 : i32
      %lt3A_2011 = arith.constant 0 : i32
      %lt3A_2012 = arith.cmpi slt, %select_n3A_2005, %lt3A_2011 : i32
      %ne3A_2013 = arith.xori %lt3A_2010, %lt3A_2012 : i1
      %and3A_2014 = arith.andi %ne3A_2013, %ne3A_2008 : i1
      %add3A_2015 = arith.addi %rem3A_2006, %select_n3A_2005 : i32
      %select_n3A_2016 = arith.select %and3A_2014, %add3A_2015, %rem3A_2006 : i32
      %mul3A_2017 = arith.constant 64 : i32
      %mul3A_2018 = arith.muli %select_n3A_2016, %mul3A_2017 : i32
      %add3A_2019 = arith.addi %mul3A_2, %mul3A_2018 : i32
      %dma_wait3A_2020 = arith.constant 0 : i32
      %dma_wait3A_2021 = tpu.memref_slice %arg4[%select_n3A_2000, %add3A_2019, %dma_wait3A_2020] : memref<50x4096x128xf32, #tpu.memory_space<hbm>> -> memref<1x64x128xf32, #tpu.memory_space<hbm>>
      %dma_wait3A_2022 = tpu.memref_squeeze %dma_wait3A_2021 : memref<1x64x128xf32, #tpu.memory_space<hbm>> -> memref<64x128xf32, #tpu.memory_space<hbm>>
      %dma_wait3A_2023 = arith.constant 0 : i32
      %dma_wait3A_2024 = tpu.memref_slice %arg4[%select_n3A_2000, %add3A_2019, %dma_wait3A_2023] : memref<50x4096x128xf32, #tpu.memory_space<hbm>> -> memref<1x64x128xf32, #tpu.memory_space<hbm>>
      %dma_wait3A_2025 = tpu.memref_squeeze %dma_wait3A_2024 : memref<1x64x128xf32, #tpu.memory_space<hbm>> -> memref<64x128xf32, #tpu.memory_space<hbm>>
      tpu.wait_dma2 semaphore(%arg32 : memref<!tpu.dma_semaphore, #tpu.memory_space<semaphore_mem>>) src(%arg12 : memref<64x128xf32, #tpu.memory_space<vmem>>) dst(%dma_wait3A_2025 : memref<64x128xf32, #tpu.memory_space<hbm>>)
      %add3A_2026 = arith.constant 1 : i32
      %add3A_2027 = arith.addi %scan3A_346, %add3A_2026 : i32
      %mul3A_2028 = arith.constant 10 : i32
      %mul3A_2029 = arith.muli %add3A_2027, %mul3A_2028 : i32
      %add3A_2030 = arith.constant 6 : i32
      %add3A_2031 = arith.addi %mul3A_2029, %add3A_2030 : i32
      %jit3A_2032 = arith.constant 2 : i32
      %div3A_2033 = arith.divsi %add3A_2031, %jit3A_2032 : i32
      %sign3A_2034 = arith.constant 0 : i32
      %sign3A_2035 = arith.cmpi sgt, %add3A_2031, %sign3A_2034 : i32
      %sign3A_2036 = arith.extui %sign3A_2035 : i1 to i32
      %sign3A_2037 = arith.constant 0 : i32
      %sign3A_2038 = arith.cmpi slt, %add3A_2031, %sign3A_2037 : i32
      %sign3A_2039 = arith.extui %sign3A_2038 : i1 to i32
      %sign3A_2040 = arith.subi %sign3A_2036, %sign3A_2039 : i32
      %sign3A_2041 = arith.constant 0 : i32
      %sign3A_2042 = arith.cmpi sgt, %jit3A_2032, %sign3A_2041 : i32
      %sign3A_2043 = arith.extui %sign3A_2042 : i1 to i32
      %sign3A_2044 = arith.constant 0 : i32
      %sign3A_2045 = arith.cmpi slt, %jit3A_2032, %sign3A_2044 : i32
      %sign3A_2046 = arith.extui %sign3A_2045 : i1 to i32
      %sign3A_2047 = arith.subi %sign3A_2043, %sign3A_2046 : i32
      %ne3A_2048 = arith.cmpi ne, %sign3A_2040, %sign3A_2047 : i32
      %rem3A_2049 = arith.remsi %add3A_2031, %jit3A_2032 : i32
      %ne3A_2050 = arith.constant 0 : i32
      %ne3A_2051 = arith.cmpi ne, %rem3A_2049, %ne3A_2050 : i32
      %and3A_2052 = arith.andi %ne3A_2048, %ne3A_2051 : i1
      %sub3A_2053 = arith.constant 1 : i32
      %sub3A_2054 = arith.subi %div3A_2033, %sub3A_2053 : i32
      %select_n3A_2055 = arith.select %and3A_2052, %sub3A_2054, %div3A_2033 : i32
      %jit3A_2056 = arith.constant 2 : i32
      %eq3A_2057 = arith.constant 0 : i32
      %eq3A_2058 = arith.cmpi eq, %jit3A_2056, %eq3A_2057 : i32
      %jit3A_2059 = arith.constant 1 : i32
      %select_n3A_2060 = arith.select %eq3A_2058, %jit3A_2059, %jit3A_2056 : i32
      %rem3A_2061 = arith.remsi %add3A_2031, %select_n3A_2060 : i32
      %ne3A_2062 = arith.constant 0 : i32
      %ne3A_2063 = arith.cmpi ne, %rem3A_2061, %ne3A_2062 : i32
      %lt3A_2064 = arith.constant 0 : i32
      %lt3A_2065 = arith.cmpi slt, %rem3A_2061, %lt3A_2064 : i32
      %lt3A_2066 = arith.constant 0 : i32
      %lt3A_2067 = arith.cmpi slt, %select_n3A_2060, %lt3A_2066 : i32
      %ne3A_2068 = arith.xori %lt3A_2065, %lt3A_2067 : i1
      %and3A_2069 = arith.andi %ne3A_2068, %ne3A_2063 : i1
      %add3A_2070 = arith.addi %rem3A_2061, %select_n3A_2060 : i32
      %select_n3A_2071 = arith.select %and3A_2069, %add3A_2070, %rem3A_2061 : i32
      %mul3A_2072 = arith.constant 64 : i32
      %mul3A_2073 = arith.muli %select_n3A_2071, %mul3A_2072 : i32
      %dma_start3A_2074 = tpu.memref_slice %arg5[%select_n3A_2055, %mul3A_2073] : memref<50x128xi32, #tpu.memory_space<vmem>> -> memref<1x64xi32, #tpu.memory_space<vmem>>
      %dma_start3A_2075 = tpu.memref_squeeze %dma_start3A_2074 : memref<1x64xi32, #tpu.memory_space<vmem>> -> memref<64xi32, #tpu.memory_space<vmem>>
      %dma_start3A_2076 = arith.constant 0 : i32
      %dma_start3A_2077 = arith.constant 0 : i32
      %dma_start3A_2078 = tpu.memref_slice %arg3[%dma_start3A_2076, %dma_start3A_2077] : memref<100000x128xf32, #tpu.memory_space<hbm>> -> memref<100000x128xf32, #tpu.memory_space<hbm>>
      tpu.enqueue_indirect_dma source(%dma_start3A_2078 : memref<100000x128xf32, #tpu.memory_space<hbm>>) target(%arg12 : memref<64x128xf32, #tpu.memory_space<vmem>>) offsets(%dma_start3A_2075 : memref<64xi32, #tpu.memory_space<vmem>>) semaphore(%arg22 : memref<!tpu.dma_semaphore, #tpu.memory_space<semaphore_mem>>)
      %mul3A_2079 = arith.constant 10 : i32
      %mul3A_2080 = arith.muli %scan3A_346, %mul3A_2079 : i32
      %add3A_2081 = arith.constant 7 : i32
      %add3A_2082 = arith.addi %mul3A_2080, %add3A_2081 : i32
      %jit3A_2083 = arith.constant 2 : i32
      %div3A_2084 = arith.divsi %add3A_2082, %jit3A_2083 : i32
      %sign3A_2085 = arith.constant 0 : i32
      %sign3A_2086 = arith.cmpi sgt, %add3A_2082, %sign3A_2085 : i32
      %sign3A_2087 = arith.extui %sign3A_2086 : i1 to i32
      %sign3A_2088 = arith.constant 0 : i32
      %sign3A_2089 = arith.cmpi slt, %add3A_2082, %sign3A_2088 : i32
      %sign3A_2090 = arith.extui %sign3A_2089 : i1 to i32
      %sign3A_2091 = arith.subi %sign3A_2087, %sign3A_2090 : i32
      %sign3A_2092 = arith.constant 0 : i32
      %sign3A_2093 = arith.cmpi sgt, %jit3A_2083, %sign3A_2092 : i32
      %sign3A_2094 = arith.extui %sign3A_2093 : i1 to i32
      %sign3A_2095 = arith.constant 0 : i32
      %sign3A_2096 = arith.cmpi slt, %jit3A_2083, %sign3A_2095 : i32
      %sign3A_2097 = arith.extui %sign3A_2096 : i1 to i32
      %sign3A_2098 = arith.subi %sign3A_2094, %sign3A_2097 : i32
      %ne3A_2099 = arith.cmpi ne, %sign3A_2091, %sign3A_2098 : i32
      %rem3A_2100 = arith.remsi %add3A_2082, %jit3A_2083 : i32
      %ne3A_2101 = arith.constant 0 : i32
      %ne3A_2102 = arith.cmpi ne, %rem3A_2100, %ne3A_2101 : i32
      %and3A_2103 = arith.andi %ne3A_2099, %ne3A_2102 : i1
      %sub3A_2104 = arith.constant 1 : i32
      %sub3A_2105 = arith.subi %div3A_2084, %sub3A_2104 : i32
      %select_n3A_2106 = arith.select %and3A_2103, %sub3A_2105, %div3A_2084 : i32
      %jit3A_2107 = arith.constant 2 : i32
      %eq3A_2108 = arith.constant 0 : i32
      %eq3A_2109 = arith.cmpi eq, %jit3A_2107, %eq3A_2108 : i32
      %jit3A_2110 = arith.constant 1 : i32
      %select_n3A_2111 = arith.select %eq3A_2109, %jit3A_2110, %jit3A_2107 : i32
      %rem3A_2112 = arith.remsi %add3A_2082, %select_n3A_2111 : i32
      %ne3A_2113 = arith.constant 0 : i32
      %ne3A_2114 = arith.cmpi ne, %rem3A_2112, %ne3A_2113 : i32
      %lt3A_2115 = arith.constant 0 : i32
      %lt3A_2116 = arith.cmpi slt, %rem3A_2112, %lt3A_2115 : i32
      %lt3A_2117 = arith.constant 0 : i32
      %lt3A_2118 = arith.cmpi slt, %select_n3A_2111, %lt3A_2117 : i32
      %ne3A_2119 = arith.xori %lt3A_2116, %lt3A_2118 : i1
      %and3A_2120 = arith.andi %ne3A_2119, %ne3A_2114 : i1
      %add3A_2121 = arith.addi %rem3A_2112, %select_n3A_2111 : i32
      %select_n3A_2122 = arith.select %and3A_2120, %add3A_2121, %rem3A_2112 : i32
      %mul3A_2123 = arith.constant 64 : i32
      %mul3A_2124 = arith.muli %select_n3A_2122, %mul3A_2123 : i32
      %add3A_2125 = arith.addi %mul3A_2, %mul3A_2124 : i32
      %dma_wait3A_2126 = arith.constant 0 : i32
      %dma_wait3A_2127 = tpu.memref_slice %arg4[%select_n3A_2106, %add3A_2125, %dma_wait3A_2126] : memref<50x4096x128xf32, #tpu.memory_space<hbm>> -> memref<1x64x128xf32, #tpu.memory_space<hbm>>
      %dma_wait3A_2128 = tpu.memref_squeeze %dma_wait3A_2127 : memref<1x64x128xf32, #tpu.memory_space<hbm>> -> memref<64x128xf32, #tpu.memory_space<hbm>>
      %dma_wait3A_2129 = arith.constant 0 : i32
      %dma_wait3A_2130 = tpu.memref_slice %arg4[%select_n3A_2106, %add3A_2125, %dma_wait3A_2129] : memref<50x4096x128xf32, #tpu.memory_space<hbm>> -> memref<1x64x128xf32, #tpu.memory_space<hbm>>
      %dma_wait3A_2131 = tpu.memref_squeeze %dma_wait3A_2130 : memref<1x64x128xf32, #tpu.memory_space<hbm>> -> memref<64x128xf32, #tpu.memory_space<hbm>>
      tpu.wait_dma2 semaphore(%arg33 : memref<!tpu.dma_semaphore, #tpu.memory_space<semaphore_mem>>) src(%arg13 : memref<64x128xf32, #tpu.memory_space<vmem>>) dst(%dma_wait3A_2131 : memref<64x128xf32, #tpu.memory_space<hbm>>)
      %add3A_2132 = arith.constant 1 : i32
      %add3A_2133 = arith.addi %scan3A_346, %add3A_2132 : i32
      %mul3A_2134 = arith.constant 10 : i32
      %mul3A_2135 = arith.muli %add3A_2133, %mul3A_2134 : i32
      %add3A_2136 = arith.constant 7 : i32
      %add3A_2137 = arith.addi %mul3A_2135, %add3A_2136 : i32
      %jit3A_2138 = arith.constant 2 : i32
      %div3A_2139 = arith.divsi %add3A_2137, %jit3A_2138 : i32
      %sign3A_2140 = arith.constant 0 : i32
      %sign3A_2141 = arith.cmpi sgt, %add3A_2137, %sign3A_2140 : i32
      %sign3A_2142 = arith.extui %sign3A_2141 : i1 to i32
      %sign3A_2143 = arith.constant 0 : i32
      %sign3A_2144 = arith.cmpi slt, %add3A_2137, %sign3A_2143 : i32
      %sign3A_2145 = arith.extui %sign3A_2144 : i1 to i32
      %sign3A_2146 = arith.subi %sign3A_2142, %sign3A_2145 : i32
      %sign3A_2147 = arith.constant 0 : i32
      %sign3A_2148 = arith.cmpi sgt, %jit3A_2138, %sign3A_2147 : i32
      %sign3A_2149 = arith.extui %sign3A_2148 : i1 to i32
      %sign3A_2150 = arith.constant 0 : i32
      %sign3A_2151 = arith.cmpi slt, %jit3A_2138, %sign3A_2150 : i32
      %sign3A_2152 = arith.extui %sign3A_2151 : i1 to i32
      %sign3A_2153 = arith.subi %sign3A_2149, %sign3A_2152 : i32
      %ne3A_2154 = arith.cmpi ne, %sign3A_2146, %sign3A_2153 : i32
      %rem3A_2155 = arith.remsi %add3A_2137, %jit3A_2138 : i32
      %ne3A_2156 = arith.constant 0 : i32
      %ne3A_2157 = arith.cmpi ne, %rem3A_2155, %ne3A_2156 : i32
      %and3A_2158 = arith.andi %ne3A_2154, %ne3A_2157 : i1
      %sub3A_2159 = arith.constant 1 : i32
      %sub3A_2160 = arith.subi %div3A_2139, %sub3A_2159 : i32
      %select_n3A_2161 = arith.select %and3A_2158, %sub3A_2160, %div3A_2139 : i32
      %jit3A_2162 = arith.constant 2 : i32
      %eq3A_2163 = arith.constant 0 : i32
      %eq3A_2164 = arith.cmpi eq, %jit3A_2162, %eq3A_2163 : i32
      %jit3A_2165 = arith.constant 1 : i32
      %select_n3A_2166 = arith.select %eq3A_2164, %jit3A_2165, %jit3A_2162 : i32
      %rem3A_2167 = arith.remsi %add3A_2137, %select_n3A_2166 : i32
      %ne3A_2168 = arith.constant 0 : i32
      %ne3A_2169 = arith.cmpi ne, %rem3A_2167, %ne3A_2168 : i32
      %lt3A_2170 = arith.constant 0 : i32
      %lt3A_2171 = arith.cmpi slt, %rem3A_2167, %lt3A_2170 : i32
      %lt3A_2172 = arith.constant 0 : i32
      %lt3A_2173 = arith.cmpi slt, %select_n3A_2166, %lt3A_2172 : i32
      %ne3A_2174 = arith.xori %lt3A_2171, %lt3A_2173 : i1
      %and3A_2175 = arith.andi %ne3A_2174, %ne3A_2169 : i1
      %add3A_2176 = arith.addi %rem3A_2167, %select_n3A_2166 : i32
      %select_n3A_2177 = arith.select %and3A_2175, %add3A_2176, %rem3A_2167 : i32
      %mul3A_2178 = arith.constant 64 : i32
      %mul3A_2179 = arith.muli %select_n3A_2177, %mul3A_2178 : i32
      %dma_start3A_2180 = tpu.memref_slice %arg5[%select_n3A_2161, %mul3A_2179] : memref<50x128xi32, #tpu.memory_space<vmem>> -> memref<1x64xi32, #tpu.memory_space<vmem>>
      %dma_start3A_2181 = tpu.memref_squeeze %dma_start3A_2180 : memref<1x64xi32, #tpu.memory_space<vmem>> -> memref<64xi32, #tpu.memory_space<vmem>>
      %dma_start3A_2182 = arith.constant 0 : i32
      %dma_start3A_2183 = arith.constant 0 : i32
      %dma_start3A_2184 = tpu.memref_slice %arg3[%dma_start3A_2182, %dma_start3A_2183] : memref<100000x128xf32, #tpu.memory_space<hbm>> -> memref<100000x128xf32, #tpu.memory_space<hbm>>
      tpu.enqueue_indirect_dma source(%dma_start3A_2184 : memref<100000x128xf32, #tpu.memory_space<hbm>>) target(%arg13 : memref<64x128xf32, #tpu.memory_space<vmem>>) offsets(%dma_start3A_2181 : memref<64xi32, #tpu.memory_space<vmem>>) semaphore(%arg23 : memref<!tpu.dma_semaphore, #tpu.memory_space<semaphore_mem>>)
      %mul3A_2185 = arith.constant 10 : i32
      %mul3A_2186 = arith.muli %scan3A_346, %mul3A_2185 : i32
      %add3A_2187 = arith.constant 8 : i32
      %add3A_2188 = arith.addi %mul3A_2186, %add3A_2187 : i32
      %jit3A_2189 = arith.constant 2 : i32
      %div3A_2190 = arith.divsi %add3A_2188, %jit3A_2189 : i32
      %sign3A_2191 = arith.constant 0 : i32
      %sign3A_2192 = arith.cmpi sgt, %add3A_2188, %sign3A_2191 : i32
      %sign3A_2193 = arith.extui %sign3A_2192 : i1 to i32
      %sign3A_2194 = arith.constant 0 : i32
      %sign3A_2195 = arith.cmpi slt, %add3A_2188, %sign3A_2194 : i32
      %sign3A_2196 = arith.extui %sign3A_2195 : i1 to i32
      %sign3A_2197 = arith.subi %sign3A_2193, %sign3A_2196 : i32
      %sign3A_2198 = arith.constant 0 : i32
      %sign3A_2199 = arith.cmpi sgt, %jit3A_2189, %sign3A_2198 : i32
      %sign3A_2200 = arith.extui %sign3A_2199 : i1 to i32
      %sign3A_2201 = arith.constant 0 : i32
      %sign3A_2202 = arith.cmpi slt, %jit3A_2189, %sign3A_2201 : i32
      %sign3A_2203 = arith.extui %sign3A_2202 : i1 to i32
      %sign3A_2204 = arith.subi %sign3A_2200, %sign3A_2203 : i32
      %ne3A_2205 = arith.cmpi ne, %sign3A_2197, %sign3A_2204 : i32
      %rem3A_2206 = arith.remsi %add3A_2188, %jit3A_2189 : i32
      %ne3A_2207 = arith.constant 0 : i32
      %ne3A_2208 = arith.cmpi ne, %rem3A_2206, %ne3A_2207 : i32
      %and3A_2209 = arith.andi %ne3A_2205, %ne3A_2208 : i1
      %sub3A_2210 = arith.constant 1 : i32
      %sub3A_2211 = arith.subi %div3A_2190, %sub3A_2210 : i32
      %select_n3A_2212 = arith.select %and3A_2209, %sub3A_2211, %div3A_2190 : i32
      %jit3A_2213 = arith.constant 2 : i32
      %eq3A_2214 = arith.constant 0 : i32
      %eq3A_2215 = arith.cmpi eq, %jit3A_2213, %eq3A_2214 : i32
      %jit3A_2216 = arith.constant 1 : i32
      %select_n3A_2217 = arith.select %eq3A_2215, %jit3A_2216, %jit3A_2213 : i32
      %rem3A_2218 = arith.remsi %add3A_2188, %select_n3A_2217 : i32
      %ne3A_2219 = arith.constant 0 : i32
      %ne3A_2220 = arith.cmpi ne, %rem3A_2218, %ne3A_2219 : i32
      %lt3A_2221 = arith.constant 0 : i32
      %lt3A_2222 = arith.cmpi slt, %rem3A_2218, %lt3A_2221 : i32
      %lt3A_2223 = arith.constant 0 : i32
      %lt3A_2224 = arith.cmpi slt, %select_n3A_2217, %lt3A_2223 : i32
      %ne3A_2225 = arith.xori %lt3A_2222, %lt3A_2224 : i1
      %and3A_2226 = arith.andi %ne3A_2225, %ne3A_2220 : i1
      %add3A_2227 = arith.addi %rem3A_2218, %select_n3A_2217 : i32
      %select_n3A_2228 = arith.select %and3A_2226, %add3A_2227, %rem3A_2218 : i32
      %mul3A_2229 = arith.constant 64 : i32
      %mul3A_2230 = arith.muli %select_n3A_2228, %mul3A_2229 : i32
      %add3A_2231 = arith.addi %mul3A_2, %mul3A_2230 : i32
      %dma_wait3A_2232 = arith.constant 0 : i32
      %dma_wait3A_2233 = tpu.memref_slice %arg4[%select_n3A_2212, %add3A_2231, %dma_wait3A_2232] : memref<50x4096x128xf32, #tpu.memory_space<hbm>> -> memref<1x64x128xf32, #tpu.memory_space<hbm>>
      %dma_wait3A_2234 = tpu.memref_squeeze %dma_wait3A_2233 : memref<1x64x128xf32, #tpu.memory_space<hbm>> -> memref<64x128xf32, #tpu.memory_space<hbm>>
      %dma_wait3A_2235 = arith.constant 0 : i32
      %dma_wait3A_2236 = tpu.memref_slice %arg4[%select_n3A_2212, %add3A_2231, %dma_wait3A_2235] : memref<50x4096x128xf32, #tpu.memory_space<hbm>> -> memref<1x64x128xf32, #tpu.memory_space<hbm>>
      %dma_wait3A_2237 = tpu.memref_squeeze %dma_wait3A_2236 : memref<1x64x128xf32, #tpu.memory_space<hbm>> -> memref<64x128xf32, #tpu.memory_space<hbm>>
      tpu.wait_dma2 semaphore(%arg34 : memref<!tpu.dma_semaphore, #tpu.memory_space<semaphore_mem>>) src(%arg14 : memref<64x128xf32, #tpu.memory_space<vmem>>) dst(%dma_wait3A_2237 : memref<64x128xf32, #tpu.memory_space<hbm>>)
      %add3A_2238 = arith.constant 1 : i32
      %add3A_2239 = arith.addi %scan3A_346, %add3A_2238 : i32
      %mul3A_2240 = arith.constant 10 : i32
      %mul3A_2241 = arith.muli %add3A_2239, %mul3A_2240 : i32
      %add3A_2242 = arith.constant 8 : i32
      %add3A_2243 = arith.addi %mul3A_2241, %add3A_2242 : i32
      %jit3A_2244 = arith.constant 2 : i32
      %div3A_2245 = arith.divsi %add3A_2243, %jit3A_2244 : i32
      %sign3A_2246 = arith.constant 0 : i32
      %sign3A_2247 = arith.cmpi sgt, %add3A_2243, %sign3A_2246 : i32
      %sign3A_2248 = arith.extui %sign3A_2247 : i1 to i32
      %sign3A_2249 = arith.constant 0 : i32
      %sign3A_2250 = arith.cmpi slt, %add3A_2243, %sign3A_2249 : i32
      %sign3A_2251 = arith.extui %sign3A_2250 : i1 to i32
      %sign3A_2252 = arith.subi %sign3A_2248, %sign3A_2251 : i32
      %sign3A_2253 = arith.constant 0 : i32
      %sign3A_2254 = arith.cmpi sgt, %jit3A_2244, %sign3A_2253 : i32
      %sign3A_2255 = arith.extui %sign3A_2254 : i1 to i32
      %sign3A_2256 = arith.constant 0 : i32
      %sign3A_2257 = arith.cmpi slt, %jit3A_2244, %sign3A_2256 : i32
      %sign3A_2258 = arith.extui %sign3A_2257 : i1 to i32
      %sign3A_2259 = arith.subi %sign3A_2255, %sign3A_2258 : i32
      %ne3A_2260 = arith.cmpi ne, %sign3A_2252, %sign3A_2259 : i32
      %rem3A_2261 = arith.remsi %add3A_2243, %jit3A_2244 : i32
      %ne3A_2262 = arith.constant 0 : i32
      %ne3A_2263 = arith.cmpi ne, %rem3A_2261, %ne3A_2262 : i32
      %and3A_2264 = arith.andi %ne3A_2260, %ne3A_2263 : i1
      %sub3A_2265 = arith.constant 1 : i32
      %sub3A_2266 = arith.subi %div3A_2245, %sub3A_2265 : i32
      %select_n3A_2267 = arith.select %and3A_2264, %sub3A_2266, %div3A_2245 : i32
      %jit3A_2268 = arith.constant 2 : i32
      %eq3A_2269 = arith.constant 0 : i32
      %eq3A_2270 = arith.cmpi eq, %jit3A_2268, %eq3A_2269 : i32
      %jit3A_2271 = arith.constant 1 : i32
      %select_n3A_2272 = arith.select %eq3A_2270, %jit3A_2271, %jit3A_2268 : i32
      %rem3A_2273 = arith.remsi %add3A_2243, %select_n3A_2272 : i32
      %ne3A_2274 = arith.constant 0 : i32
      %ne3A_2275 = arith.cmpi ne, %rem3A_2273, %ne3A_2274 : i32
      %lt3A_2276 = arith.constant 0 : i32
      %lt3A_2277 = arith.cmpi slt, %rem3A_2273, %lt3A_2276 : i32
      %lt3A_2278 = arith.constant 0 : i32
      %lt3A_2279 = arith.cmpi slt, %select_n3A_2272, %lt3A_2278 : i32
      %ne3A_2280 = arith.xori %lt3A_2277, %lt3A_2279 : i1
      %and3A_2281 = arith.andi %ne3A_2280, %ne3A_2275 : i1
      %add3A_2282 = arith.addi %rem3A_2273, %select_n3A_2272 : i32
      %select_n3A_2283 = arith.select %and3A_2281, %add3A_2282, %rem3A_2273 : i32
      %mul3A_2284 = arith.constant 64 : i32
      %mul3A_2285 = arith.muli %select_n3A_2283, %mul3A_2284 : i32
      %dma_start3A_2286 = tpu.memref_slice %arg5[%select_n3A_2267, %mul3A_2285] : memref<50x128xi32, #tpu.memory_space<vmem>> -> memref<1x64xi32, #tpu.memory_space<vmem>>
      %dma_start3A_2287 = tpu.memref_squeeze %dma_start3A_2286 : memref<1x64xi32, #tpu.memory_space<vmem>> -> memref<64xi32, #tpu.memory_space<vmem>>
      %dma_start3A_2288 = arith.constant 0 : i32
      %dma_start3A_2289 = arith.constant 0 : i32
      %dma_start3A_2290 = tpu.memref_slice %arg3[%dma_start3A_2288, %dma_start3A_2289] : memref<100000x128xf32, #tpu.memory_space<hbm>> -> memref<100000x128xf32, #tpu.memory_space<hbm>>
      tpu.enqueue_indirect_dma source(%dma_start3A_2290 : memref<100000x128xf32, #tpu.memory_space<hbm>>) target(%arg14 : memref<64x128xf32, #tpu.memory_space<vmem>>) offsets(%dma_start3A_2287 : memref<64xi32, #tpu.memory_space<vmem>>) semaphore(%arg24 : memref<!tpu.dma_semaphore, #tpu.memory_space<semaphore_mem>>)
      %mul3A_2291 = arith.constant 10 : i32
      %mul3A_2292 = arith.muli %scan3A_346, %mul3A_2291 : i32
      %add3A_2293 = arith.constant 9 : i32
      %add3A_2294 = arith.addi %mul3A_2292, %add3A_2293 : i32
      %jit3A_2295 = arith.constant 2 : i32
      %div3A_2296 = arith.divsi %add3A_2294, %jit3A_2295 : i32
      %sign3A_2297 = arith.constant 0 : i32
      %sign3A_2298 = arith.cmpi sgt, %add3A_2294, %sign3A_2297 : i32
      %sign3A_2299 = arith.extui %sign3A_2298 : i1 to i32
      %sign3A_2300 = arith.constant 0 : i32
      %sign3A_2301 = arith.cmpi slt, %add3A_2294, %sign3A_2300 : i32
      %sign3A_2302 = arith.extui %sign3A_2301 : i1 to i32
      %sign3A_2303 = arith.subi %sign3A_2299, %sign3A_2302 : i32
      %sign3A_2304 = arith.constant 0 : i32
      %sign3A_2305 = arith.cmpi sgt, %jit3A_2295, %sign3A_2304 : i32
      %sign3A_2306 = arith.extui %sign3A_2305 : i1 to i32
      %sign3A_2307 = arith.constant 0 : i32
      %sign3A_2308 = arith.cmpi slt, %jit3A_2295, %sign3A_2307 : i32
      %sign3A_2309 = arith.extui %sign3A_2308 : i1 to i32
      %sign3A_2310 = arith.subi %sign3A_2306, %sign3A_2309 : i32
      %ne3A_2311 = arith.cmpi ne, %sign3A_2303, %sign3A_2310 : i32
      %rem3A_2312 = arith.remsi %add3A_2294, %jit3A_2295 : i32
      %ne3A_2313 = arith.constant 0 : i32
      %ne3A_2314 = arith.cmpi ne, %rem3A_2312, %ne3A_2313 : i32
      %and3A_2315 = arith.andi %ne3A_2311, %ne3A_2314 : i1
      %sub3A_2316 = arith.constant 1 : i32
      %sub3A_2317 = arith.subi %div3A_2296, %sub3A_2316 : i32
      %select_n3A_2318 = arith.select %and3A_2315, %sub3A_2317, %div3A_2296 : i32
      %jit3A_2319 = arith.constant 2 : i32
      %eq3A_2320 = arith.constant 0 : i32
      %eq3A_2321 = arith.cmpi eq, %jit3A_2319, %eq3A_2320 : i32
      %jit3A_2322 = arith.constant 1 : i32
      %select_n3A_2323 = arith.select %eq3A_2321, %jit3A_2322, %jit3A_2319 : i32
      %rem3A_2324 = arith.remsi %add3A_2294, %select_n3A_2323 : i32
      %ne3A_2325 = arith.constant 0 : i32
      %ne3A_2326 = arith.cmpi ne, %rem3A_2324, %ne3A_2325 : i32
      %lt3A_2327 = arith.constant 0 : i32
      %lt3A_2328 = arith.cmpi slt, %rem3A_2324, %lt3A_2327 : i32
      %lt3A_2329 = arith.constant 0 : i32
      %lt3A_2330 = arith.cmpi slt, %select_n3A_2323, %lt3A_2329 : i32
      %ne3A_2331 = arith.xori %lt3A_2328, %lt3A_2330 : i1
      %and3A_2332 = arith.andi %ne3A_2331, %ne3A_2326 : i1
      %add3A_2333 = arith.addi %rem3A_2324, %select_n3A_2323 : i32
      %select_n3A_2334 = arith.select %and3A_2332, %add3A_2333, %rem3A_2324 : i32
      %mul3A_2335 = arith.constant 64 : i32
      %mul3A_2336 = arith.muli %select_n3A_2334, %mul3A_2335 : i32
      %add3A_2337 = arith.addi %mul3A_2, %mul3A_2336 : i32
      %dma_wait3A_2338 = arith.constant 0 : i32
      %dma_wait3A_2339 = tpu.memref_slice %arg4[%select_n3A_2318, %add3A_2337, %dma_wait3A_2338] : memref<50x4096x128xf32, #tpu.memory_space<hbm>> -> memref<1x64x128xf32, #tpu.memory_space<hbm>>
      %dma_wait3A_2340 = tpu.memref_squeeze %dma_wait3A_2339 : memref<1x64x128xf32, #tpu.memory_space<hbm>> -> memref<64x128xf32, #tpu.memory_space<hbm>>
      %dma_wait3A_2341 = arith.constant 0 : i32
      %dma_wait3A_2342 = tpu.memref_slice %arg4[%select_n3A_2318, %add3A_2337, %dma_wait3A_2341] : memref<50x4096x128xf32, #tpu.memory_space<hbm>> -> memref<1x64x128xf32, #tpu.memory_space<hbm>>
      %dma_wait3A_2343 = tpu.memref_squeeze %dma_wait3A_2342 : memref<1x64x128xf32, #tpu.memory_space<hbm>> -> memref<64x128xf32, #tpu.memory_space<hbm>>
      tpu.wait_dma2 semaphore(%arg35 : memref<!tpu.dma_semaphore, #tpu.memory_space<semaphore_mem>>) src(%arg15 : memref<64x128xf32, #tpu.memory_space<vmem>>) dst(%dma_wait3A_2343 : memref<64x128xf32, #tpu.memory_space<hbm>>)
      %add3A_2344 = arith.constant 1 : i32
      %add3A_2345 = arith.addi %scan3A_346, %add3A_2344 : i32
      %mul3A_2346 = arith.constant 10 : i32
      %mul3A_2347 = arith.muli %add3A_2345, %mul3A_2346 : i32
      %add3A_2348 = arith.constant 9 : i32
      %add3A_2349 = arith.addi %mul3A_2347, %add3A_2348 : i32
      %jit3A_2350 = arith.constant 2 : i32
      %div3A_2351 = arith.divsi %add3A_2349, %jit3A_2350 : i32
      %sign3A_2352 = arith.constant 0 : i32
      %sign3A_2353 = arith.cmpi sgt, %add3A_2349, %sign3A_2352 : i32
      %sign3A_2354 = arith.extui %sign3A_2353 : i1 to i32
      %sign3A_2355 = arith.constant 0 : i32
      %sign3A_2356 = arith.cmpi slt, %add3A_2349, %sign3A_2355 : i32
      %sign3A_2357 = arith.extui %sign3A_2356 : i1 to i32
      %sign3A_2358 = arith.subi %sign3A_2354, %sign3A_2357 : i32
      %sign3A_2359 = arith.constant 0 : i32
      %sign3A_2360 = arith.cmpi sgt, %jit3A_2350, %sign3A_2359 : i32
      %sign3A_2361 = arith.extui %sign3A_2360 : i1 to i32
      %sign3A_2362 = arith.constant 0 : i32
      %sign3A_2363 = arith.cmpi slt, %jit3A_2350, %sign3A_2362 : i32
      %sign3A_2364 = arith.extui %sign3A_2363 : i1 to i32
      %sign3A_2365 = arith.subi %sign3A_2361, %sign3A_2364 : i32
      %ne3A_2366 = arith.cmpi ne, %sign3A_2358, %sign3A_2365 : i32
      %rem3A_2367 = arith.remsi %add3A_2349, %jit3A_2350 : i32
      %ne3A_2368 = arith.constant 0 : i32
      %ne3A_2369 = arith.cmpi ne, %rem3A_2367, %ne3A_2368 : i32
      %and3A_2370 = arith.andi %ne3A_2366, %ne3A_2369 : i1
      %sub3A_2371 = arith.constant 1 : i32
      %sub3A_2372 = arith.subi %div3A_2351, %sub3A_2371 : i32
      %select_n3A_2373 = arith.select %and3A_2370, %sub3A_2372, %div3A_2351 : i32
      %jit3A_2374 = arith.constant 2 : i32
      %eq3A_2375 = arith.constant 0 : i32
      %eq3A_2376 = arith.cmpi eq, %jit3A_2374, %eq3A_2375 : i32
      %jit3A_2377 = arith.constant 1 : i32
      %select_n3A_2378 = arith.select %eq3A_2376, %jit3A_2377, %jit3A_2374 : i32
      %rem3A_2379 = arith.remsi %add3A_2349, %select_n3A_2378 : i32
      %ne3A_2380 = arith.constant 0 : i32
      %ne3A_2381 = arith.cmpi ne, %rem3A_2379, %ne3A_2380 : i32
      %lt3A_2382 = arith.constant 0 : i32
      %lt3A_2383 = arith.cmpi slt, %rem3A_2379, %lt3A_2382 : i32
      %lt3A_2384 = arith.constant 0 : i32
      %lt3A_2385 = arith.cmpi slt, %select_n3A_2378, %lt3A_2384 : i32
      %ne3A_2386 = arith.xori %lt3A_2383, %lt3A_2385 : i1
      %and3A_2387 = arith.andi %ne3A_2386, %ne3A_2381 : i1
      %add3A_2388 = arith.addi %rem3A_2379, %select_n3A_2378 : i32
      %select_n3A_2389 = arith.select %and3A_2387, %add3A_2388, %rem3A_2379 : i32
      %mul3A_2390 = arith.constant 64 : i32
      %mul3A_2391 = arith.muli %select_n3A_2389, %mul3A_2390 : i32
      %dma_start3A_2392 = tpu.memref_slice %arg5[%select_n3A_2373, %mul3A_2391] : memref<50x128xi32, #tpu.memory_space<vmem>> -> memref<1x64xi32, #tpu.memory_space<vmem>>
      %dma_start3A_2393 = tpu.memref_squeeze %dma_start3A_2392 : memref<1x64xi32, #tpu.memory_space<vmem>> -> memref<64xi32, #tpu.memory_space<vmem>>
      %dma_start3A_2394 = arith.constant 0 : i32
      %dma_start3A_2395 = arith.constant 0 : i32
      %dma_start3A_2396 = tpu.memref_slice %arg3[%dma_start3A_2394, %dma_start3A_2395] : memref<100000x128xf32, #tpu.memory_space<hbm>> -> memref<100000x128xf32, #tpu.memory_space<hbm>>
      tpu.enqueue_indirect_dma source(%dma_start3A_2396 : memref<100000x128xf32, #tpu.memory_space<hbm>>) target(%arg15 : memref<64x128xf32, #tpu.memory_space<vmem>>) offsets(%dma_start3A_2393 : memref<64xi32, #tpu.memory_space<vmem>>) semaphore(%arg25 : memref<!tpu.dma_semaphore, #tpu.memory_space<semaphore_mem>>)
    }
    %scan3A_95 = arith.constant 9 : i32
    %dma_wait3A_96 = arith.constant 45 : i32
    %dma_wait3A_97 = arith.constant 0 : i32
    %dma_wait3A_98 = tpu.memref_slice %arg5[%dma_wait3A_96, %dma_wait3A_97] : memref<50x128xi32, #tpu.memory_space<vmem>> -> memref<1x64xi32, #tpu.memory_space<vmem>>
    %dma_wait3A_99 = tpu.memref_squeeze %dma_wait3A_98 : memref<1x64xi32, #tpu.memory_space<vmem>> -> memref<64xi32, #tpu.memory_space<vmem>>
    %dma_wait3A_100 = arith.constant 0 : i32
    %dma_wait3A_101 = arith.constant 0 : i32
    %dma_wait3A_102 = tpu.memref_slice %arg3[%dma_wait3A_100, %dma_wait3A_101] : memref<100000x128xf32, #tpu.memory_space<hbm>> -> memref<100000x128xf32, #tpu.memory_space<hbm>>
    tpu.wait_indirect_dma semaphore(%arg16 : memref<!tpu.dma_semaphore, #tpu.memory_space<semaphore_mem>>) src(%dma_wait3A_102 : memref<100000x128xf32, #tpu.memory_space<hbm>>) dst(%arg6 : memref<64x128xf32, #tpu.memory_space<vmem>>)
    %add3A_103 = arith.constant 0 : i32
    %add3A_104 = arith.addi %mul3A_2, %add3A_103 : i32
    %dma_start3A_105 = arith.constant 45 : i32
    %dma_start3A_106 = arith.constant 0 : i32
    %dma_start3A_107 = tpu.memref_slice %arg4[%dma_start3A_105, %add3A_104, %dma_start3A_106] : memref<50x4096x128xf32, #tpu.memory_space<hbm>> -> memref<1x64x128xf32, #tpu.memory_space<hbm>>
    %dma_start3A_108 = tpu.memref_squeeze %dma_start3A_107 : memref<1x64x128xf32, #tpu.memory_space<hbm>> -> memref<64x128xf32, #tpu.memory_space<hbm>>
    %dma_start3A_109 = arith.constant 0 : i32
    %dma_start3A_110 = tpu.memref_slice %arg4[%dma_start3A_105, %add3A_104, %dma_start3A_109] : memref<50x4096x128xf32, #tpu.memory_space<hbm>> -> memref<1x64x128xf32, #tpu.memory_space<hbm>>
    %dma_start3A_111 = tpu.memref_squeeze %dma_start3A_110 : memref<1x64x128xf32, #tpu.memory_space<hbm>> -> memref<64x128xf32, #tpu.memory_space<hbm>>
    tpu.enqueue_dma source(%arg6 : memref<64x128xf32, #tpu.memory_space<vmem>>) target(%dma_start3A_111 : memref<64x128xf32, #tpu.memory_space<hbm>>) target_semaphore(%arg26 : memref<!tpu.dma_semaphore, #tpu.memory_space<semaphore_mem>>)
    %dma_wait3A_112 = arith.constant 45 : i32
    %dma_wait3A_113 = arith.constant 64 : i32
    %dma_wait3A_114 = tpu.memref_slice %arg5[%dma_wait3A_112, %dma_wait3A_113] : memref<50x128xi32, #tpu.memory_space<vmem>> -> memref<1x64xi32, #tpu.memory_space<vmem>>
    %dma_wait3A_115 = tpu.memref_squeeze %dma_wait3A_114 : memref<1x64xi32, #tpu.memory_space<vmem>> -> memref<64xi32, #tpu.memory_space<vmem>>
    %dma_wait3A_116 = arith.constant 0 : i32
    %dma_wait3A_117 = arith.constant 0 : i32
    %dma_wait3A_118 = tpu.memref_slice %arg3[%dma_wait3A_116, %dma_wait3A_117] : memref<100000x128xf32, #tpu.memory_space<hbm>> -> memref<100000x128xf32, #tpu.memory_space<hbm>>
    tpu.wait_indirect_dma semaphore(%arg17 : memref<!tpu.dma_semaphore, #tpu.memory_space<semaphore_mem>>) src(%dma_wait3A_118 : memref<100000x128xf32, #tpu.memory_space<hbm>>) dst(%arg7 : memref<64x128xf32, #tpu.memory_space<vmem>>)
    %add3A_119 = arith.constant 64 : i32
    %add3A_120 = arith.addi %mul3A_2, %add3A_119 : i32
    %dma_start3A_121 = arith.constant 45 : i32
    %dma_start3A_122 = arith.constant 0 : i32
    %dma_start3A_123 = tpu.memref_slice %arg4[%dma_start3A_121, %add3A_120, %dma_start3A_122] : memref<50x4096x128xf32, #tpu.memory_space<hbm>> -> memref<1x64x128xf32, #tpu.memory_space<hbm>>
    %dma_start3A_124 = tpu.memref_squeeze %dma_start3A_123 : memref<1x64x128xf32, #tpu.memory_space<hbm>> -> memref<64x128xf32, #tpu.memory_space<hbm>>
    %dma_start3A_125 = arith.constant 0 : i32
    %dma_start3A_126 = tpu.memref_slice %arg4[%dma_start3A_121, %add3A_120, %dma_start3A_125] : memref<50x4096x128xf32, #tpu.memory_space<hbm>> -> memref<1x64x128xf32, #tpu.memory_space<hbm>>
    %dma_start3A_127 = tpu.memref_squeeze %dma_start3A_126 : memref<1x64x128xf32, #tpu.memory_space<hbm>> -> memref<64x128xf32, #tpu.memory_space<hbm>>
    tpu.enqueue_dma source(%arg7 : memref<64x128xf32, #tpu.memory_space<vmem>>) target(%dma_start3A_127 : memref<64x128xf32, #tpu.memory_space<hbm>>) target_semaphore(%arg27 : memref<!tpu.dma_semaphore, #tpu.memory_space<semaphore_mem>>)
    %dma_wait3A_128 = arith.constant 46 : i32
    %dma_wait3A_129 = arith.constant 0 : i32
    %dma_wait3A_130 = tpu.memref_slice %arg5[%dma_wait3A_128, %dma_wait3A_129] : memref<50x128xi32, #tpu.memory_space<vmem>> -> memref<1x64xi32, #tpu.memory_space<vmem>>
    %dma_wait3A_131 = tpu.memref_squeeze %dma_wait3A_130 : memref<1x64xi32, #tpu.memory_space<vmem>> -> memref<64xi32, #tpu.memory_space<vmem>>
    %dma_wait3A_132 = arith.constant 0 : i32
    %dma_wait3A_133 = arith.constant 0 : i32
    %dma_wait3A_134 = tpu.memref_slice %arg3[%dma_wait3A_132, %dma_wait3A_133] : memref<100000x128xf32, #tpu.memory_space<hbm>> -> memref<100000x128xf32, #tpu.memory_space<hbm>>
    tpu.wait_indirect_dma semaphore(%arg18 : memref<!tpu.dma_semaphore, #tpu.memory_space<semaphore_mem>>) src(%dma_wait3A_134 : memref<100000x128xf32, #tpu.memory_space<hbm>>) dst(%arg8 : memref<64x128xf32, #tpu.memory_space<vmem>>)
    %add3A_135 = arith.constant 0 : i32
    %add3A_136 = arith.addi %mul3A_2, %add3A_135 : i32
    %dma_start3A_137 = arith.constant 46 : i32
    %dma_start3A_138 = arith.constant 0 : i32
    %dma_start3A_139 = tpu.memref_slice %arg4[%dma_start3A_137, %add3A_136, %dma_start3A_138] : memref<50x4096x128xf32, #tpu.memory_space<hbm>> -> memref<1x64x128xf32, #tpu.memory_space<hbm>>
    %dma_start3A_140 = tpu.memref_squeeze %dma_start3A_139 : memref<1x64x128xf32, #tpu.memory_space<hbm>> -> memref<64x128xf32, #tpu.memory_space<hbm>>
    %dma_start3A_141 = arith.constant 0 : i32
    %dma_start3A_142 = tpu.memref_slice %arg4[%dma_start3A_137, %add3A_136, %dma_start3A_141] : memref<50x4096x128xf32, #tpu.memory_space<hbm>> -> memref<1x64x128xf32, #tpu.memory_space<hbm>>
    %dma_start3A_143 = tpu.memref_squeeze %dma_start3A_142 : memref<1x64x128xf32, #tpu.memory_space<hbm>> -> memref<64x128xf32, #tpu.memory_space<hbm>>
    tpu.enqueue_dma source(%arg8 : memref<64x128xf32, #tpu.memory_space<vmem>>) target(%dma_start3A_143 : memref<64x128xf32, #tpu.memory_space<hbm>>) target_semaphore(%arg28 : memref<!tpu.dma_semaphore, #tpu.memory_space<semaphore_mem>>)
    %dma_wait3A_144 = arith.constant 46 : i32
    %dma_wait3A_145 = arith.constant 64 : i32
    %dma_wait3A_146 = tpu.memref_slice %arg5[%dma_wait3A_144, %dma_wait3A_145] : memref<50x128xi32, #tpu.memory_space<vmem>> -> memref<1x64xi32, #tpu.memory_space<vmem>>
    %dma_wait3A_147 = tpu.memref_squeeze %dma_wait3A_146 : memref<1x64xi32, #tpu.memory_space<vmem>> -> memref<64xi32, #tpu.memory_space<vmem>>
    %dma_wait3A_148 = arith.constant 0 : i32
    %dma_wait3A_149 = arith.constant 0 : i32
    %dma_wait3A_150 = tpu.memref_slice %arg3[%dma_wait3A_148, %dma_wait3A_149] : memref<100000x128xf32, #tpu.memory_space<hbm>> -> memref<100000x128xf32, #tpu.memory_space<hbm>>
    tpu.wait_indirect_dma semaphore(%arg19 : memref<!tpu.dma_semaphore, #tpu.memory_space<semaphore_mem>>) src(%dma_wait3A_150 : memref<100000x128xf32, #tpu.memory_space<hbm>>) dst(%arg9 : memref<64x128xf32, #tpu.memory_space<vmem>>)
    %add3A_151 = arith.constant 64 : i32
    %add3A_152 = arith.addi %mul3A_2, %add3A_151 : i32
    %dma_start3A_153 = arith.constant 46 : i32
    %dma_start3A_154 = arith.constant 0 : i32
    %dma_start3A_155 = tpu.memref_slice %arg4[%dma_start3A_153, %add3A_152, %dma_start3A_154] : memref<50x4096x128xf32, #tpu.memory_space<hbm>> -> memref<1x64x128xf32, #tpu.memory_space<hbm>>
    %dma_start3A_156 = tpu.memref_squeeze %dma_start3A_155 : memref<1x64x128xf32, #tpu.memory_space<hbm>> -> memref<64x128xf32, #tpu.memory_space<hbm>>
    %dma_start3A_157 = arith.constant 0 : i32
    %dma_start3A_158 = tpu.memref_slice %arg4[%dma_start3A_153, %add3A_152, %dma_start3A_157] : memref<50x4096x128xf32, #tpu.memory_space<hbm>> -> memref<1x64x128xf32, #tpu.memory_space<hbm>>
    %dma_start3A_159 = tpu.memref_squeeze %dma_start3A_158 : memref<1x64x128xf32, #tpu.memory_space<hbm>> -> memref<64x128xf32, #tpu.memory_space<hbm>>
    tpu.enqueue_dma source(%arg9 : memref<64x128xf32, #tpu.memory_space<vmem>>) target(%dma_start3A_159 : memref<64x128xf32, #tpu.memory_space<hbm>>) target_semaphore(%arg29 : memref<!tpu.dma_semaphore, #tpu.memory_space<semaphore_mem>>)
    %dma_wait3A_160 = arith.constant 47 : i32
    %dma_wait3A_161 = arith.constant 0 : i32
    %dma_wait3A_162 = tpu.memref_slice %arg5[%dma_wait3A_160, %dma_wait3A_161] : memref<50x128xi32, #tpu.memory_space<vmem>> -> memref<1x64xi32, #tpu.memory_space<vmem>>
    %dma_wait3A_163 = tpu.memref_squeeze %dma_wait3A_162 : memref<1x64xi32, #tpu.memory_space<vmem>> -> memref<64xi32, #tpu.memory_space<vmem>>
    %dma_wait3A_164 = arith.constant 0 : i32
    %dma_wait3A_165 = arith.constant 0 : i32
    %dma_wait3A_166 = tpu.memref_slice %arg3[%dma_wait3A_164, %dma_wait3A_165] : memref<100000x128xf32, #tpu.memory_space<hbm>> -> memref<100000x128xf32, #tpu.memory_space<hbm>>
    tpu.wait_indirect_dma semaphore(%arg20 : memref<!tpu.dma_semaphore, #tpu.memory_space<semaphore_mem>>) src(%dma_wait3A_166 : memref<100000x128xf32, #tpu.memory_space<hbm>>) dst(%arg10 : memref<64x128xf32, #tpu.memory_space<vmem>>)
    %add3A_167 = arith.constant 0 : i32
    %add3A_168 = arith.addi %mul3A_2, %add3A_167 : i32
    %dma_start3A_169 = arith.constant 47 : i32
    %dma_start3A_170 = arith.constant 0 : i32
    %dma_start3A_171 = tpu.memref_slice %arg4[%dma_start3A_169, %add3A_168, %dma_start3A_170] : memref<50x4096x128xf32, #tpu.memory_space<hbm>> -> memref<1x64x128xf32, #tpu.memory_space<hbm>>
    %dma_start3A_172 = tpu.memref_squeeze %dma_start3A_171 : memref<1x64x128xf32, #tpu.memory_space<hbm>> -> memref<64x128xf32, #tpu.memory_space<hbm>>
    %dma_start3A_173 = arith.constant 0 : i32
    %dma_start3A_174 = tpu.memref_slice %arg4[%dma_start3A_169, %add3A_168, %dma_start3A_173] : memref<50x4096x128xf32, #tpu.memory_space<hbm>> -> memref<1x64x128xf32, #tpu.memory_space<hbm>>
    %dma_start3A_175 = tpu.memref_squeeze %dma_start3A_174 : memref<1x64x128xf32, #tpu.memory_space<hbm>> -> memref<64x128xf32, #tpu.memory_space<hbm>>
    tpu.enqueue_dma source(%arg10 : memref<64x128xf32, #tpu.memory_space<vmem>>) target(%dma_start3A_175 : memref<64x128xf32, #tpu.memory_space<hbm>>) target_semaphore(%arg30 : memref<!tpu.dma_semaphore, #tpu.memory_space<semaphore_mem>>)
    %dma_wait3A_176 = arith.constant 47 : i32
    %dma_wait3A_177 = arith.constant 64 : i32
    %dma_wait3A_178 = tpu.memref_slice %arg5[%dma_wait3A_176, %dma_wait3A_177] : memref<50x128xi32, #tpu.memory_space<vmem>> -> memref<1x64xi32, #tpu.memory_space<vmem>>
    %dma_wait3A_179 = tpu.memref_squeeze %dma_wait3A_178 : memref<1x64xi32, #tpu.memory_space<vmem>> -> memref<64xi32, #tpu.memory_space<vmem>>
    %dma_wait3A_180 = arith.constant 0 : i32
    %dma_wait3A_181 = arith.constant 0 : i32
    %dma_wait3A_182 = tpu.memref_slice %arg3[%dma_wait3A_180, %dma_wait3A_181] : memref<100000x128xf32, #tpu.memory_space<hbm>> -> memref<100000x128xf32, #tpu.memory_space<hbm>>
    tpu.wait_indirect_dma semaphore(%arg21 : memref<!tpu.dma_semaphore, #tpu.memory_space<semaphore_mem>>) src(%dma_wait3A_182 : memref<100000x128xf32, #tpu.memory_space<hbm>>) dst(%arg11 : memref<64x128xf32, #tpu.memory_space<vmem>>)
    %add3A_183 = arith.constant 64 : i32
    %add3A_184 = arith.addi %mul3A_2, %add3A_183 : i32
    %dma_start3A_185 = arith.constant 47 : i32
    %dma_start3A_186 = arith.constant 0 : i32
    %dma_start3A_187 = tpu.memref_slice %arg4[%dma_start3A_185, %add3A_184, %dma_start3A_186] : memref<50x4096x128xf32, #tpu.memory_space<hbm>> -> memref<1x64x128xf32, #tpu.memory_space<hbm>>
    %dma_start3A_188 = tpu.memref_squeeze %dma_start3A_187 : memref<1x64x128xf32, #tpu.memory_space<hbm>> -> memref<64x128xf32, #tpu.memory_space<hbm>>
    %dma_start3A_189 = arith.constant 0 : i32
    %dma_start3A_190 = tpu.memref_slice %arg4[%dma_start3A_185, %add3A_184, %dma_start3A_189] : memref<50x4096x128xf32, #tpu.memory_space<hbm>> -> memref<1x64x128xf32, #tpu.memory_space<hbm>>
    %dma_start3A_191 = tpu.memref_squeeze %dma_start3A_190 : memref<1x64x128xf32, #tpu.memory_space<hbm>> -> memref<64x128xf32, #tpu.memory_space<hbm>>
    tpu.enqueue_dma source(%arg11 : memref<64x128xf32, #tpu.memory_space<vmem>>) target(%dma_start3A_191 : memref<64x128xf32, #tpu.memory_space<hbm>>) target_semaphore(%arg31 : memref<!tpu.dma_semaphore, #tpu.memory_space<semaphore_mem>>)
    %dma_wait3A_192 = arith.constant 48 : i32
    %dma_wait3A_193 = arith.constant 0 : i32
    %dma_wait3A_194 = tpu.memref_slice %arg5[%dma_wait3A_192, %dma_wait3A_193] : memref<50x128xi32, #tpu.memory_space<vmem>> -> memref<1x64xi32, #tpu.memory_space<vmem>>
    %dma_wait3A_195 = tpu.memref_squeeze %dma_wait3A_194 : memref<1x64xi32, #tpu.memory_space<vmem>> -> memref<64xi32, #tpu.memory_space<vmem>>
    %dma_wait3A_196 = arith.constant 0 : i32
    %dma_wait3A_197 = arith.constant 0 : i32
    %dma_wait3A_198 = tpu.memref_slice %arg3[%dma_wait3A_196, %dma_wait3A_197] : memref<100000x128xf32, #tpu.memory_space<hbm>> -> memref<100000x128xf32, #tpu.memory_space<hbm>>
    tpu.wait_indirect_dma semaphore(%arg22 : memref<!tpu.dma_semaphore, #tpu.memory_space<semaphore_mem>>) src(%dma_wait3A_198 : memref<100000x128xf32, #tpu.memory_space<hbm>>) dst(%arg12 : memref<64x128xf32, #tpu.memory_space<vmem>>)
    %add3A_199 = arith.constant 0 : i32
    %add3A_200 = arith.addi %mul3A_2, %add3A_199 : i32
    %dma_start3A_201 = arith.constant 48 : i32
    %dma_start3A_202 = arith.constant 0 : i32
    %dma_start3A_203 = tpu.memref_slice %arg4[%dma_start3A_201, %add3A_200, %dma_start3A_202] : memref<50x4096x128xf32, #tpu.memory_space<hbm>> -> memref<1x64x128xf32, #tpu.memory_space<hbm>>
    %dma_start3A_204 = tpu.memref_squeeze %dma_start3A_203 : memref<1x64x128xf32, #tpu.memory_space<hbm>> -> memref<64x128xf32, #tpu.memory_space<hbm>>
    %dma_start3A_205 = arith.constant 0 : i32
    %dma_start3A_206 = tpu.memref_slice %arg4[%dma_start3A_201, %add3A_200, %dma_start3A_205] : memref<50x4096x128xf32, #tpu.memory_space<hbm>> -> memref<1x64x128xf32, #tpu.memory_space<hbm>>
    %dma_start3A_207 = tpu.memref_squeeze %dma_start3A_206 : memref<1x64x128xf32, #tpu.memory_space<hbm>> -> memref<64x128xf32, #tpu.memory_space<hbm>>
    tpu.enqueue_dma source(%arg12 : memref<64x128xf32, #tpu.memory_space<vmem>>) target(%dma_start3A_207 : memref<64x128xf32, #tpu.memory_space<hbm>>) target_semaphore(%arg32 : memref<!tpu.dma_semaphore, #tpu.memory_space<semaphore_mem>>)
    %dma_wait3A_208 = arith.constant 48 : i32
    %dma_wait3A_209 = arith.constant 64 : i32
    %dma_wait3A_210 = tpu.memref_slice %arg5[%dma_wait3A_208, %dma_wait3A_209] : memref<50x128xi32, #tpu.memory_space<vmem>> -> memref<1x64xi32, #tpu.memory_space<vmem>>
    %dma_wait3A_211 = tpu.memref_squeeze %dma_wait3A_210 : memref<1x64xi32, #tpu.memory_space<vmem>> -> memref<64xi32, #tpu.memory_space<vmem>>
    %dma_wait3A_212 = arith.constant 0 : i32
    %dma_wait3A_213 = arith.constant 0 : i32
    %dma_wait3A_214 = tpu.memref_slice %arg3[%dma_wait3A_212, %dma_wait3A_213] : memref<100000x128xf32, #tpu.memory_space<hbm>> -> memref<100000x128xf32, #tpu.memory_space<hbm>>
    tpu.wait_indirect_dma semaphore(%arg23 : memref<!tpu.dma_semaphore, #tpu.memory_space<semaphore_mem>>) src(%dma_wait3A_214 : memref<100000x128xf32, #tpu.memory_space<hbm>>) dst(%arg13 : memref<64x128xf32, #tpu.memory_space<vmem>>)
    %add3A_215 = arith.constant 64 : i32
    %add3A_216 = arith.addi %mul3A_2, %add3A_215 : i32
    %dma_start3A_217 = arith.constant 48 : i32
    %dma_start3A_218 = arith.constant 0 : i32
    %dma_start3A_219 = tpu.memref_slice %arg4[%dma_start3A_217, %add3A_216, %dma_start3A_218] : memref<50x4096x128xf32, #tpu.memory_space<hbm>> -> memref<1x64x128xf32, #tpu.memory_space<hbm>>
    %dma_start3A_220 = tpu.memref_squeeze %dma_start3A_219 : memref<1x64x128xf32, #tpu.memory_space<hbm>> -> memref<64x128xf32, #tpu.memory_space<hbm>>
    %dma_start3A_221 = arith.constant 0 : i32
    %dma_start3A_222 = tpu.memref_slice %arg4[%dma_start3A_217, %add3A_216, %dma_start3A_221] : memref<50x4096x128xf32, #tpu.memory_space<hbm>> -> memref<1x64x128xf32, #tpu.memory_space<hbm>>
    %dma_start3A_223 = tpu.memref_squeeze %dma_start3A_222 : memref<1x64x128xf32, #tpu.memory_space<hbm>> -> memref<64x128xf32, #tpu.memory_space<hbm>>
    tpu.enqueue_dma source(%arg13 : memref<64x128xf32, #tpu.memory_space<vmem>>) target(%dma_start3A_223 : memref<64x128xf32, #tpu.memory_space<hbm>>) target_semaphore(%arg33 : memref<!tpu.dma_semaphore, #tpu.memory_space<semaphore_mem>>)
    %dma_wait3A_224 = arith.constant 49 : i32
    %dma_wait3A_225 = arith.constant 0 : i32
    %dma_wait3A_226 = tpu.memref_slice %arg5[%dma_wait3A_224, %dma_wait3A_225] : memref<50x128xi32, #tpu.memory_space<vmem>> -> memref<1x64xi32, #tpu.memory_space<vmem>>
    %dma_wait3A_227 = tpu.memref_squeeze %dma_wait3A_226 : memref<1x64xi32, #tpu.memory_space<vmem>> -> memref<64xi32, #tpu.memory_space<vmem>>
    %dma_wait3A_228 = arith.constant 0 : i32
    %dma_wait3A_229 = arith.constant 0 : i32
    %dma_wait3A_230 = tpu.memref_slice %arg3[%dma_wait3A_228, %dma_wait3A_229] : memref<100000x128xf32, #tpu.memory_space<hbm>> -> memref<100000x128xf32, #tpu.memory_space<hbm>>
    tpu.wait_indirect_dma semaphore(%arg24 : memref<!tpu.dma_semaphore, #tpu.memory_space<semaphore_mem>>) src(%dma_wait3A_230 : memref<100000x128xf32, #tpu.memory_space<hbm>>) dst(%arg14 : memref<64x128xf32, #tpu.memory_space<vmem>>)
    %add3A_231 = arith.constant 0 : i32
    %add3A_232 = arith.addi %mul3A_2, %add3A_231 : i32
    %dma_start3A_233 = arith.constant 49 : i32
    %dma_start3A_234 = arith.constant 0 : i32
    %dma_start3A_235 = tpu.memref_slice %arg4[%dma_start3A_233, %add3A_232, %dma_start3A_234] : memref<50x4096x128xf32, #tpu.memory_space<hbm>> -> memref<1x64x128xf32, #tpu.memory_space<hbm>>
    %dma_start3A_236 = tpu.memref_squeeze %dma_start3A_235 : memref<1x64x128xf32, #tpu.memory_space<hbm>> -> memref<64x128xf32, #tpu.memory_space<hbm>>
    %dma_start3A_237 = arith.constant 0 : i32
    %dma_start3A_238 = tpu.memref_slice %arg4[%dma_start3A_233, %add3A_232, %dma_start3A_237] : memref<50x4096x128xf32, #tpu.memory_space<hbm>> -> memref<1x64x128xf32, #tpu.memory_space<hbm>>
    %dma_start3A_239 = tpu.memref_squeeze %dma_start3A_238 : memref<1x64x128xf32, #tpu.memory_space<hbm>> -> memref<64x128xf32, #tpu.memory_space<hbm>>
    tpu.enqueue_dma source(%arg14 : memref<64x128xf32, #tpu.memory_space<vmem>>) target(%dma_start3A_239 : memref<64x128xf32, #tpu.memory_space<hbm>>) target_semaphore(%arg34 : memref<!tpu.dma_semaphore, #tpu.memory_space<semaphore_mem>>)
    %dma_wait3A_240 = arith.constant 49 : i32
    %dma_wait3A_241 = arith.constant 64 : i32
    %dma_wait3A_242 = tpu.memref_slice %arg5[%dma_wait3A_240, %dma_wait3A_241] : memref<50x128xi32, #tpu.memory_space<vmem>> -> memref<1x64xi32, #tpu.memory_space<vmem>>
    %dma_wait3A_243 = tpu.memref_squeeze %dma_wait3A_242 : memref<1x64xi32, #tpu.memory_space<vmem>> -> memref<64xi32, #tpu.memory_space<vmem>>
    %dma_wait3A_244 = arith.constant 0 : i32
    %dma_wait3A_245 = arith.constant 0 : i32
    %dma_wait3A_246 = tpu.memref_slice %arg3[%dma_wait3A_244, %dma_wait3A_245] : memref<100000x128xf32, #tpu.memory_space<hbm>> -> memref<100000x128xf32, #tpu.memory_space<hbm>>
    tpu.wait_indirect_dma semaphore(%arg25 : memref<!tpu.dma_semaphore, #tpu.memory_space<semaphore_mem>>) src(%dma_wait3A_246 : memref<100000x128xf32, #tpu.memory_space<hbm>>) dst(%arg15 : memref<64x128xf32, #tpu.memory_space<vmem>>)
    %add3A_247 = arith.constant 64 : i32
    %add3A_248 = arith.addi %mul3A_2, %add3A_247 : i32
    %dma_start3A_249 = arith.constant 49 : i32
    %dma_start3A_250 = arith.constant 0 : i32
    %dma_start3A_251 = tpu.memref_slice %arg4[%dma_start3A_249, %add3A_248, %dma_start3A_250] : memref<50x4096x128xf32, #tpu.memory_space<hbm>> -> memref<1x64x128xf32, #tpu.memory_space<hbm>>
    %dma_start3A_252 = tpu.memref_squeeze %dma_start3A_251 : memref<1x64x128xf32, #tpu.memory_space<hbm>> -> memref<64x128xf32, #tpu.memory_space<hbm>>
    %dma_start3A_253 = arith.constant 0 : i32
    %dma_start3A_254 = tpu.memref_slice %arg4[%dma_start3A_249, %add3A_248, %dma_start3A_253] : memref<50x4096x128xf32, #tpu.memory_space<hbm>> -> memref<1x64x128xf32, #tpu.memory_space<hbm>>
    %dma_start3A_255 = tpu.memref_squeeze %dma_start3A_254 : memref<1x64x128xf32, #tpu.memory_space<hbm>> -> memref<64x128xf32, #tpu.memory_space<hbm>>
    tpu.enqueue_dma source(%arg15 : memref<64x128xf32, #tpu.memory_space<vmem>>) target(%dma_start3A_255 : memref<64x128xf32, #tpu.memory_space<hbm>>) target_semaphore(%arg35 : memref<!tpu.dma_semaphore, #tpu.memory_space<semaphore_mem>>)
    %add3A_256 = arith.constant 0 : i32
    %add3A_257 = arith.addi %mul3A_2, %add3A_256 : i32
    %dma_wait3A_258 = arith.constant 45 : i32
    %dma_wait3A_259 = arith.constant 0 : i32
    %dma_wait3A_260 = tpu.memref_slice %arg4[%dma_wait3A_258, %add3A_257, %dma_wait3A_259] : memref<50x4096x128xf32, #tpu.memory_space<hbm>> -> memref<1x64x128xf32, #tpu.memory_space<hbm>>
    %dma_wait3A_261 = tpu.memref_squeeze %dma_wait3A_260 : memref<1x64x128xf32, #tpu.memory_space<hbm>> -> memref<64x128xf32, #tpu.memory_space<hbm>>
    %dma_wait3A_262 = arith.constant 0 : i32
    %dma_wait3A_263 = tpu.memref_slice %arg4[%dma_wait3A_258, %add3A_257, %dma_wait3A_262] : memref<50x4096x128xf32, #tpu.memory_space<hbm>> -> memref<1x64x128xf32, #tpu.memory_space<hbm>>
    %dma_wait3A_264 = tpu.memref_squeeze %dma_wait3A_263 : memref<1x64x128xf32, #tpu.memory_space<hbm>> -> memref<64x128xf32, #tpu.memory_space<hbm>>
    tpu.wait_dma2 semaphore(%arg26 : memref<!tpu.dma_semaphore, #tpu.memory_space<semaphore_mem>>) src(%arg6 : memref<64x128xf32, #tpu.memory_space<vmem>>) dst(%dma_wait3A_264 : memref<64x128xf32, #tpu.memory_space<hbm>>)
    %add3A_265 = arith.constant 64 : i32
    %add3A_266 = arith.addi %mul3A_2, %add3A_265 : i32
    %dma_wait3A_267 = arith.constant 45 : i32
    %dma_wait3A_268 = arith.constant 0 : i32
    %dma_wait3A_269 = tpu.memref_slice %arg4[%dma_wait3A_267, %add3A_266, %dma_wait3A_268] : memref<50x4096x128xf32, #tpu.memory_space<hbm>> -> memref<1x64x128xf32, #tpu.memory_space<hbm>>
    %dma_wait3A_270 = tpu.memref_squeeze %dma_wait3A_269 : memref<1x64x128xf32, #tpu.memory_space<hbm>> -> memref<64x128xf32, #tpu.memory_space<hbm>>
    %dma_wait3A_271 = arith.constant 0 : i32
    %dma_wait3A_272 = tpu.memref_slice %arg4[%dma_wait3A_267, %add3A_266, %dma_wait3A_271] : memref<50x4096x128xf32, #tpu.memory_space<hbm>> -> memref<1x64x128xf32, #tpu.memory_space<hbm>>
    %dma_wait3A_273 = tpu.memref_squeeze %dma_wait3A_272 : memref<1x64x128xf32, #tpu.memory_space<hbm>> -> memref<64x128xf32, #tpu.memory_space<hbm>>
    tpu.wait_dma2 semaphore(%arg27 : memref<!tpu.dma_semaphore, #tpu.memory_space<semaphore_mem>>) src(%arg7 : memref<64x128xf32, #tpu.memory_space<vmem>>) dst(%dma_wait3A_273 : memref<64x128xf32, #tpu.memory_space<hbm>>)
    %add3A_274 = arith.constant 0 : i32
    %add3A_275 = arith.addi %mul3A_2, %add3A_274 : i32
    %dma_wait3A_276 = arith.constant 46 : i32
    %dma_wait3A_277 = arith.constant 0 : i32
    %dma_wait3A_278 = tpu.memref_slice %arg4[%dma_wait3A_276, %add3A_275, %dma_wait3A_277] : memref<50x4096x128xf32, #tpu.memory_space<hbm>> -> memref<1x64x128xf32, #tpu.memory_space<hbm>>
    %dma_wait3A_279 = tpu.memref_squeeze %dma_wait3A_278 : memref<1x64x128xf32, #tpu.memory_space<hbm>> -> memref<64x128xf32, #tpu.memory_space<hbm>>
    %dma_wait3A_280 = arith.constant 0 : i32
    %dma_wait3A_281 = tpu.memref_slice %arg4[%dma_wait3A_276, %add3A_275, %dma_wait3A_280] : memref<50x4096x128xf32, #tpu.memory_space<hbm>> -> memref<1x64x128xf32, #tpu.memory_space<hbm>>
    %dma_wait3A_282 = tpu.memref_squeeze %dma_wait3A_281 : memref<1x64x128xf32, #tpu.memory_space<hbm>> -> memref<64x128xf32, #tpu.memory_space<hbm>>
    tpu.wait_dma2 semaphore(%arg28 : memref<!tpu.dma_semaphore, #tpu.memory_space<semaphore_mem>>) src(%arg8 : memref<64x128xf32, #tpu.memory_space<vmem>>) dst(%dma_wait3A_282 : memref<64x128xf32, #tpu.memory_space<hbm>>)
    %add3A_283 = arith.constant 64 : i32
    %add3A_284 = arith.addi %mul3A_2, %add3A_283 : i32
    %dma_wait3A_285 = arith.constant 46 : i32
    %dma_wait3A_286 = arith.constant 0 : i32
    %dma_wait3A_287 = tpu.memref_slice %arg4[%dma_wait3A_285, %add3A_284, %dma_wait3A_286] : memref<50x4096x128xf32, #tpu.memory_space<hbm>> -> memref<1x64x128xf32, #tpu.memory_space<hbm>>
    %dma_wait3A_288 = tpu.memref_squeeze %dma_wait3A_287 : memref<1x64x128xf32, #tpu.memory_space<hbm>> -> memref<64x128xf32, #tpu.memory_space<hbm>>
    %dma_wait3A_289 = arith.constant 0 : i32
    %dma_wait3A_290 = tpu.memref_slice %arg4[%dma_wait3A_285, %add3A_284, %dma_wait3A_289] : memref<50x4096x128xf32, #tpu.memory_space<hbm>> -> memref<1x64x128xf32, #tpu.memory_space<hbm>>
    %dma_wait3A_291 = tpu.memref_squeeze %dma_wait3A_290 : memref<1x64x128xf32, #tpu.memory_space<hbm>> -> memref<64x128xf32, #tpu.memory_space<hbm>>
    tpu.wait_dma2 semaphore(%arg29 : memref<!tpu.dma_semaphore, #tpu.memory_space<semaphore_mem>>) src(%arg9 : memref<64x128xf32, #tpu.memory_space<vmem>>) dst(%dma_wait3A_291 : memref<64x128xf32, #tpu.memory_space<hbm>>)
    %add3A_292 = arith.constant 0 : i32
    %add3A_293 = arith.addi %mul3A_2, %add3A_292 : i32
    %dma_wait3A_294 = arith.constant 47 : i32
    %dma_wait3A_295 = arith.constant 0 : i32
    %dma_wait3A_296 = tpu.memref_slice %arg4[%dma_wait3A_294, %add3A_293, %dma_wait3A_295] : memref<50x4096x128xf32, #tpu.memory_space<hbm>> -> memref<1x64x128xf32, #tpu.memory_space<hbm>>
    %dma_wait3A_297 = tpu.memref_squeeze %dma_wait3A_296 : memref<1x64x128xf32, #tpu.memory_space<hbm>> -> memref<64x128xf32, #tpu.memory_space<hbm>>
    %dma_wait3A_298 = arith.constant 0 : i32
    %dma_wait3A_299 = tpu.memref_slice %arg4[%dma_wait3A_294, %add3A_293, %dma_wait3A_298] : memref<50x4096x128xf32, #tpu.memory_space<hbm>> -> memref<1x64x128xf32, #tpu.memory_space<hbm>>
    %dma_wait3A_300 = tpu.memref_squeeze %dma_wait3A_299 : memref<1x64x128xf32, #tpu.memory_space<hbm>> -> memref<64x128xf32, #tpu.memory_space<hbm>>
    tpu.wait_dma2 semaphore(%arg30 : memref<!tpu.dma_semaphore, #tpu.memory_space<semaphore_mem>>) src(%arg10 : memref<64x128xf32, #tpu.memory_space<vmem>>) dst(%dma_wait3A_300 : memref<64x128xf32, #tpu.memory_space<hbm>>)
    %add3A_301 = arith.constant 64 : i32
    %add3A_302 = arith.addi %mul3A_2, %add3A_301 : i32
    %dma_wait3A_303 = arith.constant 47 : i32
    %dma_wait3A_304 = arith.constant 0 : i32
    %dma_wait3A_305 = tpu.memref_slice %arg4[%dma_wait3A_303, %add3A_302, %dma_wait3A_304] : memref<50x4096x128xf32, #tpu.memory_space<hbm>> -> memref<1x64x128xf32, #tpu.memory_space<hbm>>
    %dma_wait3A_306 = tpu.memref_squeeze %dma_wait3A_305 : memref<1x64x128xf32, #tpu.memory_space<hbm>> -> memref<64x128xf32, #tpu.memory_space<hbm>>
    %dma_wait3A_307 = arith.constant 0 : i32
    %dma_wait3A_308 = tpu.memref_slice %arg4[%dma_wait3A_303, %add3A_302, %dma_wait3A_307] : memref<50x4096x128xf32, #tpu.memory_space<hbm>> -> memref<1x64x128xf32, #tpu.memory_space<hbm>>
    %dma_wait3A_309 = tpu.memref_squeeze %dma_wait3A_308 : memref<1x64x128xf32, #tpu.memory_space<hbm>> -> memref<64x128xf32, #tpu.memory_space<hbm>>
    tpu.wait_dma2 semaphore(%arg31 : memref<!tpu.dma_semaphore, #tpu.memory_space<semaphore_mem>>) src(%arg11 : memref<64x128xf32, #tpu.memory_space<vmem>>) dst(%dma_wait3A_309 : memref<64x128xf32, #tpu.memory_space<hbm>>)
    %add3A_310 = arith.constant 0 : i32
    %add3A_311 = arith.addi %mul3A_2, %add3A_310 : i32
    %dma_wait3A_312 = arith.constant 48 : i32
    %dma_wait3A_313 = arith.constant 0 : i32
    %dma_wait3A_314 = tpu.memref_slice %arg4[%dma_wait3A_312, %add3A_311, %dma_wait3A_313] : memref<50x4096x128xf32, #tpu.memory_space<hbm>> -> memref<1x64x128xf32, #tpu.memory_space<hbm>>
    %dma_wait3A_315 = tpu.memref_squeeze %dma_wait3A_314 : memref<1x64x128xf32, #tpu.memory_space<hbm>> -> memref<64x128xf32, #tpu.memory_space<hbm>>
    %dma_wait3A_316 = arith.constant 0 : i32
    %dma_wait3A_317 = tpu.memref_slice %arg4[%dma_wait3A_312, %add3A_311, %dma_wait3A_316] : memref<50x4096x128xf32, #tpu.memory_space<hbm>> -> memref<1x64x128xf32, #tpu.memory_space<hbm>>
    %dma_wait3A_318 = tpu.memref_squeeze %dma_wait3A_317 : memref<1x64x128xf32, #tpu.memory_space<hbm>> -> memref<64x128xf32, #tpu.memory_space<hbm>>
    tpu.wait_dma2 semaphore(%arg32 : memref<!tpu.dma_semaphore, #tpu.memory_space<semaphore_mem>>) src(%arg12 : memref<64x128xf32, #tpu.memory_space<vmem>>) dst(%dma_wait3A_318 : memref<64x128xf32, #tpu.memory_space<hbm>>)
    %add3A_319 = arith.constant 64 : i32
    %add3A_320 = arith.addi %mul3A_2, %add3A_319 : i32
    %dma_wait3A_321 = arith.constant 48 : i32
    %dma_wait3A_322 = arith.constant 0 : i32
    %dma_wait3A_323 = tpu.memref_slice %arg4[%dma_wait3A_321, %add3A_320, %dma_wait3A_322] : memref<50x4096x128xf32, #tpu.memory_space<hbm>> -> memref<1x64x128xf32, #tpu.memory_space<hbm>>
    %dma_wait3A_324 = tpu.memref_squeeze %dma_wait3A_323 : memref<1x64x128xf32, #tpu.memory_space<hbm>> -> memref<64x128xf32, #tpu.memory_space<hbm>>
    %dma_wait3A_325 = arith.constant 0 : i32
    %dma_wait3A_326 = tpu.memref_slice %arg4[%dma_wait3A_321, %add3A_320, %dma_wait3A_325] : memref<50x4096x128xf32, #tpu.memory_space<hbm>> -> memref<1x64x128xf32, #tpu.memory_space<hbm>>
    %dma_wait3A_327 = tpu.memref_squeeze %dma_wait3A_326 : memref<1x64x128xf32, #tpu.memory_space<hbm>> -> memref<64x128xf32, #tpu.memory_space<hbm>>
    tpu.wait_dma2 semaphore(%arg33 : memref<!tpu.dma_semaphore, #tpu.memory_space<semaphore_mem>>) src(%arg13 : memref<64x128xf32, #tpu.memory_space<vmem>>) dst(%dma_wait3A_327 : memref<64x128xf32, #tpu.memory_space<hbm>>)
    %add3A_328 = arith.constant 0 : i32
    %add3A_329 = arith.addi %mul3A_2, %add3A_328 : i32
    %dma_wait3A_330 = arith.constant 49 : i32
    %dma_wait3A_331 = arith.constant 0 : i32
    %dma_wait3A_332 = tpu.memref_slice %arg4[%dma_wait3A_330, %add3A_329, %dma_wait3A_331] : memref<50x4096x128xf32, #tpu.memory_space<hbm>> -> memref<1x64x128xf32, #tpu.memory_space<hbm>>
    %dma_wait3A_333 = tpu.memref_squeeze %dma_wait3A_332 : memref<1x64x128xf32, #tpu.memory_space<hbm>> -> memref<64x128xf32, #tpu.memory_space<hbm>>
    %dma_wait3A_334 = arith.constant 0 : i32
    %dma_wait3A_335 = tpu.memref_slice %arg4[%dma_wait3A_330, %add3A_329, %dma_wait3A_334] : memref<50x4096x128xf32, #tpu.memory_space<hbm>> -> memref<1x64x128xf32, #tpu.memory_space<hbm>>
    %dma_wait3A_336 = tpu.memref_squeeze %dma_wait3A_335 : memref<1x64x128xf32, #tpu.memory_space<hbm>> -> memref<64x128xf32, #tpu.memory_space<hbm>>
    tpu.wait_dma2 semaphore(%arg34 : memref<!tpu.dma_semaphore, #tpu.memory_space<semaphore_mem>>) src(%arg14 : memref<64x128xf32, #tpu.memory_space<vmem>>) dst(%dma_wait3A_336 : memref<64x128xf32, #tpu.memory_space<hbm>>)
    %add3A_337 = arith.constant 64 : i32
    %add3A_338 = arith.addi %mul3A_2, %add3A_337 : i32
    %dma_wait3A_339 = arith.constant 49 : i32
    %dma_wait3A_340 = arith.constant 0 : i32
    %dma_wait3A_341 = tpu.memref_slice %arg4[%dma_wait3A_339, %add3A_338, %dma_wait3A_340] : memref<50x4096x128xf32, #tpu.memory_space<hbm>> -> memref<1x64x128xf32, #tpu.memory_space<hbm>>
    %dma_wait3A_342 = tpu.memref_squeeze %dma_wait3A_341 : memref<1x64x128xf32, #tpu.memory_space<hbm>> -> memref<64x128xf32, #tpu.memory_space<hbm>>
    %dma_wait3A_343 = arith.constant 0 : i32
    %dma_wait3A_344 = tpu.memref_slice %arg4[%dma_wait3A_339, %add3A_338, %dma_wait3A_343] : memref<50x4096x128xf32, #tpu.memory_space<hbm>> -> memref<1x64x128xf32, #tpu.memory_space<hbm>>
    %dma_wait3A_345 = tpu.memref_squeeze %dma_wait3A_344 : memref<1x64x128xf32, #tpu.memory_space<hbm>> -> memref<64x128xf32, #tpu.memory_space<hbm>>
    tpu.wait_dma2 semaphore(%arg35 : memref<!tpu.dma_semaphore, #tpu.memory_space<semaphore_mem>>) src(%arg15 : memref<64x128xf32, #tpu.memory_space<vmem>>) dst(%dma_wait3A_345 : memref<64x128xf32, #tpu.memory_space<hbm>>)
    return
  }
}

</mosaic_0001>

<sc_bundles>
// kernel: kernel.3.cloned.1.call-start
scs
__scs_entry_jumppad:
0x0: {  	(pc) =	sbr.rel $0x88, $3  }
0x1: {  	(tag) =	ssettag $0x0;
	lr =	simm.s32 $0x1  }
0x2: {  	[smem:$0x3F9F] =	sst lr;
	_ =	strace $0xD0000000  }
0x3: {  	_ = 	snop  }
0x4: {  	_ = 	snop  }
0x5: {  	_ = 	snop  }
0x6: {  	_ = 	snop  }
0x7: {  	_ = 	snop  }
__scs_overlays_trampoline_lowered:
0x8: {  	[smem:$0x3FAE] =	sst s0  }
0x9: {  	[smem:$0x3FAF] =	sst s1  }
0xa: {  	[smem:$0x3FB0] =	sst s2  }
0xb: {  	[smem:$0x3FB1] =	sst s3  }
0xc: {  	[smem:$0x3FB2] =	sst s4  }
0xd: {  	[smem:$0x3FB3] =	sst s5  }
0xe: {  	[smem:$0x3FB4] =	sst s6  }
0xf: {  	[smem:$0x3FB5] =	sst s7  }
0x10: {  	[smem:$0x3FB6] =	sst s8  }
0x11: {  	[smem:$0x3FB7] =	sst s9;
	s0 =	simm.s32 @!p0 $0x0  }
0x12: {  	s1 =	sld [smem:$0x3F9D];
	s0 =	simm.s32 @p0 $0x1  }
0x13: {  	[smem:$0x3FB8] =	sst s0;
	s0 =	simm.s32 @!p1 $0x0  }
0x14: {  	s2 =	sld [smem:$0x3F9C];
	s0 =	simm.s32 @p1 $0x1  }
0x15: {  	[smem:$0x3FB9] =	sst s0;
	s0 =	simm.s32 @!p2 $0x0  }
0x16: {  	s3 =	sld [smem:$0x3FDB];
	s0 =	simm.s32 @p2 $0x1  }
0x17: {  	s4 =	simm.s32 $0x1BF5;
	[smem:$0x3FBB] =	sst s0  }
0x18: {  	s0 =	sld [smem:$0x3F9E];
	_ =	swait.ge [sflag:s4], $0x0  }
0x19: {  	s7 =	sld [smem:$0x3F9F]  }
0x1a: {  	s8 =	sadd.s32 $0xFFFFE003, lr  }
0x1b: {  	s9 =	sadd.s32 $0xFFFFFEF7, lr;
	s5 =	simm.s32 $0xFFFFFFFF;
	p2 =	slt.u32 s8, $0xFFFFF086  }
0x1c: {  	p1 =	slt.u32 s9, $0xF7A;
	s5 =	simm.s32 @!p2 $0x0  }
0x1d: {  	s5 =	simm.s32 @p1 $0x1;
	p0 =	seq.s32 s7, s2  }
0x1e: {  	s7 =	smul.u32 @!p0 $0xF7A, s2;
	p2 =	seq.s32 @!p0 s5, $0x0  }
0x1f: {  	s9 =	smul.u32 $0xF7A, s1;
	s8 =	simm.s32 @!p0 $0x1BF5;
	p2 =	por !p2, p0  }
0x20: {  	[sflag:s8] =	ssyncset.s32 @!p0 $0xFFFFF086;
	s6 =	sadd.s32 @!p0 s3, s7;
	s7 =	simm.s32 @!p0 $0x108  }
0x21: {  	s3 =	sadd.s32 s3, s9;
	s6 =	sadd.s32 @!p0 $0x88, s6;
	s7 =	simm.s32 @p2 $0x1082  }
0x22: {  	[simem:s7], [sflag:s8] =	dma.local @!p0 [hbm:s6], $0xF7A  }
0x23: {  	s9 =	sor.u32 $0xD0000000, s2;
	s6 =	simm.s32 $0x108;
	_ =	swait.ge @!p0 [sflag:s8], $0x0  }
0x24: {  	s3 =	sadd.s32 $0x88, s3;
	s6 =	simm.s32 @!p1 $0x1082;
	[sflag:s4] =	ssyncset.s32 $0xFFFFF086  }
0x25: {  	[simem:s6], [sflag:s4] =	dma.local [hbm:s3], $0xF7A  }
0x26: {  	[smem:$0x3F9F] =	sst s1;
	(tag) =	ssettag s2;
	_ =	strace s9  }
0x27: {  	s1 =	sld [smem:$0x3FAF]  }
0x28: {  	s2 =	sld [smem:$0x3FB0]  }
0x29: {  	s4 =	sld [smem:$0x3FB2]  }
0x2a: {  	p0 =	seq.s32 s5, $0x0;
	s5 =	sld [smem:$0x3FB3]  }
0x2b: {  	s6 =	sld [smem:$0x3FB4]  }
0x2c: {  	s7 =	sld [smem:$0x3FB5]  }
0x2d: {  	s3 =	simm.s32 $0x108;
	s8 =	sld [smem:$0x3FB6]  }
0x2e: {  	s3 =	simm.s32 @!p0 $0x1082;
	s9 =	sld [smem:$0x3FB7]  }
0x2f: {  	lr =	sadd.s32 s0, s3;
	s0 =	sld [smem:$0x3FAE]  }
0x30: {  	s3 =	sld [smem:$0x3FB1]  }
0x31: {  	[smem:$0x3FBA] =	sst s10  }
0x32: {  	s10 =	sld [smem:$0x3FB8];
	_ =	sdelay $0x3  }
0x33: {  	p0 =	seq.s32 s10, $0x1;
	s10 =	sld [smem:$0x3FBA];
	_ =	sdelay $0x3  }
0x34: {  	[smem:$0x3FBA] =	sst s10  }
0x35: {  	s10 =	sld [smem:$0x3FB9];
	_ =	sdelay $0x3  }
0x36: {  	p1 =	seq.s32 s10, $0x1;
	s10 =	sld [smem:$0x3FBA];
	_ =	sdelay $0x3  }
0x37: {  	[smem:$0x3FBA] =	sst s10  }
0x38: {  	s10 =	sld [smem:$0x3FBB]  }
0x39: {  	_ = 	snop;
	(pc) =	sbr.ind lr, $3  }
0x3a: {  	_ = 	snop  }
0x3b: {  	_ = 	snop  }
0x3c: {  	p2 =	seq.s32 s10, $0x1;
	s10 =	sld [smem:$0x3FBA]  }
0x3d: {  	_ =	shalt  }
0x3e: {  	_ =	shalt  }
0x3f: {  	_ =	shalt  }
0x40: {  	_ =	shalt  }
0x41: {  	_ =	shalt  }
0x42: {  	_ =	shalt  }
0x43: {  	_ =	shalt  }
0x44: {  	_ =	shalt  }
0x45: {  	_ =	shalt  }
0x46: {  	_ =	shalt  }
0x47: {  	_ =	shalt  }
0x48: {  	_ =	shalt  }
0x49: {  	_ =	shalt  }
0x4a: {  	_ =	shalt  }
0x4b: {  	_ =	shalt  }
0x4c: {  	_ =	shalt  }
0x4d: {  	_ =	shalt  }
0x4e: {  	_ =	shalt  }
0x4f: {  	_ =	shalt  }
0x50: {  	_ =	shalt  }
0x51: {  	_ =	shalt  }
0x52: {  	_ =	shalt  }
0x53: {  	_ =	shalt  }
0x54: {  	_ =	shalt  }
0x55: {  	_ =	shalt  }
0x56: {  	_ =	shalt  }
0x57: {  	_ =	shalt  }
0x58: {  	_ =	shalt  }
0x59: {  	_ =	shalt  }
0x5a: {  	_ =	shalt  }
0x5b: {  	_ =	shalt  }
0x5c: {  	_ =	shalt  }
0x5d: {  	_ =	shalt  }
0x5e: {  	_ =	shalt  }
0x5f: {  	_ =	shalt  }
0x60: {  	_ =	shalt  }
0x61: {  	_ =	shalt  }
0x62: {  	_ =	shalt  }
0x63: {  	_ =	shalt  }
0x64: {  	_ =	shalt  }
0x65: {  	_ =	shalt  }
0x66: {  	_ =	shalt  }
0x67: {  	_ =	shalt  }
0x68: {  	_ =	shalt  }
0x69: {  	_ =	shalt  }
0x6a: {  	_ =	shalt  }
0x6b: {  	_ =	shalt  }
0x6c: {  	_ =	shalt  }
0x6d: {  	_ =	shalt  }
0x6e: {  	_ =	shalt  }
0x6f: {  	_ =	shalt  }
0x70: {  	_ =	shalt  }
0x71: {  	_ =	shalt  }
0x72: {  	_ =	shalt  }
0x73: {  	_ =	shalt  }
0x74: {  	_ =	shalt  }
0x75: {  	_ =	shalt  }
0x76: {  	_ =	shalt  }
0x77: {  	_ =	shalt  }
0x78: {  	_ =	shalt  }
0x79: {  	_ =	shalt  }
0x7a: {  	_ =	shalt  }
0x7b: {  	_ =	shalt  }
0x7c: {  	_ =	shalt  }
0x7d: {  	_ =	shalt  }
0x7e: {  	_ =	shalt  }
0x7f: {  	_ =	shalt  }
0x80: {  	_ =	shalt  }
0x81: {  	_ =	shalt  }
0x82: {  	_ =	shalt  }
0x83: {  	_ =	shalt  }
0x84: {  	_ =	shalt  }
0x85: {  	_ =	shalt  }
0x86: {  	_ =	shalt  }
0x87: {  	_ =	shalt  }
.Lfunc_end0:
.L_simem_size_0:
called_computation_lowered:
.L_overlay_start_0:
0x88: {  	s2 =	sld [smem:$0x3FD9]  }
0x89: {  	s3 =	sld [smem:$0x3FFE];
	_ =	sdelay $0x1  }
0x8a: {  	s1 =	srdreg.scid  }
0x8b: {  	s0 =	sand.u32 $0x1, s1  }
0x8c: {  	s18 =	sshll.u32 s0, $0xA;
	s2 =	sadd.s32 s3, s2  }
0x8d: {  	s2 =	sadd.s32 s2, s18  }
0x8e: {  	[smem:$0x3FC6] =	sst s2  }
0x8f: {  	_ = 	snop  }
0x90: {  	s2 =	sld [smem:$0x3FC9]  }
0x91: {  	s19 =	sld [smem:$0x3FC8]  }
0x92: {  	s4 =	sld [smem:$0x3FD0];
	(tm) =	ssettm $0x1  }
0x93: {  	s5 =	sld [smem:$0x3FFB];
	_ =	sdelay $0x3  }
0x94: {  	_ =	strace s5  }
0x95: {  	s5 =	sld [smem:$0x3FFC];
	_ =	sdelay $0x3  }
0x96: {  	_ =	strace s5  }
0x97: {  	s5 =	sld [smem:$0x3FFD];
	_ =	sdelay $0x3  }
0x98: {  	_ =	strace s5  }
0x99: {  	_ =	strace $0x8FFFFFFF  }
0x9a: {  	s20 =	sld [smem:$0x3FDB];
	_ =	sdelay $0x1  }
0x9b: {  	s6 =	simm.s32 $_scs_section_size  }
0x9c: {  	s7 =	simm.s32 $_size__tile_overlayer_lowered;
	s8 =	simm.s32 $_tile_overlayer_lowered  }
0x9d: {  	s23 =	simm.s32 $0x1BFF;
	s22 =	sshll.u32 s8, $0x1;
	s5 =	sadd.s32 s6, s20  }
0x9e: {  	s9 =	simm.s32 $0x0;
	s21 =	sshll.u32 s7, $0x1;
	s7 =	sadd.s32 s22, s5  }
0x9f: {  	[timem:s9], [sflag:s23] =	dma.local [hbm:s7], s21  }
0xa0: {  	_ =	swait.ge [sflag:s23], s21  }
0xa1: {  	s6 =	ssub.s32 $0x0, s21;
	[sflag:s23] =	ssyncset.done $0x0  }
0xa2: {  	[sflag:s23] =	ssyncadd.s32 s6;
	_ =	sdelay $0x1  }
0xa3: {  	s24 =	simm.s32 $0x1B8B  }
0xa4: {  	_ =	swait.ge [sflag:s24], $0x1  }
0xa5: {  	[sflag:s24] =	ssyncset.done $0x0  }
0xa6: {  	s25 =	simm.s32 $0x1B8E;
	[sflag:s24] =	ssyncadd.s32 $0xFFFFFFFF  }
0xa7: {  	s26 =	simm.s32 $execute0_lowered;
	[smem:$0x3FD2] =	sst s25  }
0xa8: {  	s6 =	sshll.u32 s26, $0x1;
	_ =	strace $0x80000046;
	[dreg:$0x1] =	wrdreg $0xFFFFFFFF  }
0xa9: {  	s28 =	simm.s32 $_size_execute0_lowered;
	s5 =	sadd.s32 s5, s6;
	[dreg:$0x0] =	wrdreg $0x0  }
0xaa: {  	s6 =	sshll.u32 s28, $0x1;
	[dreg:$0x2] =	wrdreg s5  }
0xab: {  	[dreg:$0x3] =	wrdreg s6  }
0xac: {  	[dreg:$0x4] =	wrdreg $0xC0  }
0xad: {  	_ =	task [dreg:s9], $0x5FFFF  }
0xae: {  	[dreg:$0x1] =	wrdreg $0xFFFFFFFF  }
0xaf: {  	[dreg:$0x0] =	wrdreg $0x60  }
0xb0: {  	[dreg:$0x2] =	wrdreg s2  }
0xb1: {  	[dreg:$0x3] =	wrdreg s19  }
0xb2: {  	[dreg:$0x4] =	wrdreg s4  }
0xb3: {  	[dreg:$0x5] =	wrdreg $0x9  }
0xb4: {  	_ =	task.clear_ibuf [dreg:s9], $0x6FFFF;
	_ =	strace $0x90000046  }
0xb5: {  	s29 =	simm.s32 $0x9;
	_ =	strace $0x80000048  }
0xb6: {  	_ =	swait.ge [sflag:s29], $0x1  }
0xb7: {  	[sflag:s29] =	ssyncadd.s32 $0xFFFFFFFF  }
0xb8: {  	_ =	strace $0x90000048  }
0xb9: {  	_ =	sfence  }
0xba: {  	s30 =	sld [smem:$0x0];
	_ =	sdelay $0x2  }
0xbb: {  	s31 =	sshll.u32 s1, $0xD;
	s1 =	sshrl.u32 s1, $0x2  }
0xbc: {  	s3 =	sand.u32 $0x4000, s31;
	s1 =	sadd.s32 s1, s30  }
0xbd: {  	s0 =	sor.u32 s3, s0;
	s1 =	sshll.u32 s1, $0x11  }
0xbe: {  	s0 =	sor.u32 s1, s0  }
0xbf: {  	s0 =	sadd.s32 $0x8F2B, s0  }
0xc0: {  	[sflag:s0] =	ssyncadd.remote.s32 $0x1  }
0xc1: {  	_ =	sfence.sel $0xFFFF  }
0xc2: {  	[dreg:$0x0] =	wrdreg $0xFFFFFFFF;
	(pc) =	sbr.abs _section_cstart, $3  }
0xc3: {  	[dreg:$0x1] =	wrdreg $0xFFFFFFFF  }
0xc4: {  	_ =	task.clear_ibuf [dreg:s9], $0x2FFFF;
	_ =	strace $0x9FFFFFFF  }
0xc5: {  	(tm) =	ssettm $0x7FFFFFFF  }
tec
execute0_lowered:
.L_overlay_start_1:
0x0: {  	(tag) =	ssettag $0x1  }
0x1: {  	s0 =	rddreg [dreg:$0x0]  }
0x2: {  	s2 =	rddreg [dreg:$0x1]  }
0x3: {  	s9 =	rddreg [dreg:$0x2];
	s1 =	srdreg.scid  }
0x4: {  	s8 =	stileid.u32;
	s4 =	simm.s32 $0x0;
	s1 =	sand.u32 $0x1, s1  }
0x5: {  	s3 =	sshll.u32 s8, $0x8;
	[smem:$0x7FF] =	sst s4;
	s31 =	sshll.u32 s8, $0xF  }
0x6: {  	s5 =	sshll.u32 s1, $0x7;
	_ =	strace $0x80000047;
	s26 =	ssub.s32 $0x2, s1  }
0x7: {  	s1 =	sshll.u32 s1, $0xE;
	s3 =	sor.u32 s5, s3;
	s7 =	sshrl.u32 s26, $0x1  }
0x8: {  	s1 =	sor.u32 s1, s31;
	s6 =	sshll.u32 s3, $0x4;
	s10 =	sadd.s32 s0, s3  }
0x9: {  	s3 =	ssub.s32 s26, s7;
	s12 =	sor.u32 $0x200000, s1;
	s14 =	sor.u32 $0x182000, s1  }
0xa: {  	s16 =	sor.u32 $0x180000, s1;
	[dreg:$0xe] =	wrdreg s10;
	s28 =	sadd.s32 $0x1000, s10  }
0xb: {  	s18 =	sor.u32 $0x102000, s1;
	s13 =	sshrl.u32 s12, $0x3;
	[dreg:$0xf] =	wrdreg s28  }
0xc: {  	s20 =	sor.u32 $0x100000, s1;
	s15 =	sshrl.u32 s14, $0x3;
	[dreg:$0x5] =	wrdreg s13  }
0xd: {  	s22 =	sor.u32 $0x82000, s1;
	s17 =	sshrl.u32 s16, $0x3;
	[dreg:$0x6] =	wrdreg s15  }
0xe: {  	s24 =	sor.u32 $0x80000, s1;
	s19 =	sshrl.u32 s18, $0x3;
	[dreg:$0x7] =	wrdreg s17  }
0xf: {  	s26 =	sor.u32 $0x2000, s1;
	s21 =	sshrl.u32 s20, $0x3;
	[dreg:$0x8] =	wrdreg s19  }
0x10: {  	s0 =	sadd.s32 s6, s9;
	s23 =	sshrl.u32 s22, $0x3;
	[dreg:$0x9] =	wrdreg s21  }
0x11: {  	s10 =	sor.u32 $0x202000, s1;
	s25 =	sshrl.u32 s24, $0x3;
	[dreg:$0xa] =	wrdreg s23  }
0x12: {  	s1 =	sshrl.u32 s1, $0x3;
	s31 =	smax.u32 s3, $0x1;
	[dreg:$0xb] =	wrdreg s25  }
0x13: {  	s22 =	simm.s32 $0x40;
	s12 =	simm.s32 $0x8;
	[dreg:$0x1a] =	wrdreg s31  }
0x14: {  	s14 =	simm.s32 $0xB;
	s29 =	sadd.s32 $0x2D0000, s0;
	[dreg:$0xd] =	wrdreg s1  }
0x15: {  	s16 =	simm.s32 $0xD;
	s30 =	sadd.s32 $0x2D0400, s0;
	[dreg:$0x10] =	wrdreg s29  }
0x16: {  	s18 =	simm.s32 $0xF;
	s6 =	sadd.s32 $0x2E0000, s0;
	[dreg:$0x11] =	wrdreg s30  }
0x17: {  	s3 =	simm.s32 $0x12;
	s7 =	sadd.s32 $0x2E0400, s0;
	[dreg:$0x12] =	wrdreg s6  }
0x18: {  	s24 =	simm.s32 $0x14;
	s8 =	sadd.s32 $0x2F0000, s0;
	[dreg:$0x13] =	wrdreg s7  }
0x19: {  	s9 =	sadd.s32 $0x2F0400, s0;
	s11 =	sadd.s32 $0x300000, s0;
	[dreg:$0x14] =	wrdreg s8  }
0x1a: {  	s5 =	sshrl.u32 s10, $0x3;
	s28 =	sadd.s32 $0x300400, s0;
	[dreg:$0x15] =	wrdreg s9  }
0x1b: {  	s13 =	simm.s32 $0x9;
	s15 =	simm.s32 $0xC;
	[dreg:$0x16] =	wrdreg s11  }
0x1c: {  	s17 =	simm.s32 $0xE;
	s21 =	simm.s32 $0x10;
	[dreg:$0x4] =	wrdreg s5  }
0x1d: {  	s23 =	simm.s32 $0x13;
	[dreg:$0x17] =	wrdreg s28;
	s30 =	sadd.s32 $0x310000, s0  }
0x1e: {  	s29 =	sshrl.u32 s26, $0x3;
	s0 =	sadd.s32 $0x310400, s0;
	[dreg:$0x18] =	wrdreg s30  }
0x1f: {  	s11 =	simm.s32 $0x7;
	s5 =	simm.s32 $0xA;
	[dreg:$0xc] =	wrdreg s29  }
0x20: {  	s6 =	simm.s32 $0x11;
	[dreg:$0x19] =	wrdreg s0;
	s0 =	simm.s32 $0x0  }
.LBB2_1:
0x21: {  	[dreg:$0x1b] =	wrdreg s0  }
0x22: {  	s1 =	rddreg [dreg:$0xe];
	s30 =	simm.s32 $0x16  }
0x23: {  	[tilespmem:s4], [sflag:$0x16] =	stream.linear.gather [hbm4b:s1+s4], $0x400, $0x38;
	[tilespmem:$0x15C00] =	vst v63  }
0x24: {  	_ =	swait.ge [sflag:s30], $0x400  }
0x25: {  	s26 =	simm.s32 $0x8000;
	[sflag:s30] =	ssyncset.done $0x0  }
0x26: {  	s29 =	simm.s32 $0x400;
	s0 =	rddreg [dreg:$0xf];
	[sflag:s30] =	ssyncadd.s32 $0xFFFFFC00  }
0x27: {  	[tilespmem:s29], [sflag:$0x15] =	stream.strided.gather [hbm4b:s0+s29], $0x1400, s26, s29, $0x38;
	[tilespmem:$0x15C00] =	vst v63  }
0x28: {  	s8 =	simm.s32 $0x1800;
	s7 =	sadd.s32 $0x5000, s0  }
0x29: {  	[tilespmem:s8], [sflag:$0x15] =	stream.linear.gather [hbm4b:s7+s4], $0x100, $0x38;
	[tilespmem:$0x15C00] =	vst v63  }
0x2a: {  	s20 =	simm.s32 $0x1C00  }
0x2b: {  	[tilespmem:s20], [sflag:$0x1] =	stream.indirect.gather [hbm4b:s2+s22], $0x80, s4, s22, $0xb8;
	[tilespmem:$0x15C00] =	vst v63  }
0x2c: {  	s25 =	simm.s32 $0x3C00  }
0x2d: {  	[tilespmem:s25], [sflag:$0x2] =	stream.indirect.gather [hbm4b:s2+s22], $0x80, s22, s22, $0xb8;
	[tilespmem:$0x15C00] =	vst v63  }
0x2e: {  	s9 =	simm.s32 $0x80;
	s19 =	simm.s32 $0x5C00  }
0x2f: {  	[tilespmem:s19], [sflag:$0x3] =	stream.indirect.gather [hbm4b:s2+s22], $0x80, s9, s22, $0xb8;
	[tilespmem:$0x15C00] =	vst v63  }
0x30: {  	s10 =	simm.s32 $0xC0;
	s28 =	simm.s32 $0x7C00  }
0x31: {  	[tilespmem:s28], [sflag:$0x4] =	stream.indirect.gather [hbm4b:s2+s22], $0x80, s10, s22, $0xb8;
	[tilespmem:$0x15C00] =	vst v63  }
0x32: {  	s26 =	simm.s32 $0x100;
	s0 =	simm.s32 $0x9C00  }
0x33: {  	[tilespmem:s0], [sflag:$0x5] =	stream.indirect.gather [hbm4b:s2+s22], $0x80, s26, s22, $0xb8;
	[tilespmem:$0x15C00] =	vst v63  }
0x34: {  	s30 =	simm.s32 $0x140;
	s7 =	simm.s32 $0xBC00  }
0x35: {  	[tilespmem:s7], [sflag:$0x6] =	stream.indirect.gather [hbm4b:s2+s22], $0x80, s30, s22, $0xb8;
	[tilespmem:$0x15C00] =	vst v63  }
0x36: {  	s29 =	simm.s32 $0xDC00;
	s8 =	simm.s32 $0x180  }
0x37: {  	[tilespmem:s29], [sflag:$0x7] =	stream.indirect.gather [hbm4b:s2+s22], $0x80, s8, s22, $0xb8;
	[tilespmem:$0x15C00] =	vst v63  }
0x38: {  	s9 =	simm.s32 $0x1C0;
	s8 =	simm.s32 $0xFC00  }
0x39: {  	[tilespmem:s8], [sflag:$0x8] =	stream.indirect.gather [hbm4b:s2+s22], $0x80, s9, s22, $0xb8;
	[tilespmem:$0x15C00] =	vst v63  }
0x3a: {  	s10 =	simm.s32 $0x200;
	s9 =	simm.s32 $0x11C00  }
0x3b: {  	[tilespmem:s9], [sflag:$0x9] =	stream.indirect.gather [hbm4b:s2+s22], $0x80, s10, s22, $0xb8;
	[tilespmem:$0x15C00] =	vst v63  }
0x3c: {  	s26 =	simm.s32 $0x240;
	s30 =	simm.s32 $0x15;
	s10 =	simm.s32 $0x13C00  }
0x3d: {  	[tilespmem:s10], [sflag:$0xA] =	stream.indirect.gather [hbm4b:s2+s22], $0x80, s26, s22, $0xb8;
	[tilespmem:$0x15C00] =	vst v63  }
0x3e: {  	_ =	swait.ge [sflag:s30], $0x1500  }
0x3f: {  	[sflag:s30] =	ssyncset.done $0x0  }
0x40: {  	s26 =	simm.s32 $0x1;
	[sflag:s30] =	ssyncadd.s32 $0xFFFFEB00  }
0x41: {  	_ =	swait.ge [sflag:s26], $0x2000  }
0x42: {  	[sflag:s26] =	ssyncset.done $0x0  }
0x43: {  	s30 =	rddreg [dreg:$0xd];
	[sflag:s26] =	ssyncadd.s32 $0xFFFFE000  }
0x44: {  	s1 =	rddreg [dreg:$0x2]  }
0x45: {  	s26 =	sadd.s32 s1, s30;
	s30 =	simm.s32 $0x2  }
0x46: {  	[hbm4b:s26+s4] =	stream.linear.scatter [tilespmem:s20], [sflag:$0xB], $0x2000, $0x38;
	[tilespmem:$0x15C00] =	vst v63  }
0x47: {  	_ =	swait.ge [sflag:s30], $0x2000  }
0x48: {  	s26 =	rddreg [dreg:$0xc];
	[sflag:s30] =	ssyncset.done $0x0  }
0x49: {  	[sflag:s30] =	ssyncadd.s32 $0xFFFFE000;
	s26 =	sadd.s32 s1, s26;
	s30 =	simm.s32 $0x3  }
0x4a: {  	[hbm4b:s26+s4] =	stream.linear.scatter [tilespmem:s25], [sflag:$0xC], $0x2000, $0x38;
	[tilespmem:$0x15C00] =	vst v63  }
0x4b: {  	_ =	swait.ge [sflag:s30], $0x2000  }
0x4c: {  	s26 =	rddreg [dreg:$0xb];
	[sflag:s30] =	ssyncset.done $0x0  }
0x4d: {  	[sflag:s30] =	ssyncadd.s32 $0xFFFFE000;
	s26 =	sadd.s32 s1, s26;
	s30 =	simm.s32 $0x4  }
0x4e: {  	[hbm4b:s26+s4] =	stream.linear.scatter [tilespmem:s19], [sflag:$0xD], $0x2000, $0x38;
	[tilespmem:$0x15C00] =	vst v63  }
0x4f: {  	_ =	swait.ge [sflag:s30], $0x2000  }
0x50: {  	s26 =	rddreg [dreg:$0xa];
	[sflag:s30] =	ssyncset.done $0x0  }
0x51: {  	[sflag:s30] =	ssyncadd.s32 $0xFFFFE000;
	s26 =	sadd.s32 s1, s26;
	s30 =	simm.s32 $0x5  }
0x52: {  	[hbm4b:s26+s4] =	stream.linear.scatter [tilespmem:s28], [sflag:$0xE], $0x2000, $0x38;
	[tilespmem:$0x15C00] =	vst v63  }
0x53: {  	_ =	swait.ge [sflag:s30], $0x2000  }
0x54: {  	s26 =	rddreg [dreg:$0x9];
	[sflag:s30] =	ssyncset.done $0x0  }
0x55: {  	[sflag:s30] =	ssyncadd.s32 $0xFFFFE000;
	s26 =	sadd.s32 s1, s26;
	s30 =	simm.s32 $0x6  }
0x56: {  	[hbm4b:s26+s4] =	stream.linear.scatter [tilespmem:s0], [sflag:$0xF], $0x2000, $0x38;
	[tilespmem:$0x15C00] =	vst v63  }
0x57: {  	_ =	swait.ge [sflag:s30], $0x2000  }
0x58: {  	s26 =	rddreg [dreg:$0x8];
	[sflag:s30] =	ssyncset.done $0x0  }
0x59: {  	[sflag:s30] =	ssyncadd.s32 $0xFFFFE000;
	s26 =	sadd.s32 s1, s26  }
0x5a: {  	[hbm4b:s26+s4] =	stream.linear.scatter [tilespmem:s7], [sflag:$0x10], $0x2000, $0x38;
	[tilespmem:$0x15C00] =	vst v63  }
0x5b: {  	_ =	swait.ge [sflag:s11], $0x2000  }
0x5c: {  	s30 =	rddreg [dreg:$0x7];
	[sflag:s11] =	ssyncset.done $0x0  }
0x5d: {  	[sflag:s11] =	ssyncadd.s32 $0xFFFFE000;
	s26 =	sadd.s32 s1, s30  }
0x5e: {  	[hbm4b:s26+s4] =	stream.linear.scatter [tilespmem:s29], [sflag:$0x11], $0x2000, $0x38;
	[tilespmem:$0x15C00] =	vst v63  }
0x5f: {  	_ =	swait.ge [sflag:s12], $0x2000  }
0x60: {  	s30 =	rddreg [dreg:$0x6];
	[sflag:s12] =	ssyncset.done $0x0  }
0x61: {  	[sflag:s12] =	ssyncadd.s32 $0xFFFFE000;
	s26 =	sadd.s32 s1, s30  }
0x62: {  	[hbm4b:s26+s4] =	stream.linear.scatter [tilespmem:s8], [sflag:$0x12], $0x2000, $0x38;
	[tilespmem:$0x15C00] =	vst v63  }
0x63: {  	_ =	swait.ge [sflag:s13], $0x2000  }
0x64: {  	s30 =	rddreg [dreg:$0x5];
	[sflag:s13] =	ssyncset.done $0x0  }
0x65: {  	[sflag:s13] =	ssyncadd.s32 $0xFFFFE000;
	s26 =	sadd.s32 s1, s30  }
0x66: {  	[hbm4b:s26+s4] =	stream.linear.scatter [tilespmem:s9], [sflag:$0x13], $0x2000, $0x38;
	[tilespmem:$0x15C00] =	vst v63  }
0x67: {  	_ =	swait.ge [sflag:s5], $0x2000  }
0x68: {  	s30 =	rddreg [dreg:$0x4];
	[sflag:s5] =	ssyncset.done $0x0  }
0x69: {  	[sflag:s5] =	ssyncadd.s32 $0xFFFFE000;
	s26 =	sadd.s32 s1, s30  }
0x6a: {  	[hbm4b:s26+s4] =	stream.linear.scatter [tilespmem:s10], [sflag:$0x14], $0x2000, $0x38;
	[tilespmem:$0x15C00] =	vst v63  }
0x6b: {  	_ =	swait.ge [sflag:s14], $0x2000  }
0x6c: {  	[sflag:s14] =	ssyncset.done $0x0  }
0x6d: {  	s10 =	simm.s32 $0x280;
	[sflag:s14] =	ssyncadd.s32 $0xFFFFE000  }
0x6e: {  	[tilespmem:s20], [sflag:$0x1] =	stream.indirect.gather [hbm4b:s2+s22], $0x80, s10, s22, $0xb8;
	[tilespmem:$0x15C00] =	vst v63  }
0x6f: {  	_ =	swait.ge [sflag:s15], $0x2000  }
0x70: {  	[sflag:s15] =	ssyncset.done $0x0  }
0x71: {  	s20 =	simm.s32 $0x2C0;
	[sflag:s15] =	ssyncadd.s32 $0xFFFFE000  }
0x72: {  	[tilespmem:s25], [sflag:$0x2] =	stream.indirect.gather [hbm4b:s2+s22], $0x80, s20, s22, $0xb8;
	[tilespmem:$0x15C00] =	vst v63  }
0x73: {  	_ =	swait.ge [sflag:s16], $0x2000  }
0x74: {  	[sflag:s16] =	ssyncset.done $0x0  }
0x75: {  	s30 =	simm.s32 $0x300;
	[sflag:s16] =	ssyncadd.s32 $0xFFFFE000  }
0x76: {  	[tilespmem:s19], [sflag:$0x3] =	stream.indirect.gather [hbm4b:s2+s22], $0x80, s30, s22, $0xb8;
	[tilespmem:$0x15C00] =	vst v63  }
0x77: {  	_ =	swait.ge [sflag:s17], $0x2000  }
0x78: {  	[sflag:s17] =	ssyncset.done $0x0  }
0x79: {  	s10 =	simm.s32 $0x340;
	[sflag:s17] =	ssyncadd.s32 $0xFFFFE000  }
0x7a: {  	[tilespmem:s28], [sflag:$0x4] =	stream.indirect.gather [hbm4b:s2+s22], $0x80, s10, s22, $0xb8;
	[tilespmem:$0x15C00] =	vst v63  }
0x7b: {  	_ =	swait.ge [sflag:s18], $0x2000  }
0x7c: {  	[sflag:s18] =	ssyncset.done $0x0  }
0x7d: {  	s19 =	simm.s32 $0x380;
	[sflag:s18] =	ssyncadd.s32 $0xFFFFE000  }
0x7e: {  	[tilespmem:s0], [sflag:$0x5] =	stream.indirect.gather [hbm4b:s2+s22], $0x80, s19, s22, $0xb8;
	[tilespmem:$0x15C00] =	vst v63  }
0x7f: {  	_ =	swait.ge [sflag:s21], $0x2000  }
0x80: {  	[sflag:s21] =	ssyncset.done $0x0  }
0x81: {  	s20 =	simm.s32 $0x3C0;
	[sflag:s21] =	ssyncadd.s32 $0xFFFFE000  }
0x82: {  	[tilespmem:s7], [sflag:$0x6] =	stream.indirect.gather [hbm4b:s2+s22], $0x80, s20, s22, $0xb8;
	[tilespmem:$0x15C00] =	vst v63  }
0x83: {  	_ =	swait.ge [sflag:s6], $0x2000  }
0x84: {  	[sflag:s6] =	ssyncset.done $0x0  }
0x85: {  	s25 =	simm.s32 $0x400;
	[sflag:s6] =	ssyncadd.s32 $0xFFFFE000  }
0x86: {  	[tilespmem:s29], [sflag:$0x7] =	stream.indirect.gather [hbm4b:s2+s22], $0x80, s25, s22, $0xb8;
	[tilespmem:$0x15C00] =	vst v63  }
0x87: {  	_ =	swait.ge [sflag:s3], $0x2000  }
0x88: {  	[sflag:s3] =	ssyncset.done $0x0  }
0x89: {  	s28 =	simm.s32 $0x440;
	[sflag:s3] =	ssyncadd.s32 $0xFFFFE000  }
0x8a: {  	[tilespmem:s8], [sflag:$0x8] =	stream.indirect.gather [hbm4b:s2+s22], $0x80, s28, s22, $0xb8;
	[tilespmem:$0x15C00] =	vst v63  }
0x8b: {  	_ =	swait.ge [sflag:s23], $0x2000  }
0x8c: {  	[sflag:s23] =	ssyncset.done $0x0  }
0x8d: {  	s30 =	simm.s32 $0x480;
	[sflag:s23] =	ssyncadd.s32 $0xFFFFE000  }
0x8e: {  	[tilespmem:s9], [sflag:$0x9] =	stream.indirect.gather [hbm4b:s2+s22], $0x80, s30, s22, $0xb8;
	[tilespmem:$0x15C00] =	vst v63  }
0x8f: {  	_ =	swait.ge [sflag:s24], $0x2000  }
0x90: {  	s31 =	simm.s32 $0x4C0;
	[sflag:s24] =	ssyncset.done $0x0  }
0x91: {  	s26 =	simm.s32 $0xA00;
	s29 =	sadd.s32 $0x50000, s1;
	[sflag:s24] =	ssyncadd.s32 $0xFFFFE000  }
.LBB2_2:
0x92: {  	s25 =	simm.s32 $0x13C00;
	s0 =	simm.s32 $0x1  }
0x93: {  	[tilespmem:s25], [sflag:$0xA] =	stream.indirect.gather [hbm4b:s2+s22], $0x80, s31, s22, $0xb8;
	[tilespmem:$0x15C00] =	vst v63  }
0x94: {  	_ =	swait.ge [sflag:s0], $0x2000  }
0x95: {  	s20 =	simm.s32 $0x1C00;
	s1 =	rddreg [dreg:$0xd];
	[sflag:s0] =	ssyncset.done $0x0  }
0x96: {  	s8 =	simm.s32 $0x2;
	[sflag:s0] =	ssyncadd.s32 $0xFFFFE000;
	s1 =	sadd.s32 s29, s1  }
0x97: {  	[hbm4b:s1+s4] =	stream.linear.scatter [tilespmem:s20], [sflag:$0xB], $0x2000, $0x38;
	[tilespmem:$0x15C00] =	vst v63  }
0x98: {  	_ =	swait.ge [sflag:s8], $0x2000  }
0x99: {  	s30 =	simm.s32 $0x3C00;
	s9 =	rddreg [dreg:$0xc];
	[sflag:s8] =	ssyncset.done $0x0  }
0x9a: {  	s10 =	simm.s32 $0x3;
	[sflag:s8] =	ssyncadd.s32 $0xFFFFE000;
	s1 =	sadd.s32 s29, s9  }
0x9b: {  	[hbm4b:s1+s4] =	stream.linear.scatter [tilespmem:s30], [sflag:$0xC], $0x2000, $0x38;
	[tilespmem:$0x15C00] =	vst v63  }
0x9c: {  	_ =	swait.ge [sflag:s10], $0x2000  }
0x9d: {  	s19 =	rddreg [dreg:$0xb];
	[sflag:s10] =	ssyncset.done $0x0  }
0x9e: {  	[sflag:s10] =	ssyncadd.s32 $0xFFFFE000;
	s1 =	sadd.s32 s29, s19;
	s19 =	simm.s32 $0x5C00  }
0x9f: {  	[hbm4b:s1+s4] =	stream.linear.scatter [tilespmem:s19], [sflag:$0xD], $0x2000, $0x38;
	[tilespmem:$0x15C00] =	vst v63  }
0xa0: {  	s1 =	simm.s32 $0x4  }
0xa1: {  	_ =	swait.ge [sflag:s1], $0x2000  }
0xa2: {  	s28 =	simm.s32 $0x7C00;
	s7 =	rddreg [dreg:$0xa];
	[sflag:s1] =	ssyncset.done $0x0  }
0xa3: {  	s8 =	simm.s32 $0x5;
	[sflag:s1] =	ssyncadd.s32 $0xFFFFE000;
	s1 =	sadd.s32 s29, s7  }
0xa4: {  	[hbm4b:s1+s4] =	stream.linear.scatter [tilespmem:s28], [sflag:$0xE], $0x2000, $0x38;
	[tilespmem:$0x15C00] =	vst v63  }
0xa5: {  	_ =	swait.ge [sflag:s8], $0x2000  }
0xa6: {  	s0 =	simm.s32 $0x9C00;
	s9 =	rddreg [dreg:$0x9];
	[sflag:s8] =	ssyncset.done $0x0  }
0xa7: {  	s7 =	simm.s32 $0x6;
	[sflag:s8] =	ssyncadd.s32 $0xFFFFE000;
	s1 =	sadd.s32 s29, s9  }
0xa8: {  	[hbm4b:s1+s4] =	stream.linear.scatter [tilespmem:s0], [sflag:$0xF], $0x2000, $0x38;
	[tilespmem:$0x15C00] =	vst v63  }
0xa9: {  	_ =	swait.ge [sflag:s7], $0x2000  }
0xaa: {  	s10 =	rddreg [dreg:$0x8];
	[sflag:s7] =	ssyncset.done $0x0  }
0xab: {  	[sflag:s7] =	ssyncadd.s32 $0xFFFFE000;
	s1 =	sadd.s32 s29, s10;
	s7 =	simm.s32 $0xBC00  }
0xac: {  	[hbm4b:s1+s4] =	stream.linear.scatter [tilespmem:s7], [sflag:$0x10], $0x2000, $0x38;
	[tilespmem:$0x15C00] =	vst v63  }
0xad: {  	_ =	swait.ge [sflag:s11], $0x2000  }
0xae: {  	s8 =	rddreg [dreg:$0x7];
	[sflag:s11] =	ssyncset.done $0x0  }
0xaf: {  	[sflag:s11] =	ssyncadd.s32 $0xFFFFE000;
	s1 =	sadd.s32 s29, s8;
	s8 =	simm.s32 $0xDC00  }
0xb0: {  	[hbm4b:s1+s4] =	stream.linear.scatter [tilespmem:s8], [sflag:$0x11], $0x2000, $0x38;
	[tilespmem:$0x15C00] =	vst v63  }
0xb1: {  	_ =	swait.ge [sflag:s12], $0x2000  }
0xb2: {  	s9 =	rddreg [dreg:$0x6];
	[sflag:s12] =	ssyncset.done $0x0  }
0xb3: {  	[sflag:s12] =	ssyncadd.s32 $0xFFFFE000;
	s1 =	sadd.s32 s29, s9;
	s9 =	simm.s32 $0xFC00  }
0xb4: {  	[hbm4b:s1+s4] =	stream.linear.scatter [tilespmem:s9], [sflag:$0x12], $0x2000, $0x38;
	[tilespmem:$0x15C00] =	vst v63  }
0xb5: {  	_ =	swait.ge [sflag:s13], $0x2000  }
0xb6: {  	s10 =	rddreg [dreg:$0x5];
	[sflag:s13] =	ssyncset.done $0x0  }
0xb7: {  	[sflag:s13] =	ssyncadd.s32 $0xFFFFE000;
	s1 =	sadd.s32 s29, s10;
	s10 =	simm.s32 $0x11C00  }
0xb8: {  	[hbm4b:s1+s4] =	stream.linear.scatter [tilespmem:s10], [sflag:$0x13], $0x2000, $0x38;
	[tilespmem:$0x15C00] =	vst v63  }
0xb9: {  	_ =	swait.ge [sflag:s5], $0x2000  }
0xba: {  	s1 =	rddreg [dreg:$0x4];
	[sflag:s5] =	ssyncset.done $0x0  }
0xbb: {  	[sflag:s5] =	ssyncadd.s32 $0xFFFFE000;
	s1 =	sadd.s32 s29, s1  }
0xbc: {  	[hbm4b:s1+s4] =	stream.linear.scatter [tilespmem:s25], [sflag:$0x14], $0x2000, $0x38;
	[tilespmem:$0x15C00] =	vst v63  }
0xbd: {  	s31 =	smov.u32 s26;
	_ =	swait.ge [sflag:s14], $0x2000  }
0xbe: {  	s31 =	sshra.s32 s31, $0x2;
	[sflag:s14] =	ssyncset.done $0x0  }
0xbf: {  	s1 =	sadd.s32 $0x280, s31;
	[sflag:s14] =	ssyncadd.s32 $0xFFFFE000  }
0xc0: {  	[tilespmem:s20], [sflag:$0x1] =	stream.indirect.gather [hbm4b:s2+s22], $0x80, s1, s22, $0xb8;
	[tilespmem:$0x15C00] =	vst v63  }
0xc1: {  	_ =	swait.ge [sflag:s15], $0x2000  }
0xc2: {  	[sflag:s15] =	ssyncset.done $0x0  }
0xc3: {  	s1 =	sadd.s32 $0x2C0, s31;
	[sflag:s15] =	ssyncadd.s32 $0xFFFFE000  }
0xc4: {  	[tilespmem:s30], [sflag:$0x2] =	stream.indirect.gather [hbm4b:s2+s22], $0x80, s1, s22, $0xb8;
	[tilespmem:$0x15C00] =	vst v63  }
0xc5: {  	_ =	swait.ge [sflag:s16], $0x2000  }
0xc6: {  	[sflag:s16] =	ssyncset.done $0x0  }
0xc7: {  	s1 =	sadd.s32 $0x300, s31;
	[sflag:s16] =	ssyncadd.s32 $0xFFFFE000  }
0xc8: {  	[tilespmem:s19], [sflag:$0x3] =	stream.indirect.gather [hbm4b:s2+s22], $0x80, s1, s22, $0xb8;
	[tilespmem:$0x15C00] =	vst v63  }
0xc9: {  	_ =	swait.ge [sflag:s17], $0x2000  }
0xca: {  	[sflag:s17] =	ssyncset.done $0x0  }
0xcb: {  	s1 =	sadd.s32 $0x340, s31;
	[sflag:s17] =	ssyncadd.s32 $0xFFFFE000  }
0xcc: {  	[tilespmem:s28], [sflag:$0x4] =	stream.indirect.gather [hbm4b:s2+s22], $0x80, s1, s22, $0xb8;
	[tilespmem:$0x15C00] =	vst v63  }
0xcd: {  	_ =	swait.ge [sflag:s18], $0x2000  }
0xce: {  	[sflag:s18] =	ssyncset.done $0x0  }
0xcf: {  	s1 =	sadd.s32 $0x380, s31;
	[sflag:s18] =	ssyncadd.s32 $0xFFFFE000  }
0xd0: {  	[tilespmem:s0], [sflag:$0x5] =	stream.indirect.gather [hbm4b:s2+s22], $0x80, s1, s22, $0xb8;
	[tilespmem:$0x15C00] =	vst v63  }
0xd1: {  	_ =	swait.ge [sflag:s21], $0x2000  }
0xd2: {  	[sflag:s21] =	ssyncset.done $0x0  }
0xd3: {  	s1 =	sadd.s32 $0x3C0, s31;
	[sflag:s21] =	ssyncadd.s32 $0xFFFFE000  }
0xd4: {  	[tilespmem:s7], [sflag:$0x6] =	stream.indirect.gather [hbm4b:s2+s22], $0x80, s1, s22, $0xb8;
	[tilespmem:$0x15C00] =	vst v63  }
0xd5: {  	_ =	swait.ge [sflag:s6], $0x2000  }
0xd6: {  	[sflag:s6] =	ssyncset.done $0x0  }
0xd7: {  	s1 =	sadd.s32 $0x400, s31;
	[sflag:s6] =	ssyncadd.s32 $0xFFFFE000  }
0xd8: {  	[tilespmem:s8], [sflag:$0x7] =	stream.indirect.gather [hbm4b:s2+s22], $0x80, s1, s22, $0xb8;
	[tilespmem:$0x15C00] =	vst v63  }
0xd9: {  	_ =	swait.ge [sflag:s3], $0x2000  }
0xda: {  	p0 =	sne.s32 s26, $0x5000;
	s26 =	sadd.s32 $0xA00, s26;
	[sflag:s3] =	ssyncset.done $0x0  }
0xdb: {  	s29 =	sadd.s32 $0x50000, s29;
	s1 =	sadd.s32 $0x440, s31;
	[sflag:s3] =	ssyncadd.s32 $0xFFFFE000  }
0xdc: {  	[tilespmem:s9], [sflag:$0x8] =	stream.indirect.gather [hbm4b:s2+s22], $0x80, s1, s22, $0xb8;
	[tilespmem:$0x15C00] =	vst v63  }
0xdd: {  	s25 =	simm.s32 $0x1C00;
	s20 =	simm.s32 $0x3C00;
	_ =	swait.ge [sflag:s23], $0x2000  }
0xde: {  	s30 =	simm.s32 $0x5C00;
	s19 =	simm.s32 $0x7C00;
	[sflag:s23] =	ssyncset.done $0x0  }
.Ltmp0:
0xdf: {  	s1 =	sadd.s32 $0x480, s31;
	[sflag:s23] =	ssyncadd.s32 $0xFFFFE000;
	(pc) =	sbr.rel @p0 .LBB2_2-.Ltmp0, $4  }
0xe0: {  	[tilespmem:s10], [sflag:$0x9] =	stream.indirect.gather [hbm4b:s2+s22], $0x80, s1, s22, $0xb8;
	[tilespmem:$0x15C00] =	vst v63  }
0xe1: {  	s28 =	simm.s32 $0x9C00;
	s0 =	simm.s32 $0xBC00;
	_ =	swait.ge [sflag:s24], $0x2000  }
0xe2: {  	s7 =	simm.s32 $0xDC00;
	s8 =	simm.s32 $0xFC00;
	[sflag:s24] =	ssyncset.done $0x0  }
0xe3: {  	s9 =	simm.s32 $0x11C00;
	s31 =	sadd.s32 $0x4C0, s31;
	[sflag:s24] =	ssyncadd.s32 $0xFFFFE000  }
0xe4: {  	s10 =	simm.s32 $0x13C00;
	s1 =	simm.s32 $0x1  }
0xe5: {  	[tilespmem:s10], [sflag:$0xA] =	stream.indirect.gather [hbm4b:s2+s22], $0x80, s31, s22, $0xb8;
	[tilespmem:$0x15C00] =	vst v63  }
0xe6: {  	_ =	swait.ge [sflag:s1], $0x2000  }
0xe7: {  	[sflag:s1] =	ssyncset.done $0x0  }
0xe8: {  	s29 =	simm.s32 $0x2;
	s26 =	rddreg [dreg:$0x10];
	[sflag:s1] =	ssyncadd.s32 $0xFFFFE000  }
0xe9: {  	[hbm4b:s26+s4] =	stream.linear.scatter [tilespmem:s25], [sflag:$0xB], $0x2000, $0x38;
	[tilespmem:$0x15C00] =	vst v63  }
0xea: {  	_ =	swait.ge [sflag:s29], $0x2000  }
0xeb: {  	[sflag:s29] =	ssyncset.done $0x0  }
0xec: {  	s31 =	rddreg [dreg:$0x11];
	[sflag:s29] =	ssyncadd.s32 $0xFFFFE000  }
0xed: {  	[hbm4b:s31+s4] =	stream.linear.scatter [tilespmem:s20], [sflag:$0xC], $0x2000, $0x38;
	[tilespmem:$0x15C00] =	vst v63  }
0xee: {  	s20 =	simm.s32 $0x3  }
0xef: {  	_ =	swait.ge [sflag:s20], $0x2000  }
0xf0: {  	[sflag:s20] =	ssyncset.done $0x0  }
0xf1: {  	s26 =	simm.s32 $0x4;
	s25 =	rddreg [dreg:$0x12];
	[sflag:s20] =	ssyncadd.s32 $0xFFFFE000  }
0xf2: {  	[hbm4b:s25+s4] =	stream.linear.scatter [tilespmem:s30], [sflag:$0xD], $0x2000, $0x38;
	[tilespmem:$0x15C00] =	vst v63  }
0xf3: {  	_ =	swait.ge [sflag:s26], $0x2000  }
0xf4: {  	[sflag:s26] =	ssyncset.done $0x0  }
0xf5: {  	s30 =	simm.s32 $0x5;
	s29 =	rddreg [dreg:$0x13];
	[sflag:s26] =	ssyncadd.s32 $0xFFFFE000  }
0xf6: {  	[hbm4b:s29+s4] =	stream.linear.scatter [tilespmem:s19], [sflag:$0xE], $0x2000, $0x38;
	[tilespmem:$0x15C00] =	vst v63  }
0xf7: {  	_ =	swait.ge [sflag:s30], $0x2000  }
0xf8: {  	[sflag:s30] =	ssyncset.done $0x0  }
0xf9: {  	s19 =	simm.s32 $0x6;
	s31 =	rddreg [dreg:$0x14];
	[sflag:s30] =	ssyncadd.s32 $0xFFFFE000  }
0xfa: {  	[hbm4b:s31+s4] =	stream.linear.scatter [tilespmem:s28], [sflag:$0xF], $0x2000, $0x38;
	[tilespmem:$0x15C00] =	vst v63  }
0xfb: {  	_ =	swait.ge [sflag:s19], $0x2000  }
0xfc: {  	[sflag:s19] =	ssyncset.done $0x0  }
0xfd: {  	s20 =	rddreg [dreg:$0x15];
	[sflag:s19] =	ssyncadd.s32 $0xFFFFE000  }
0xfe: {  	[hbm4b:s20+s4] =	stream.linear.scatter [tilespmem:s0], [sflag:$0x10], $0x2000, $0x38;
	[tilespmem:$0x15C00] =	vst v63  }
0xff: {  	_ =	swait.ge [sflag:s11], $0x2000  }
0x100: {  	[sflag:s11] =	ssyncset.done $0x0  }
0x101: {  	s25 =	rddreg [dreg:$0x16];
	[sflag:s11] =	ssyncadd.s32 $0xFFFFE000  }
0x102: {  	[hbm4b:s25+s4] =	stream.linear.scatter [tilespmem:s7], [sflag:$0x11], $0x2000, $0x38;
	[tilespmem:$0x15C00] =	vst v63  }
0x103: {  	_ =	swait.ge [sflag:s12], $0x2000  }
0x104: {  	[sflag:s12] =	ssyncset.done $0x0  }
0x105: {  	s26 =	rddreg [dreg:$0x17];
	[sflag:s12] =	ssyncadd.s32 $0xFFFFE000  }
0x106: {  	[hbm4b:s26+s4] =	stream.linear.scatter [tilespmem:s8], [sflag:$0x12], $0x2000, $0x38;
	[tilespmem:$0x15C00] =	vst v63  }
0x107: {  	_ =	swait.ge [sflag:s13], $0x2000  }
0x108: {  	[sflag:s13] =	ssyncset.done $0x0  }
0x109: {  	s28 =	rddreg [dreg:$0x18];
	[sflag:s13] =	ssyncadd.s32 $0xFFFFE000  }
0x10a: {  	[hbm4b:s28+s4] =	stream.linear.scatter [tilespmem:s9], [sflag:$0x13], $0x2000, $0x38;
	[tilespmem:$0x15C00] =	vst v63  }
0x10b: {  	_ =	swait.ge [sflag:s5], $0x2000  }
0x10c: {  	[sflag:s5] =	ssyncset.done $0x0  }
0x10d: {  	s29 =	rddreg [dreg:$0x19];
	[sflag:s5] =	ssyncadd.s32 $0xFFFFE000  }
0x10e: {  	[hbm4b:s29+s4] =	stream.linear.scatter [tilespmem:s10], [sflag:$0x14], $0x2000, $0x38;
	[tilespmem:$0x15C00] =	vst v63  }
0x10f: {  	_ =	swait.ge [sflag:s14], $0x2000  }
0x110: {  	[sflag:s14] =	ssyncset.done $0x0  }
0x111: {  	[sflag:s14] =	ssyncadd.s32 $0xFFFFE000  }
0x112: {  	_ =	swait.ge [sflag:s15], $0x2000  }
0x113: {  	[sflag:s15] =	ssyncset.done $0x0  }
0x114: {  	[sflag:s15] =	ssyncadd.s32 $0xFFFFE000  }
0x115: {  	_ =	swait.ge [sflag:s16], $0x2000  }
0x116: {  	[sflag:s16] =	ssyncset.done $0x0  }
0x117: {  	[sflag:s16] =	ssyncadd.s32 $0xFFFFE000  }
0x118: {  	_ =	swait.ge [sflag:s17], $0x2000  }
0x119: {  	[sflag:s17] =	ssyncset.done $0x0  }
0x11a: {  	[sflag:s17] =	ssyncadd.s32 $0xFFFFE000  }
0x11b: {  	_ =	swait.ge [sflag:s18], $0x2000  }
0x11c: {  	[sflag:s18] =	ssyncset.done $0x0  }
0x11d: {  	[sflag:s18] =	ssyncadd.s32 $0xFFFFE000  }
0x11e: {  	_ =	swait.ge [sflag:s21], $0x2000  }
0x11f: {  	[sflag:s21] =	ssyncset.done $0x0  }
0x120: {  	[sflag:s21] =	ssyncadd.s32 $0xFFFFE000  }
0x121: {  	_ =	swait.ge [sflag:s6], $0x2000  }
0x122: {  	[sflag:s6] =	ssyncset.done $0x0  }
0x123: {  	[sflag:s6] =	ssyncadd.s32 $0xFFFFE000  }
0x124: {  	_ =	swait.ge [sflag:s3], $0x2000  }
0x125: {  	[sflag:s3] =	ssyncset.done $0x0  }
0x126: {  	[sflag:s3] =	ssyncadd.s32 $0xFFFFE000  }
0x127: {  	_ =	swait.ge [sflag:s23], $0x2000  }
0x128: {  	[sflag:s23] =	ssyncset.done $0x0  }
0x129: {  	[sflag:s23] =	ssyncadd.s32 $0xFFFFE000  }
0x12a: {  	_ =	swait.ge [sflag:s24], $0x2000  }
0x12b: {  	s30 =	rddreg [dreg:$0x1b]  }
0x12c: {  	s31 =	rddreg [dreg:$0x1a];
	s0 =	sadd.s32 $0x1, s30  }
0x12d: {  	p0 =	sne.s32 s0, s31  }
.Ltmp1:
0x12e: {  	_ = 	snop;
	(pc) =	sbr.rel @p0 .LBB2_1-.Ltmp1, $3  }
0x12f: {  	_ =	sdelay $0x1  }
0x130: {  	[sflag:s24] =	ssyncset.done $0x0  }
0x131: {  	[sflag:s24] =	ssyncadd.s32 $0xFFFFE000  }
0x132: {  	_ =	sfence.sel $0x180000  }
0x133: {  	[bflag:$0x0] =	sbarrier.arrive $0xFFFF  }
0x134: {  	_ =	strace $0x90000047  }
0x135: {  	s0 =	stileid.u32;
	[bflag:$0x2] =	sbarrier.arrive $0xFFFF  }
0x136: {  	p0 =	sne.s32 s0, $0x0;
	s0 =	rddreg [dreg:$0x3]  }
0x137: {  	s0 =	sadd.s32 @!p0 $0x100000, s0  }
0x138: {  	[sflag:s0] =	ssyncadd.tile.s32 @!p0 $0x1;
	_ =	shalt  }
.Lfunc_end2:
_tile_overlayer_lowered:
.L_overlay_start_2:
0x139: {  	(tag) =	ssettag $0x2  }
0x13a: {  	s0 =	rddreg [dreg:$0x0];
	s2 =	stileid.u32  }
0x13b: {  	s1 =	rddreg [dreg:$0x1];
	p0 =	sne.s32 s2, $0x0  }
0x13c: {  	s3 =	rddreg [dreg:$0x2];
	[bflag:$0x3] =	sbarrier.arrive $0xFFFF;
	s2 =	simm.s32 @!p0 $0x1C16  }
0x13d: {  	[timem:s3], [sflag:s2] =	dma.local @!p0 [hbm:s0], s1  }
0x13e: {  	s0 =	simm.s32 @!p0 $0x16  }
0x13f: {  	_ =	swait.ge @!p0 [sflag:s0], s1  }
0x140: {  	s1 =	ssub.s32 @!p0 $0x0, s1;
	[sflag:s0] =	ssyncset.done @!p0 $0x0  }
0x141: {  	[sflag:s0] =	ssyncadd.s32 @!p0 s1  }
0x142: {  	[bflag:$0x3] =	sbarrier.arrive $0xFFFF  }
0x143: {  	_ =	shalt  }

</sc_bundles>
